<compile_context>
chip_gen: v7x
topology: tpu7x:2x2x1
jax: 0.10.2.dev20260603
libtpu: 0.0.44.dev20260713+nightly
codegen_flags: <defaults>
</compile_context>

<pallas_src>
import functools

import jax
import jax.numpy as jnp
from jax import lax
from jax.experimental import pallas as pl
from jax.experimental.pallas import tpu as pltpu
from jax.experimental.pallas import tpu_sc as plsc

_VOCAB = 1000000
_EMBED = 64
_BATCH = 16384
_C = 5

_NC = 2
_NS = 16
_NW = _NC * _NS
_BPW = _BATCH // _NW
_CB = 64
_NCHUNK = _BPW // _CB
_PW = 128


def _dots_kernel(tt_hbm, ct_hbm, tgt_hbm, ctx_hbm, out_hbm,
                 idx_t, idx_c, rows_t, rows_c, out_v, sem):
    wid = lax.axis_index("s") * _NC + lax.axis_index("c")
    base = wid * _BPW

    def chunk_body(ch, _):
        b0 = base + ch * _CB
        pltpu.sync_copy(tgt_hbm.at[pl.ds(b0, _CB)], idx_t)
        pltpu.sync_copy(ctx_hbm.at[pl.ds(b0 * _C, _CB * _C)], idx_c)

        copies = [pltpu.async_copy(tt_hbm.at[idx_t.at[...]], rows_t, sem)]
        for j in range(_C):
            copies.append(pltpu.async_copy(
                ct_hbm.at[idx_c.at[pl.ds(j * _CB, _CB)]],
                rows_c.at[pl.ds(j * _CB, _CB)], sem))
        for cp in copies:
            cp.wait()

        def bg_body(bg, _):
            bvec = lax.iota(jnp.int32, 16) + bg * 16
            crow = [bvec * _C + c for c in range(_C)]
            zc = jnp.zeros((16,), jnp.int32)
            acc = [jnp.zeros((16,), jnp.float32) for _ in range(_C)]
            for e in range(_EMBED):
                wv = plsc.load_gather(rows_t, [bvec, zc + e])
                for c in range(_C):
                    cv = plsc.load_gather(rows_c, [crow[c], zc + e])
                    acc[c] = acc[c] + wv * cv
            for c in range(_C):
                plsc.store_scatter(out_v, [crow[c]], acc[c])
            return _

        lax.fori_loop(0, _CB // 16, bg_body, None)

        pltpu.sync_copy(out_v, out_hbm.at[pl.ds(b0 * _C, _CB * _C)])
        return _

    lax.fori_loop(0, _NCHUNK, chunk_body, None)


@jax.jit
def _run(target, context, target_table, context_table):
    mesh = plsc.VectorSubcoreMesh(core_axis_name="c", subcore_axis_name="s",
                                  num_cores=_NC, num_subcores=_NS)
    k = functools.partial(
        pl.kernel,
        out_type=jax.ShapeDtypeStruct((_BATCH * _C,), jnp.float32),
        mesh=mesh,
        compiler_params=pltpu.CompilerParams(needs_layout_passes=False),
        scratch_types=[
            pltpu.VMEM((_CB,), jnp.int32),
            pltpu.VMEM((_CB * _C,), jnp.int32),
            pltpu.VMEM((_CB, _PW), jnp.float32),
            pltpu.VMEM((_CB * _C, _PW), jnp.float32),
            pltpu.VMEM((_CB * _C,), jnp.float32),
            pltpu.SemaphoreType.DMA,
        ],
    )(_dots_kernel)
    tt = jnp.pad(target_table, ((0, 0), (0, _PW - _EMBED)))
    wid_mat = jnp.concatenate(
        [jnp.eye(_EMBED, dtype=jnp.float32),
         jnp.zeros((_EMBED, _PW - _EMBED), jnp.float32)], axis=1)
    ct = jax.lax.dot(context_table, wid_mat,
                     precision=jax.lax.Precision.HIGHEST)
    flat = k(tt, ct, target, context.reshape(-1))
    return flat.reshape(_BATCH, _C)


def kernel(target, context, target_table, context_table):
    if target.ndim == 2:
        target = jnp.squeeze(target, axis=1)
    return _run(target.astype(jnp.int32), context.astype(jnp.int32),
                target_table, context_table)

# --- scband reference (transcript-rebuilt; emitter-appended) ---
"""Pipeline reference for scband-word2-vec-85461259256146 (READ-ONLY COPY).

The authoritative reference and input builder live on the scoring server;
editing this copy changes nothing except your own understanding.
"""

import jax, jax.numpy as jnp
import numpy as np

VOCAB = 1000000
EMBED = 64
BATCH = 16384
NUM_NS = 4

def setup_inputs(seed: int = 0) -> dict:
    key = jax.random.key(seed)
    k1, k2, k3, k4 = jax.random.split(key, 4)
    target = jax.random.randint(k1, (BATCH,), 0, VOCAB, dtype=jnp.int64 if jax.config.jax_enable_x64 else jnp.int32).astype(jnp.int32)
    context = jax.random.randint(k2, (BATCH, NUM_NS + 1), 0, VOCAB, dtype=jnp.int64 if jax.config.jax_enable_x64 else jnp.int32).astype(jnp.int32)
    target_table = jax.random.normal(k3, (VOCAB, EMBED), dtype=jnp.float32) * 0.02
    context_table = jax.random.normal(k4, (VOCAB, EMBED), dtype=jnp.float32) * 0.02
    return {"target": target, "context": context, "target_table": target_table, "context_table": context_table}

def reference(target, context, target_table, context_table):
    # target may come in as [B, 1]; squeeze like the original call()
    if target.ndim == 2:
        target = jnp.squeeze(target, axis=1)
    word_emb = jnp.take(target_table, target, axis=0)        # [B, E]
    context_emb = jnp.take(context_table, context, axis=0)    # [B, C, E]
    dots = jnp.einsum('be,bce->bc', word_emb, context_emb)    # [B, C]
    return dots

if __name__ == "__main__":
    import jax
    _d = setup_inputs()
    print(jax.jit(kernel)(*tuple(_d.values())))

</pallas_src>

<mosaic_0001>
#map = affine_map<(d0, d1) -> (0, 0)>
#map1 = affine_map<(d0, d1) -> (0)>
module attributes {stable_mosaic.version = 14 : i64} {
  func.func @_dots_kernel(%arg0: i32, %arg1: i32, %arg2: memref<1000000x128xf32, #tpu.memory_space<hbm>>, %arg3: memref<1000000x128xf32, #tpu.memory_space<hbm>>, %arg4: memref<16384xi32, #tpu.memory_space<hbm>>, %arg5: memref<81920xi32, #tpu.memory_space<hbm>>, %arg6: memref<81920xf32, #tpu.memory_space<hbm>>, %arg7: memref<64xi32, #tpu.memory_space<vmem>>, %arg8: memref<320xi32, #tpu.memory_space<vmem>>, %arg9: memref<64x128xf32, #tpu.memory_space<vmem>>, %arg10: memref<320x128xf32, #tpu.memory_space<vmem>>, %arg11: memref<320xf32, #tpu.memory_space<vmem>>, %arg12: memref<!tpu.dma_semaphore, #tpu.memory_space<semaphore_mem>>) attributes {dimension_semantics = [#tpu.dimension_semantics<core_parallel>, #tpu.dimension_semantics<subcore_parallel>], iteration_bounds = array<i64: 2, 16>, scalar_prefetch = 0 : i64, scratch_operands = 6 : i64, tpu.core_type = #tpu.core_type<sc_vector_subcore>, window_params = [{transform_indices = #map}, {transform_indices = #map}, {transform_indices = #map1}, {transform_indices = #map1}, {transform_indices = #map1}]} {
    %mul3A = arith.constant 2 : i32
    %mul3A_0 = arith.muli %arg1, %mul3A : i32
    %add3A = arith.addi %mul3A_0, %arg0 : i32
    %mul3A_1 = arith.constant 512 : i32
    %mul3A_2 = arith.muli %add3A, %mul3A_1 : i32
    %scan3A = arith.constant 0 : i32
    %scan3A_3 = arith.constant 8 : i32
    %scan3A_4 = arith.addi %scan3A, %scan3A_3 : i32
    %scan3A_5 = arith.constant 1 : i32
    scf.for %scan3A_7 = %scan3A to %scan3A_4 step %scan3A_5  : i32 {
      %mul3A_8 = arith.constant 64 : i32
      %mul3A_9 = arith.muli %scan3A_7, %mul3A_8 : i32
      %add3A_10 = arith.addi %mul3A_2, %mul3A_9 : i32
      "tpu.region"() ({
        %run_scoped3A = tpu.sem_alloc : memref<!tpu.dma_semaphore, #tpu.memory_space<semaphore_mem>>
        %dma_start3A_108 = tpu.memref_slice %arg4[%add3A_10] : memref<16384xi32, #tpu.memory_space<hbm>> -> memref<64xi32, #tpu.memory_space<hbm>>
        %dma_start3A_109 = tpu.memref_slice %arg4[%add3A_10] : memref<16384xi32, #tpu.memory_space<hbm>> -> memref<64xi32, #tpu.memory_space<hbm>>
        tpu.enqueue_dma source(%dma_start3A_109 : memref<64xi32, #tpu.memory_space<hbm>>) target(%arg7 : memref<64xi32, #tpu.memory_space<vmem>>) target_semaphore(%run_scoped3A : memref<!tpu.dma_semaphore, #tpu.memory_space<semaphore_mem>>)
        %dma_wait3A_110 = tpu.memref_slice %arg4[%add3A_10] : memref<16384xi32, #tpu.memory_space<hbm>> -> memref<64xi32, #tpu.memory_space<hbm>>
        %dma_wait3A_111 = tpu.memref_slice %arg4[%add3A_10] : memref<16384xi32, #tpu.memory_space<hbm>> -> memref<64xi32, #tpu.memory_space<hbm>>
        tpu.wait_dma2 semaphore(%run_scoped3A : memref<!tpu.dma_semaphore, #tpu.memory_space<semaphore_mem>>) src(%dma_wait3A_111 : memref<64xi32, #tpu.memory_space<hbm>>) dst(%arg7 : memref<64xi32, #tpu.memory_space<vmem>>)
        tpu.yield
      }) : () -> ()
      %mul3A_11 = arith.constant 5 : i32
      %mul3A_12 = arith.muli %add3A_10, %mul3A_11 : i32
      "tpu.region"() ({
        %run_scoped3A = tpu.sem_alloc : memref<!tpu.dma_semaphore, #tpu.memory_space<semaphore_mem>>
        %dma_start3A_108 = tpu.memref_slice %arg5[%mul3A_12] : memref<81920xi32, #tpu.memory_space<hbm>> -> memref<320xi32, #tpu.memory_space<hbm>>
        %dma_start3A_109 = tpu.memref_slice %arg5[%mul3A_12] : memref<81920xi32, #tpu.memory_space<hbm>> -> memref<320xi32, #tpu.memory_space<hbm>>
        tpu.enqueue_dma source(%dma_start3A_109 : memref<320xi32, #tpu.memory_space<hbm>>) target(%arg8 : memref<320xi32, #tpu.memory_space<vmem>>) target_semaphore(%run_scoped3A : memref<!tpu.dma_semaphore, #tpu.memory_space<semaphore_mem>>)
        %dma_wait3A_110 = tpu.memref_slice %arg5[%mul3A_12] : memref<81920xi32, #tpu.memory_space<hbm>> -> memref<320xi32, #tpu.memory_space<hbm>>
        %dma_wait3A_111 = tpu.memref_slice %arg5[%mul3A_12] : memref<81920xi32, #tpu.memory_space<hbm>> -> memref<320xi32, #tpu.memory_space<hbm>>
        tpu.wait_dma2 semaphore(%run_scoped3A : memref<!tpu.dma_semaphore, #tpu.memory_space<semaphore_mem>>) src(%dma_wait3A_111 : memref<320xi32, #tpu.memory_space<hbm>>) dst(%arg8 : memref<320xi32, #tpu.memory_space<vmem>>)
        tpu.yield
      }) : () -> ()
      %dma_start3A = arith.constant 0 : i32
      %dma_start3A_13 = tpu.memref_slice %arg7[%dma_start3A] : memref<64xi32, #tpu.memory_space<vmem>> -> memref<64xi32, #tpu.memory_space<vmem>>
      %dma_start3A_14 = arith.constant 0 : i32
      %dma_start3A_15 = arith.constant 0 : i32
      %dma_start3A_16 = tpu.memref_slice %arg2[%dma_start3A_14, %dma_start3A_15] : memref<1000000x128xf32, #tpu.memory_space<hbm>> -> memref<1000000x128xf32, #tpu.memory_space<hbm>>
      tpu.enqueue_indirect_dma source(%dma_start3A_16 : memref<1000000x128xf32, #tpu.memory_space<hbm>>) target(%arg9 : memref<64x128xf32, #tpu.memory_space<vmem>>) offsets(%dma_start3A_13 : memref<64xi32, #tpu.memory_space<vmem>>) semaphore(%arg12 : memref<!tpu.dma_semaphore, #tpu.memory_space<semaphore_mem>>)
      %dma_start3A_17 = arith.constant 0 : i32
      %dma_start3A_18 = arith.constant 0 : i32
      %dma_start3A_19 = tpu.memref_slice %arg10[%dma_start3A_17, %dma_start3A_18] : memref<320x128xf32, #tpu.memory_space<vmem>> -> memref<64x128xf32, #tpu.memory_space<vmem>>
      %dma_start3A_20 = arith.constant 0 : i32
      %dma_start3A_21 = tpu.memref_slice %arg8[%dma_start3A_20] : memref<320xi32, #tpu.memory_space<vmem>> -> memref<64xi32, #tpu.memory_space<vmem>>
      %dma_start3A_22 = arith.constant 0 : i32
      %dma_start3A_23 = arith.constant 0 : i32
      %dma_start3A_24 = tpu.memref_slice %arg3[%dma_start3A_22, %dma_start3A_23] : memref<1000000x128xf32, #tpu.memory_space<hbm>> -> memref<1000000x128xf32, #tpu.memory_space<hbm>>
      tpu.enqueue_indirect_dma source(%dma_start3A_24 : memref<1000000x128xf32, #tpu.memory_space<hbm>>) target(%dma_start3A_19 : memref<64x128xf32, #tpu.memory_space<vmem>>) offsets(%dma_start3A_21 : memref<64xi32, #tpu.memory_space<vmem>>) semaphore(%arg12 : memref<!tpu.dma_semaphore, #tpu.memory_space<semaphore_mem>>)
      %dma_start3A_25 = arith.constant 64 : i32
      %dma_start3A_26 = arith.constant 0 : i32
      %dma_start3A_27 = tpu.memref_slice %arg10[%dma_start3A_25, %dma_start3A_26] : memref<320x128xf32, #tpu.memory_space<vmem>> -> memref<64x128xf32, #tpu.memory_space<vmem>>
      %dma_start3A_28 = arith.constant 64 : i32
      %dma_start3A_29 = tpu.memref_slice %arg8[%dma_start3A_28] : memref<320xi32, #tpu.memory_space<vmem>> -> memref<64xi32, #tpu.memory_space<vmem>>
      %dma_start3A_30 = arith.constant 0 : i32
      %dma_start3A_31 = arith.constant 0 : i32
      %dma_start3A_32 = tpu.memref_slice %arg3[%dma_start3A_30, %dma_start3A_31] : memref<1000000x128xf32, #tpu.memory_space<hbm>> -> memref<1000000x128xf32, #tpu.memory_space<hbm>>
      tpu.enqueue_indirect_dma source(%dma_start3A_32 : memref<1000000x128xf32, #tpu.memory_space<hbm>>) target(%dma_start3A_27 : memref<64x128xf32, #tpu.memory_space<vmem>>) offsets(%dma_start3A_29 : memref<64xi32, #tpu.memory_space<vmem>>) semaphore(%arg12 : memref<!tpu.dma_semaphore, #tpu.memory_space<semaphore_mem>>)
      %dma_start3A_33 = arith.constant 128 : i32
      %dma_start3A_34 = arith.constant 0 : i32
      %dma_start3A_35 = tpu.memref_slice %arg10[%dma_start3A_33, %dma_start3A_34] : memref<320x128xf32, #tpu.memory_space<vmem>> -> memref<64x128xf32, #tpu.memory_space<vmem>>
      %dma_start3A_36 = arith.constant 128 : i32
      %dma_start3A_37 = tpu.memref_slice %arg8[%dma_start3A_36] : memref<320xi32, #tpu.memory_space<vmem>> -> memref<64xi32, #tpu.memory_space<vmem>>
      %dma_start3A_38 = arith.constant 0 : i32
      %dma_start3A_39 = arith.constant 0 : i32
      %dma_start3A_40 = tpu.memref_slice %arg3[%dma_start3A_38, %dma_start3A_39] : memref<1000000x128xf32, #tpu.memory_space<hbm>> -> memref<1000000x128xf32, #tpu.memory_space<hbm>>
      tpu.enqueue_indirect_dma source(%dma_start3A_40 : memref<1000000x128xf32, #tpu.memory_space<hbm>>) target(%dma_start3A_35 : memref<64x128xf32, #tpu.memory_space<vmem>>) offsets(%dma_start3A_37 : memref<64xi32, #tpu.memory_space<vmem>>) semaphore(%arg12 : memref<!tpu.dma_semaphore, #tpu.memory_space<semaphore_mem>>)
      %dma_start3A_41 = arith.constant 192 : i32
      %dma_start3A_42 = arith.constant 0 : i32
      %dma_start3A_43 = tpu.memref_slice %arg10[%dma_start3A_41, %dma_start3A_42] : memref<320x128xf32, #tpu.memory_space<vmem>> -> memref<64x128xf32, #tpu.memory_space<vmem>>
      %dma_start3A_44 = arith.constant 192 : i32
      %dma_start3A_45 = tpu.memref_slice %arg8[%dma_start3A_44] : memref<320xi32, #tpu.memory_space<vmem>> -> memref<64xi32, #tpu.memory_space<vmem>>
      %dma_start3A_46 = arith.constant 0 : i32
      %dma_start3A_47 = arith.constant 0 : i32
      %dma_start3A_48 = tpu.memref_slice %arg3[%dma_start3A_46, %dma_start3A_47] : memref<1000000x128xf32, #tpu.memory_space<hbm>> -> memref<1000000x128xf32, #tpu.memory_space<hbm>>
      tpu.enqueue_indirect_dma source(%dma_start3A_48 : memref<1000000x128xf32, #tpu.memory_space<hbm>>) target(%dma_start3A_43 : memref<64x128xf32, #tpu.memory_space<vmem>>) offsets(%dma_start3A_45 : memref<64xi32, #tpu.memory_space<vmem>>) semaphore(%arg12 : memref<!tpu.dma_semaphore, #tpu.memory_space<semaphore_mem>>)
      %dma_start3A_49 = arith.constant 256 : i32
      %dma_start3A_50 = arith.constant 0 : i32
      %dma_start3A_51 = tpu.memref_slice %arg10[%dma_start3A_49, %dma_start3A_50] : memref<320x128xf32, #tpu.memory_space<vmem>> -> memref<64x128xf32, #tpu.memory_space<vmem>>
      %dma_start3A_52 = arith.constant 256 : i32
      %dma_start3A_53 = tpu.memref_slice %arg8[%dma_start3A_52] : memref<320xi32, #tpu.memory_space<vmem>> -> memref<64xi32, #tpu.memory_space<vmem>>
      %dma_start3A_54 = arith.constant 0 : i32
      %dma_start3A_55 = arith.constant 0 : i32
      %dma_start3A_56 = tpu.memref_slice %arg3[%dma_start3A_54, %dma_start3A_55] : memref<1000000x128xf32, #tpu.memory_space<hbm>> -> memref<1000000x128xf32, #tpu.memory_space<hbm>>
      tpu.enqueue_indirect_dma source(%dma_start3A_56 : memref<1000000x128xf32, #tpu.memory_space<hbm>>) target(%dma_start3A_51 : memref<64x128xf32, #tpu.memory_space<vmem>>) offsets(%dma_start3A_53 : memref<64xi32, #tpu.memory_space<vmem>>) semaphore(%arg12 : memref<!tpu.dma_semaphore, #tpu.memory_space<semaphore_mem>>)
      %dma_wait3A = arith.constant 0 : i32
      %dma_wait3A_57 = tpu.memref_slice %arg7[%dma_wait3A] : memref<64xi32, #tpu.memory_space<vmem>> -> memref<64xi32, #tpu.memory_space<vmem>>
      %dma_wait3A_58 = arith.constant 0 : i32
      %dma_wait3A_59 = arith.constant 0 : i32
      %dma_wait3A_60 = tpu.memref_slice %arg2[%dma_wait3A_58, %dma_wait3A_59] : memref<1000000x128xf32, #tpu.memory_space<hbm>> -> memref<1000000x128xf32, #tpu.memory_space<hbm>>
      tpu.wait_indirect_dma semaphore(%arg12 : memref<!tpu.dma_semaphore, #tpu.memory_space<semaphore_mem>>) src(%dma_wait3A_60 : memref<1000000x128xf32, #tpu.memory_space<hbm>>) dst(%arg9 : memref<64x128xf32, #tpu.memory_space<vmem>>)
      %dma_wait3A_61 = arith.constant 0 : i32
      %dma_wait3A_62 = arith.constant 0 : i32
      %dma_wait3A_63 = tpu.memref_slice %arg10[%dma_wait3A_61, %dma_wait3A_62] : memref<320x128xf32, #tpu.memory_space<vmem>> -> memref<64x128xf32, #tpu.memory_space<vmem>>
      %dma_wait3A_64 = arith.constant 0 : i32
      %dma_wait3A_65 = tpu.memref_slice %arg8[%dma_wait3A_64] : memref<320xi32, #tpu.memory_space<vmem>> -> memref<64xi32, #tpu.memory_space<vmem>>
      %dma_wait3A_66 = arith.constant 0 : i32
      %dma_wait3A_67 = arith.constant 0 : i32
      %dma_wait3A_68 = tpu.memref_slice %arg3[%dma_wait3A_66, %dma_wait3A_67] : memref<1000000x128xf32, #tpu.memory_space<hbm>> -> memref<1000000x128xf32, #tpu.memory_space<hbm>>
      tpu.wait_indirect_dma semaphore(%arg12 : memref<!tpu.dma_semaphore, #tpu.memory_space<semaphore_mem>>) src(%dma_wait3A_68 : memref<1000000x128xf32, #tpu.memory_space<hbm>>) dst(%dma_wait3A_63 : memref<64x128xf32, #tpu.memory_space<vmem>>)
      %dma_wait3A_69 = arith.constant 64 : i32
      %dma_wait3A_70 = arith.constant 0 : i32
      %dma_wait3A_71 = tpu.memref_slice %arg10[%dma_wait3A_69, %dma_wait3A_70] : memref<320x128xf32, #tpu.memory_space<vmem>> -> memref<64x128xf32, #tpu.memory_space<vmem>>
      %dma_wait3A_72 = arith.constant 64 : i32
      %dma_wait3A_73 = tpu.memref_slice %arg8[%dma_wait3A_72] : memref<320xi32, #tpu.memory_space<vmem>> -> memref<64xi32, #tpu.memory_space<vmem>>
      %dma_wait3A_74 = arith.constant 0 : i32
      %dma_wait3A_75 = arith.constant 0 : i32
      %dma_wait3A_76 = tpu.memref_slice %arg3[%dma_wait3A_74, %dma_wait3A_75] : memref<1000000x128xf32, #tpu.memory_space<hbm>> -> memref<1000000x128xf32, #tpu.memory_space<hbm>>
      tpu.wait_indirect_dma semaphore(%arg12 : memref<!tpu.dma_semaphore, #tpu.memory_space<semaphore_mem>>) src(%dma_wait3A_76 : memref<1000000x128xf32, #tpu.memory_space<hbm>>) dst(%dma_wait3A_71 : memref<64x128xf32, #tpu.memory_space<vmem>>)
      %dma_wait3A_77 = arith.constant 128 : i32
      %dma_wait3A_78 = arith.constant 0 : i32
      %dma_wait3A_79 = tpu.memref_slice %arg10[%dma_wait3A_77, %dma_wait3A_78] : memref<320x128xf32, #tpu.memory_space<vmem>> -> memref<64x128xf32, #tpu.memory_space<vmem>>
      %dma_wait3A_80 = arith.constant 128 : i32
      %dma_wait3A_81 = tpu.memref_slice %arg8[%dma_wait3A_80] : memref<320xi32, #tpu.memory_space<vmem>> -> memref<64xi32, #tpu.memory_space<vmem>>
      %dma_wait3A_82 = arith.constant 0 : i32
      %dma_wait3A_83 = arith.constant 0 : i32
      %dma_wait3A_84 = tpu.memref_slice %arg3[%dma_wait3A_82, %dma_wait3A_83] : memref<1000000x128xf32, #tpu.memory_space<hbm>> -> memref<1000000x128xf32, #tpu.memory_space<hbm>>
      tpu.wait_indirect_dma semaphore(%arg12 : memref<!tpu.dma_semaphore, #tpu.memory_space<semaphore_mem>>) src(%dma_wait3A_84 : memref<1000000x128xf32, #tpu.memory_space<hbm>>) dst(%dma_wait3A_79 : memref<64x128xf32, #tpu.memory_space<vmem>>)
      %dma_wait3A_85 = arith.constant 192 : i32
      %dma_wait3A_86 = arith.constant 0 : i32
      %dma_wait3A_87 = tpu.memref_slice %arg10[%dma_wait3A_85, %dma_wait3A_86] : memref<320x128xf32, #tpu.memory_space<vmem>> -> memref<64x128xf32, #tpu.memory_space<vmem>>
      %dma_wait3A_88 = arith.constant 192 : i32
      %dma_wait3A_89 = tpu.memref_slice %arg8[%dma_wait3A_88] : memref<320xi32, #tpu.memory_space<vmem>> -> memref<64xi32, #tpu.memory_space<vmem>>
      %dma_wait3A_90 = arith.constant 0 : i32
      %dma_wait3A_91 = arith.constant 0 : i32
      %dma_wait3A_92 = tpu.memref_slice %arg3[%dma_wait3A_90, %dma_wait3A_91] : memref<1000000x128xf32, #tpu.memory_space<hbm>> -> memref<1000000x128xf32, #tpu.memory_space<hbm>>
      tpu.wait_indirect_dma semaphore(%arg12 : memref<!tpu.dma_semaphore, #tpu.memory_space<semaphore_mem>>) src(%dma_wait3A_92 : memref<1000000x128xf32, #tpu.memory_space<hbm>>) dst(%dma_wait3A_87 : memref<64x128xf32, #tpu.memory_space<vmem>>)
      %dma_wait3A_93 = arith.constant 256 : i32
      %dma_wait3A_94 = arith.constant 0 : i32
      %dma_wait3A_95 = tpu.memref_slice %arg10[%dma_wait3A_93, %dma_wait3A_94] : memref<320x128xf32, #tpu.memory_space<vmem>> -> memref<64x128xf32, #tpu.memory_space<vmem>>
      %dma_wait3A_96 = arith.constant 256 : i32
      %dma_wait3A_97 = tpu.memref_slice %arg8[%dma_wait3A_96] : memref<320xi32, #tpu.memory_space<vmem>> -> memref<64xi32, #tpu.memory_space<vmem>>
      %dma_wait3A_98 = arith.constant 0 : i32
      %dma_wait3A_99 = arith.constant 0 : i32
      %dma_wait3A_100 = tpu.memref_slice %arg3[%dma_wait3A_98, %dma_wait3A_99] : memref<1000000x128xf32, #tpu.memory_space<hbm>> -> memref<1000000x128xf32, #tpu.memory_space<hbm>>
      tpu.wait_indirect_dma semaphore(%arg12 : memref<!tpu.dma_semaphore, #tpu.memory_space<semaphore_mem>>) src(%dma_wait3A_100 : memref<1000000x128xf32, #tpu.memory_space<hbm>>) dst(%dma_wait3A_95 : memref<64x128xf32, #tpu.memory_space<vmem>>)
      %scan3A_101 = arith.constant 0 : i32
      %scan3A_102 = arith.constant 4 : i32
      %scan3A_103 = arith.addi %scan3A_101, %scan3A_102 : i32
      %scan3A_104 = arith.constant 1 : i32
      scf.for %scan3A_108 = %scan3A_101 to %scan3A_103 step %scan3A_104  : i32 {
        %iota3A = tpu.iota {dimensions = array<i32: 0>} : vector<16xi32>
        %mul3A_109 = arith.constant 16 : i32
        %mul3A_110 = arith.muli %scan3A_108, %mul3A_109 : i32
        %add3A_111 = vector.broadcast %mul3A_110 : i32 to vector<16xi32>
        %add3A_112 = arith.addi %iota3A, %add3A_111 : vector<16xi32>
        %mul3A_113 = arith.constant 5 : i32
        %mul3A_114 = vector.broadcast %mul3A_113 : i32 to vector<16xi32>
        %mul3A_115 = arith.muli %add3A_112, %mul3A_114 : vector<16xi32>
        %add3A_116 = arith.constant 0 : i32
        %add3A_117 = vector.broadcast %add3A_116 : i32 to vector<16xi32>
        %add3A_118 = arith.addi %mul3A_115, %add3A_117 : vector<16xi32>
        %mul3A_119 = arith.constant 5 : i32
        %mul3A_120 = vector.broadcast %mul3A_119 : i32 to vector<16xi32>
        %mul3A_121 = arith.muli %add3A_112, %mul3A_120 : vector<16xi32>
        %add3A_122 = arith.constant 1 : i32
        %add3A_123 = vector.broadcast %add3A_122 : i32 to vector<16xi32>
        %add3A_124 = arith.addi %mul3A_121, %add3A_123 : vector<16xi32>
        %mul3A_125 = arith.constant 5 : i32
        %mul3A_126 = vector.broadcast %mul3A_125 : i32 to vector<16xi32>
        %mul3A_127 = arith.muli %add3A_112, %mul3A_126 : vector<16xi32>
        %add3A_128 = arith.constant 2 : i32
        %add3A_129 = vector.broadcast %add3A_128 : i32 to vector<16xi32>
        %add3A_130 = arith.addi %mul3A_127, %add3A_129 : vector<16xi32>
        %mul3A_131 = arith.constant 5 : i32
        %mul3A_132 = vector.broadcast %mul3A_131 : i32 to vector<16xi32>
        %mul3A_133 = arith.muli %add3A_112, %mul3A_132 : vector<16xi32>
        %add3A_134 = arith.constant 3 : i32
        %add3A_135 = vector.broadcast %add3A_134 : i32 to vector<16xi32>
        %add3A_136 = arith.addi %mul3A_133, %add3A_135 : vector<16xi32>
        %mul3A_137 = arith.constant 5 : i32
        %mul3A_138 = vector.broadcast %mul3A_137 : i32 to vector<16xi32>
        %mul3A_139 = arith.muli %add3A_112, %mul3A_138 : vector<16xi32>
        %add3A_140 = arith.constant 4 : i32
        %add3A_141 = vector.broadcast %add3A_140 : i32 to vector<16xi32>
        %add3A_142 = arith.addi %mul3A_139, %add3A_141 : vector<16xi32>
        %broadcast_in_dim3A = arith.constant 0 : i32
        %broadcast_in_dim3A_143 = vector.broadcast %broadcast_in_dim3A : i32 to vector<16xi32>
        %broadcast_in_dim3A_144 = arith.constant 0.000000e+00 : f32
        %broadcast_in_dim3A_145 = vector.broadcast %broadcast_in_dim3A_144 : f32 to vector<16xf32>
        %broadcast_in_dim3A_146 = arith.constant 0.000000e+00 : f32
        %broadcast_in_dim3A_147 = vector.broadcast %broadcast_in_dim3A_146 : f32 to vector<16xf32>
        %broadcast_in_dim3A_148 = arith.constant 0.000000e+00 : f32
        %broadcast_in_dim3A_149 = vector.broadcast %broadcast_in_dim3A_148 : f32 to vector<16xf32>
        %broadcast_in_dim3A_150 = arith.constant 0.000000e+00 : f32
        %broadcast_in_dim3A_151 = vector.broadcast %broadcast_in_dim3A_150 : f32 to vector<16xf32>
        %broadcast_in_dim3A_152 = arith.constant 0.000000e+00 : f32
        %broadcast_in_dim3A_153 = vector.broadcast %broadcast_in_dim3A_152 : f32 to vector<16xf32>
        %add3A_154 = arith.constant 0 : i32
        %add3A_155 = vector.broadcast %add3A_154 : i32 to vector<16xi32>
        %add3A_156 = arith.addi %broadcast_in_dim3A_143, %add3A_155 : vector<16xi32>
        %gather3A = tpu.vector_load_idx %arg9[%add3A_112, %add3A_156] : memref<64x128xf32, #tpu.memory_space<vmem>>[vector<16xi32>, vector<16xi32>], vector<16xf32>,
        %add3A_157 = arith.constant 0 : i32
        %add3A_158 = vector.broadcast %add3A_157 : i32 to vector<16xi32>
        %add3A_159 = arith.addi %broadcast_in_dim3A_143, %add3A_158 : vector<16xi32>
        %gather3A_160 = tpu.vector_load_idx %arg10[%add3A_118, %add3A_159] : memref<320x128xf32, #tpu.memory_space<vmem>>[vector<16xi32>, vector<16xi32>], vector<16xf32>,
        %mul3A_161 = arith.mulf %gather3A, %gather3A_160 : vector<16xf32>
        %add3A_162 = arith.addf %broadcast_in_dim3A_145, %mul3A_161 : vector<16xf32>
        %add3A_163 = arith.constant 0 : i32
        %add3A_164 = vector.broadcast %add3A_163 : i32 to vector<16xi32>
        %add3A_165 = arith.addi %broadcast_in_dim3A_143, %add3A_164 : vector<16xi32>
        %gather3A_166 = tpu.vector_load_idx %arg10[%add3A_124, %add3A_165] : memref<320x128xf32, #tpu.memory_space<vmem>>[vector<16xi32>, vector<16xi32>], vector<16xf32>,
        %mul3A_167 = arith.mulf %gather3A, %gather3A_166 : vector<16xf32>
        %add3A_168 = arith.addf %broadcast_in_dim3A_147, %mul3A_167 : vector<16xf32>
        %add3A_169 = arith.constant 0 : i32
        %add3A_170 = vector.broadcast %add3A_169 : i32 to vector<16xi32>
        %add3A_171 = arith.addi %broadcast_in_dim3A_143, %add3A_170 : vector<16xi32>
        %gather3A_172 = tpu.vector_load_idx %arg10[%add3A_130, %add3A_171] : memref<320x128xf32, #tpu.memory_space<vmem>>[vector<16xi32>, vector<16xi32>], vector<16xf32>,
        %mul3A_173 = arith.mulf %gather3A, %gather3A_172 : vector<16xf32>
        %add3A_174 = arith.addf %broadcast_in_dim3A_149, %mul3A_173 : vector<16xf32>
        %add3A_175 = arith.constant 0 : i32
        %add3A_176 = vector.broadcast %add3A_175 : i32 to vector<16xi32>
        %add3A_177 = arith.addi %broadcast_in_dim3A_143, %add3A_176 : vector<16xi32>
        %gather3A_178 = tpu.vector_load_idx %arg10[%add3A_136, %add3A_177] : memref<320x128xf32, #tpu.memory_space<vmem>>[vector<16xi32>, vector<16xi32>], vector<16xf32>,
        %mul3A_179 = arith.mulf %gather3A, %gather3A_178 : vector<16xf32>
        %add3A_180 = arith.addf %broadcast_in_dim3A_151, %mul3A_179 : vector<16xf32>
        %add3A_181 = arith.constant 0 : i32
        %add3A_182 = vector.broadcast %add3A_181 : i32 to vector<16xi32>
        %add3A_183 = arith.addi %broadcast_in_dim3A_143, %add3A_182 : vector<16xi32>
        %gather3A_184 = tpu.vector_load_idx %arg10[%add3A_142, %add3A_183] : memref<320x128xf32, #tpu.memory_space<vmem>>[vector<16xi32>, vector<16xi32>], vector<16xf32>,
        %mul3A_185 = arith.mulf %gather3A, %gather3A_184 : vector<16xf32>
        %add3A_186 = arith.addf %broadcast_in_dim3A_153, %mul3A_185 : vector<16xf32>
        %add3A_187 = arith.constant 1 : i32
        %add3A_188 = vector.broadcast %add3A_187 : i32 to vector<16xi32>
        %add3A_189 = arith.addi %broadcast_in_dim3A_143, %add3A_188 : vector<16xi32>
        %gather3A_190 = tpu.vector_load_idx %arg9[%add3A_112, %add3A_189] : memref<64x128xf32, #tpu.memory_space<vmem>>[vector<16xi32>, vector<16xi32>], vector<16xf32>,
        %add3A_191 = arith.constant 1 : i32
        %add3A_192 = vector.broadcast %add3A_191 : i32 to vector<16xi32>
        %add3A_193 = arith.addi %broadcast_in_dim3A_143, %add3A_192 : vector<16xi32>
        %gather3A_194 = tpu.vector_load_idx %arg10[%add3A_118, %add3A_193] : memref<320x128xf32, #tpu.memory_space<vmem>>[vector<16xi32>, vector<16xi32>], vector<16xf32>,
        %mul3A_195 = arith.mulf %gather3A_190, %gather3A_194 : vector<16xf32>
        %add3A_196 = arith.addf %add3A_162, %mul3A_195 : vector<16xf32>
        %add3A_197 = arith.constant 1 : i32
        %add3A_198 = vector.broadcast %add3A_197 : i32 to vector<16xi32>
        %add3A_199 = arith.addi %broadcast_in_dim3A_143, %add3A_198 : vector<16xi32>
        %gather3A_200 = tpu.vector_load_idx %arg10[%add3A_124, %add3A_199] : memref<320x128xf32, #tpu.memory_space<vmem>>[vector<16xi32>, vector<16xi32>], vector<16xf32>,
        %mul3A_201 = arith.mulf %gather3A_190, %gather3A_200 : vector<16xf32>
        %add3A_202 = arith.addf %add3A_168, %mul3A_201 : vector<16xf32>
        %add3A_203 = arith.constant 1 : i32
        %add3A_204 = vector.broadcast %add3A_203 : i32 to vector<16xi32>
        %add3A_205 = arith.addi %broadcast_in_dim3A_143, %add3A_204 : vector<16xi32>
        %gather3A_206 = tpu.vector_load_idx %arg10[%add3A_130, %add3A_205] : memref<320x128xf32, #tpu.memory_space<vmem>>[vector<16xi32>, vector<16xi32>], vector<16xf32>,
        %mul3A_207 = arith.mulf %gather3A_190, %gather3A_206 : vector<16xf32>
        %add3A_208 = arith.addf %add3A_174, %mul3A_207 : vector<16xf32>
        %add3A_209 = arith.constant 1 : i32
        %add3A_210 = vector.broadcast %add3A_209 : i32 to vector<16xi32>
        %add3A_211 = arith.addi %broadcast_in_dim3A_143, %add3A_210 : vector<16xi32>
        %gather3A_212 = tpu.vector_load_idx %arg10[%add3A_136, %add3A_211] : memref<320x128xf32, #tpu.memory_space<vmem>>[vector<16xi32>, vector<16xi32>], vector<16xf32>,
        %mul3A_213 = arith.mulf %gather3A_190, %gather3A_212 : vector<16xf32>
        %add3A_214 = arith.addf %add3A_180, %mul3A_213 : vector<16xf32>
        %add3A_215 = arith.constant 1 : i32
        %add3A_216 = vector.broadcast %add3A_215 : i32 to vector<16xi32>
        %add3A_217 = arith.addi %broadcast_in_dim3A_143, %add3A_216 : vector<16xi32>
        %gather3A_218 = tpu.vector_load_idx %arg10[%add3A_142, %add3A_217] : memref<320x128xf32, #tpu.memory_space<vmem>>[vector<16xi32>, vector<16xi32>], vector<16xf32>,
        %mul3A_219 = arith.mulf %gather3A_190, %gather3A_218 : vector<16xf32>
        %add3A_220 = arith.addf %add3A_186, %mul3A_219 : vector<16xf32>
        %add3A_221 = arith.constant 2 : i32
        %add3A_222 = vector.broadcast %add3A_221 : i32 to vector<16xi32>
        %add3A_223 = arith.addi %broadcast_in_dim3A_143, %add3A_222 : vector<16xi32>
        %gather3A_224 = tpu.vector_load_idx %arg9[%add3A_112, %add3A_223] : memref<64x128xf32, #tpu.memory_space<vmem>>[vector<16xi32>, vector<16xi32>], vector<16xf32>,
        %add3A_225 = arith.constant 2 : i32
        %add3A_226 = vector.broadcast %add3A_225 : i32 to vector<16xi32>
        %add3A_227 = arith.addi %broadcast_in_dim3A_143, %add3A_226 : vector<16xi32>
        %gather3A_228 = tpu.vector_load_idx %arg10[%add3A_118, %add3A_227] : memref<320x128xf32, #tpu.memory_space<vmem>>[vector<16xi32>, vector<16xi32>], vector<16xf32>,
        %mul3A_229 = arith.mulf %gather3A_224, %gather3A_228 : vector<16xf32>
        %add3A_230 = arith.addf %add3A_196, %mul3A_229 : vector<16xf32>
        %add3A_231 = arith.constant 2 : i32
        %add3A_232 = vector.broadcast %add3A_231 : i32 to vector<16xi32>
        %add3A_233 = arith.addi %broadcast_in_dim3A_143, %add3A_232 : vector<16xi32>
        %gather3A_234 = tpu.vector_load_idx %arg10[%add3A_124, %add3A_233] : memref<320x128xf32, #tpu.memory_space<vmem>>[vector<16xi32>, vector<16xi32>], vector<16xf32>,
        %mul3A_235 = arith.mulf %gather3A_224, %gather3A_234 : vector<16xf32>
        %add3A_236 = arith.addf %add3A_202, %mul3A_235 : vector<16xf32>
        %add3A_237 = arith.constant 2 : i32
        %add3A_238 = vector.broadcast %add3A_237 : i32 to vector<16xi32>
        %add3A_239 = arith.addi %broadcast_in_dim3A_143, %add3A_238 : vector<16xi32>
        %gather3A_240 = tpu.vector_load_idx %arg10[%add3A_130, %add3A_239] : memref<320x128xf32, #tpu.memory_space<vmem>>[vector<16xi32>, vector<16xi32>], vector<16xf32>,
        %mul3A_241 = arith.mulf %gather3A_224, %gather3A_240 : vector<16xf32>
        %add3A_242 = arith.addf %add3A_208, %mul3A_241 : vector<16xf32>
        %add3A_243 = arith.constant 2 : i32
        %add3A_244 = vector.broadcast %add3A_243 : i32 to vector<16xi32>
        %add3A_245 = arith.addi %broadcast_in_dim3A_143, %add3A_244 : vector<16xi32>
        %gather3A_246 = tpu.vector_load_idx %arg10[%add3A_136, %add3A_245] : memref<320x128xf32, #tpu.memory_space<vmem>>[vector<16xi32>, vector<16xi32>], vector<16xf32>,
        %mul3A_247 = arith.mulf %gather3A_224, %gather3A_246 : vector<16xf32>
        %add3A_248 = arith.addf %add3A_214, %mul3A_247 : vector<16xf32>
        %add3A_249 = arith.constant 2 : i32
        %add3A_250 = vector.broadcast %add3A_249 : i32 to vector<16xi32>
        %add3A_251 = arith.addi %broadcast_in_dim3A_143, %add3A_250 : vector<16xi32>
        %gather3A_252 = tpu.vector_load_idx %arg10[%add3A_142, %add3A_251] : memref<320x128xf32, #tpu.memory_space<vmem>>[vector<16xi32>, vector<16xi32>], vector<16xf32>,
        %mul3A_253 = arith.mulf %gather3A_224, %gather3A_252 : vector<16xf32>
        %add3A_254 = arith.addf %add3A_220, %mul3A_253 : vector<16xf32>
        %add3A_255 = arith.constant 3 : i32
        %add3A_256 = vector.broadcast %add3A_255 : i32 to vector<16xi32>
        %add3A_257 = arith.addi %broadcast_in_dim3A_143, %add3A_256 : vector<16xi32>
        %gather3A_258 = tpu.vector_load_idx %arg9[%add3A_112, %add3A_257] : memref<64x128xf32, #tpu.memory_space<vmem>>[vector<16xi32>, vector<16xi32>], vector<16xf32>,
        %add3A_259 = arith.constant 3 : i32
        %add3A_260 = vector.broadcast %add3A_259 : i32 to vector<16xi32>
        %add3A_261 = arith.addi %broadcast_in_dim3A_143, %add3A_260 : vector<16xi32>
        %gather3A_262 = tpu.vector_load_idx %arg10[%add3A_118, %add3A_261] : memref<320x128xf32, #tpu.memory_space<vmem>>[vector<16xi32>, vector<16xi32>], vector<16xf32>,
        %mul3A_263 = arith.mulf %gather3A_258, %gather3A_262 : vector<16xf32>
        %add3A_264 = arith.addf %add3A_230, %mul3A_263 : vector<16xf32>
        %add3A_265 = arith.constant 3 : i32
        %add3A_266 = vector.broadcast %add3A_265 : i32 to vector<16xi32>
        %add3A_267 = arith.addi %broadcast_in_dim3A_143, %add3A_266 : vector<16xi32>
        %gather3A_268 = tpu.vector_load_idx %arg10[%add3A_124, %add3A_267] : memref<320x128xf32, #tpu.memory_space<vmem>>[vector<16xi32>, vector<16xi32>], vector<16xf32>,
        %mul3A_269 = arith.mulf %gather3A_258, %gather3A_268 : vector<16xf32>
        %add3A_270 = arith.addf %add3A_236, %mul3A_269 : vector<16xf32>
        %add3A_271 = arith.constant 3 : i32
        %add3A_272 = vector.broadcast %add3A_271 : i32 to vector<16xi32>
        %add3A_273 = arith.addi %broadcast_in_dim3A_143, %add3A_272 : vector<16xi32>
        %gather3A_274 = tpu.vector_load_idx %arg10[%add3A_130, %add3A_273] : memref<320x128xf32, #tpu.memory_space<vmem>>[vector<16xi32>, vector<16xi32>], vector<16xf32>,
        %mul3A_275 = arith.mulf %gather3A_258, %gather3A_274 : vector<16xf32>
        %add3A_276 = arith.addf %add3A_242, %mul3A_275 : vector<16xf32>
        %add3A_277 = arith.constant 3 : i32
        %add3A_278 = vector.broadcast %add3A_277 : i32 to vector<16xi32>
        %add3A_279 = arith.addi %broadcast_in_dim3A_143, %add3A_278 : vector<16xi32>
        %gather3A_280 = tpu.vector_load_idx %arg10[%add3A_136, %add3A_279] : memref<320x128xf32, #tpu.memory_space<vmem>>[vector<16xi32>, vector<16xi32>], vector<16xf32>,
        %mul3A_281 = arith.mulf %gather3A_258, %gather3A_280 : vector<16xf32>
        %add3A_282 = arith.addf %add3A_248, %mul3A_281 : vector<16xf32>
        %add3A_283 = arith.constant 3 : i32
        %add3A_284 = vector.broadcast %add3A_283 : i32 to vector<16xi32>
        %add3A_285 = arith.addi %broadcast_in_dim3A_143, %add3A_284 : vector<16xi32>
        %gather3A_286 = tpu.vector_load_idx %arg10[%add3A_142, %add3A_285] : memref<320x128xf32, #tpu.memory_space<vmem>>[vector<16xi32>, vector<16xi32>], vector<16xf32>,
        %mul3A_287 = arith.mulf %gather3A_258, %gather3A_286 : vector<16xf32>
        %add3A_288 = arith.addf %add3A_254, %mul3A_287 : vector<16xf32>
        %add3A_289 = arith.constant 4 : i32
        %add3A_290 = vector.broadcast %add3A_289 : i32 to vector<16xi32>
        %add3A_291 = arith.addi %broadcast_in_dim3A_143, %add3A_290 : vector<16xi32>
        %gather3A_292 = tpu.vector_load_idx %arg9[%add3A_112, %add3A_291] : memref<64x128xf32, #tpu.memory_space<vmem>>[vector<16xi32>, vector<16xi32>], vector<16xf32>,
        %add3A_293 = arith.constant 4 : i32
        %add3A_294 = vector.broadcast %add3A_293 : i32 to vector<16xi32>
        %add3A_295 = arith.addi %broadcast_in_dim3A_143, %add3A_294 : vector<16xi32>
        %gather3A_296 = tpu.vector_load_idx %arg10[%add3A_118, %add3A_295] : memref<320x128xf32, #tpu.memory_space<vmem>>[vector<16xi32>, vector<16xi32>], vector<16xf32>,
        %mul3A_297 = arith.mulf %gather3A_292, %gather3A_296 : vector<16xf32>
        %add3A_298 = arith.addf %add3A_264, %mul3A_297 : vector<16xf32>
        %add3A_299 = arith.constant 4 : i32
        %add3A_300 = vector.broadcast %add3A_299 : i32 to vector<16xi32>
        %add3A_301 = arith.addi %broadcast_in_dim3A_143, %add3A_300 : vector<16xi32>
        %gather3A_302 = tpu.vector_load_idx %arg10[%add3A_124, %add3A_301] : memref<320x128xf32, #tpu.memory_space<vmem>>[vector<16xi32>, vector<16xi32>], vector<16xf32>,
        %mul3A_303 = arith.mulf %gather3A_292, %gather3A_302 : vector<16xf32>
        %add3A_304 = arith.addf %add3A_270, %mul3A_303 : vector<16xf32>
        %add3A_305 = arith.constant 4 : i32
        %add3A_306 = vector.broadcast %add3A_305 : i32 to vector<16xi32>
        %add3A_307 = arith.addi %broadcast_in_dim3A_143, %add3A_306 : vector<16xi32>
        %gather3A_308 = tpu.vector_load_idx %arg10[%add3A_130, %add3A_307] : memref<320x128xf32, #tpu.memory_space<vmem>>[vector<16xi32>, vector<16xi32>], vector<16xf32>,
        %mul3A_309 = arith.mulf %gather3A_292, %gather3A_308 : vector<16xf32>
        %add3A_310 = arith.addf %add3A_276, %mul3A_309 : vector<16xf32>
        %add3A_311 = arith.constant 4 : i32
        %add3A_312 = vector.broadcast %add3A_311 : i32 to vector<16xi32>
        %add3A_313 = arith.addi %broadcast_in_dim3A_143, %add3A_312 : vector<16xi32>
        %gather3A_314 = tpu.vector_load_idx %arg10[%add3A_136, %add3A_313] : memref<320x128xf32, #tpu.memory_space<vmem>>[vector<16xi32>, vector<16xi32>], vector<16xf32>,
        %mul3A_315 = arith.mulf %gather3A_292, %gather3A_314 : vector<16xf32>
        %add3A_316 = arith.addf %add3A_282, %mul3A_315 : vector<16xf32>
        %add3A_317 = arith.constant 4 : i32
        %add3A_318 = vector.broadcast %add3A_317 : i32 to vector<16xi32>
        %add3A_319 = arith.addi %broadcast_in_dim3A_143, %add3A_318 : vector<16xi32>
        %gather3A_320 = tpu.vector_load_idx %arg10[%add3A_142, %add3A_319] : memref<320x128xf32, #tpu.memory_space<vmem>>[vector<16xi32>, vector<16xi32>], vector<16xf32>,
        %mul3A_321 = arith.mulf %gather3A_292, %gather3A_320 : vector<16xf32>
        %add3A_322 = arith.addf %add3A_288, %mul3A_321 : vector<16xf32>
        %add3A_323 = arith.constant 5 : i32
        %add3A_324 = vector.broadcast %add3A_323 : i32 to vector<16xi32>
        %add3A_325 = arith.addi %broadcast_in_dim3A_143, %add3A_324 : vector<16xi32>
        %gather3A_326 = tpu.vector_load_idx %arg9[%add3A_112, %add3A_325] : memref<64x128xf32, #tpu.memory_space<vmem>>[vector<16xi32>, vector<16xi32>], vector<16xf32>,
        %add3A_327 = arith.constant 5 : i32
        %add3A_328 = vector.broadcast %add3A_327 : i32 to vector<16xi32>
        %add3A_329 = arith.addi %broadcast_in_dim3A_143, %add3A_328 : vector<16xi32>
        %gather3A_330 = tpu.vector_load_idx %arg10[%add3A_118, %add3A_329] : memref<320x128xf32, #tpu.memory_space<vmem>>[vector<16xi32>, vector<16xi32>], vector<16xf32>,
        %mul3A_331 = arith.mulf %gather3A_326, %gather3A_330 : vector<16xf32>
        %add3A_332 = arith.addf %add3A_298, %mul3A_331 : vector<16xf32>
        %add3A_333 = arith.constant 5 : i32
        %add3A_334 = vector.broadcast %add3A_333 : i32 to vector<16xi32>
        %add3A_335 = arith.addi %broadcast_in_dim3A_143, %add3A_334 : vector<16xi32>
        %gather3A_336 = tpu.vector_load_idx %arg10[%add3A_124, %add3A_335] : memref<320x128xf32, #tpu.memory_space<vmem>>[vector<16xi32>, vector<16xi32>], vector<16xf32>,
        %mul3A_337 = arith.mulf %gather3A_326, %gather3A_336 : vector<16xf32>
        %add3A_338 = arith.addf %add3A_304, %mul3A_337 : vector<16xf32>
        %add3A_339 = arith.constant 5 : i32
        %add3A_340 = vector.broadcast %add3A_339 : i32 to vector<16xi32>
        %add3A_341 = arith.addi %broadcast_in_dim3A_143, %add3A_340 : vector<16xi32>
        %gather3A_342 = tpu.vector_load_idx %arg10[%add3A_130, %add3A_341] : memref<320x128xf32, #tpu.memory_space<vmem>>[vector<16xi32>, vector<16xi32>], vector<16xf32>,
        %mul3A_343 = arith.mulf %gather3A_326, %gather3A_342 : vector<16xf32>
        %add3A_344 = arith.addf %add3A_310, %mul3A_343 : vector<16xf32>
        %add3A_345 = arith.constant 5 : i32
        %add3A_346 = vector.broadcast %add3A_345 : i32 to vector<16xi32>
        %add3A_347 = arith.addi %broadcast_in_dim3A_143, %add3A_346 : vector<16xi32>
        %gather3A_348 = tpu.vector_load_idx %arg10[%add3A_136, %add3A_347] : memref<320x128xf32, #tpu.memory_space<vmem>>[vector<16xi32>, vector<16xi32>], vector<16xf32>,
        %mul3A_349 = arith.mulf %gather3A_326, %gather3A_348 : vector<16xf32>
        %add3A_350 = arith.addf %add3A_316, %mul3A_349 : vector<16xf32>
        %add3A_351 = arith.constant 5 : i32
        %add3A_352 = vector.broadcast %add3A_351 : i32 to vector<16xi32>
        %add3A_353 = arith.addi %broadcast_in_dim3A_143, %add3A_352 : vector<16xi32>
        %gather3A_354 = tpu.vector_load_idx %arg10[%add3A_142, %add3A_353] : memref<320x128xf32, #tpu.memory_space<vmem>>[vector<16xi32>, vector<16xi32>], vector<16xf32>,
        %mul3A_355 = arith.mulf %gather3A_326, %gather3A_354 : vector<16xf32>
        %add3A_356 = arith.addf %add3A_322, %mul3A_355 : vector<16xf32>
        %add3A_357 = arith.constant 6 : i32
        %add3A_358 = vector.broadcast %add3A_357 : i32 to vector<16xi32>
        %add3A_359 = arith.addi %broadcast_in_dim3A_143, %add3A_358 : vector<16xi32>
        %gather3A_360 = tpu.vector_load_idx %arg9[%add3A_112, %add3A_359] : memref<64x128xf32, #tpu.memory_space<vmem>>[vector<16xi32>, vector<16xi32>], vector<16xf32>,
        %add3A_361 = arith.constant 6 : i32
        %add3A_362 = vector.broadcast %add3A_361 : i32 to vector<16xi32>
        %add3A_363 = arith.addi %broadcast_in_dim3A_143, %add3A_362 : vector<16xi32>
        %gather3A_364 = tpu.vector_load_idx %arg10[%add3A_118, %add3A_363] : memref<320x128xf32, #tpu.memory_space<vmem>>[vector<16xi32>, vector<16xi32>], vector<16xf32>,
        %mul3A_365 = arith.mulf %gather3A_360, %gather3A_364 : vector<16xf32>
        %add3A_366 = arith.addf %add3A_332, %mul3A_365 : vector<16xf32>
        %add3A_367 = arith.constant 6 : i32
        %add3A_368 = vector.broadcast %add3A_367 : i32 to vector<16xi32>
        %add3A_369 = arith.addi %broadcast_in_dim3A_143, %add3A_368 : vector<16xi32>
        %gather3A_370 = tpu.vector_load_idx %arg10[%add3A_124, %add3A_369] : memref<320x128xf32, #tpu.memory_space<vmem>>[vector<16xi32>, vector<16xi32>], vector<16xf32>,
        %mul3A_371 = arith.mulf %gather3A_360, %gather3A_370 : vector<16xf32>
        %add3A_372 = arith.addf %add3A_338, %mul3A_371 : vector<16xf32>
        %add3A_373 = arith.constant 6 : i32
        %add3A_374 = vector.broadcast %add3A_373 : i32 to vector<16xi32>
        %add3A_375 = arith.addi %broadcast_in_dim3A_143, %add3A_374 : vector<16xi32>
        %gather3A_376 = tpu.vector_load_idx %arg10[%add3A_130, %add3A_375] : memref<320x128xf32, #tpu.memory_space<vmem>>[vector<16xi32>, vector<16xi32>], vector<16xf32>,
        %mul3A_377 = arith.mulf %gather3A_360, %gather3A_376 : vector<16xf32>
        %add3A_378 = arith.addf %add3A_344, %mul3A_377 : vector<16xf32>
        %add3A_379 = arith.constant 6 : i32
        %add3A_380 = vector.broadcast %add3A_379 : i32 to vector<16xi32>
        %add3A_381 = arith.addi %broadcast_in_dim3A_143, %add3A_380 : vector<16xi32>
        %gather3A_382 = tpu.vector_load_idx %arg10[%add3A_136, %add3A_381] : memref<320x128xf32, #tpu.memory_space<vmem>>[vector<16xi32>, vector<16xi32>], vector<16xf32>,
        %mul3A_383 = arith.mulf %gather3A_360, %gather3A_382 : vector<16xf32>
        %add3A_384 = arith.addf %add3A_350, %mul3A_383 : vector<16xf32>
        %add3A_385 = arith.constant 6 : i32
        %add3A_386 = vector.broadcast %add3A_385 : i32 to vector<16xi32>
        %add3A_387 = arith.addi %broadcast_in_dim3A_143, %add3A_386 : vector<16xi32>
        %gather3A_388 = tpu.vector_load_idx %arg10[%add3A_142, %add3A_387] : memref<320x128xf32, #tpu.memory_space<vmem>>[vector<16xi32>, vector<16xi32>], vector<16xf32>,
        %mul3A_389 = arith.mulf %gather3A_360, %gather3A_388 : vector<16xf32>
        %add3A_390 = arith.addf %add3A_356, %mul3A_389 : vector<16xf32>
        %add3A_391 = arith.constant 7 : i32
        %add3A_392 = vector.broadcast %add3A_391 : i32 to vector<16xi32>
        %add3A_393 = arith.addi %broadcast_in_dim3A_143, %add3A_392 : vector<16xi32>
        %gather3A_394 = tpu.vector_load_idx %arg9[%add3A_112, %add3A_393] : memref<64x128xf32, #tpu.memory_space<vmem>>[vector<16xi32>, vector<16xi32>], vector<16xf32>,
        %add3A_395 = arith.constant 7 : i32
        %add3A_396 = vector.broadcast %add3A_395 : i32 to vector<16xi32>
        %add3A_397 = arith.addi %broadcast_in_dim3A_143, %add3A_396 : vector<16xi32>
        %gather3A_398 = tpu.vector_load_idx %arg10[%add3A_118, %add3A_397] : memref<320x128xf32, #tpu.memory_space<vmem>>[vector<16xi32>, vector<16xi32>], vector<16xf32>,
        %mul3A_399 = arith.mulf %gather3A_394, %gather3A_398 : vector<16xf32>
        %add3A_400 = arith.addf %add3A_366, %mul3A_399 : vector<16xf32>
        %add3A_401 = arith.constant 7 : i32
        %add3A_402 = vector.broadcast %add3A_401 : i32 to vector<16xi32>
        %add3A_403 = arith.addi %broadcast_in_dim3A_143, %add3A_402 : vector<16xi32>
        %gather3A_404 = tpu.vector_load_idx %arg10[%add3A_124, %add3A_403] : memref<320x128xf32, #tpu.memory_space<vmem>>[vector<16xi32>, vector<16xi32>], vector<16xf32>,
        %mul3A_405 = arith.mulf %gather3A_394, %gather3A_404 : vector<16xf32>
        %add3A_406 = arith.addf %add3A_372, %mul3A_405 : vector<16xf32>
        %add3A_407 = arith.constant 7 : i32
        %add3A_408 = vector.broadcast %add3A_407 : i32 to vector<16xi32>
        %add3A_409 = arith.addi %broadcast_in_dim3A_143, %add3A_408 : vector<16xi32>
        %gather3A_410 = tpu.vector_load_idx %arg10[%add3A_130, %add3A_409] : memref<320x128xf32, #tpu.memory_space<vmem>>[vector<16xi32>, vector<16xi32>], vector<16xf32>,
        %mul3A_411 = arith.mulf %gather3A_394, %gather3A_410 : vector<16xf32>
        %add3A_412 = arith.addf %add3A_378, %mul3A_411 : vector<16xf32>
        %add3A_413 = arith.constant 7 : i32
        %add3A_414 = vector.broadcast %add3A_413 : i32 to vector<16xi32>
        %add3A_415 = arith.addi %broadcast_in_dim3A_143, %add3A_414 : vector<16xi32>
        %gather3A_416 = tpu.vector_load_idx %arg10[%add3A_136, %add3A_415] : memref<320x128xf32, #tpu.memory_space<vmem>>[vector<16xi32>, vector<16xi32>], vector<16xf32>,
        %mul3A_417 = arith.mulf %gather3A_394, %gather3A_416 : vector<16xf32>
        %add3A_418 = arith.addf %add3A_384, %mul3A_417 : vector<16xf32>
        %add3A_419 = arith.constant 7 : i32
        %add3A_420 = vector.broadcast %add3A_419 : i32 to vector<16xi32>
        %add3A_421 = arith.addi %broadcast_in_dim3A_143, %add3A_420 : vector<16xi32>
        %gather3A_422 = tpu.vector_load_idx %arg10[%add3A_142, %add3A_421] : memref<320x128xf32, #tpu.memory_space<vmem>>[vector<16xi32>, vector<16xi32>], vector<16xf32>,
        %mul3A_423 = arith.mulf %gather3A_394, %gather3A_422 : vector<16xf32>
        %add3A_424 = arith.addf %add3A_390, %mul3A_423 : vector<16xf32>
        %add3A_425 = arith.constant 8 : i32
        %add3A_426 = vector.broadcast %add3A_425 : i32 to vector<16xi32>
        %add3A_427 = arith.addi %broadcast_in_dim3A_143, %add3A_426 : vector<16xi32>
        %gather3A_428 = tpu.vector_load_idx %arg9[%add3A_112, %add3A_427] : memref<64x128xf32, #tpu.memory_space<vmem>>[vector<16xi32>, vector<16xi32>], vector<16xf32>,
        %add3A_429 = arith.constant 8 : i32
        %add3A_430 = vector.broadcast %add3A_429 : i32 to vector<16xi32>
        %add3A_431 = arith.addi %broadcast_in_dim3A_143, %add3A_430 : vector<16xi32>
        %gather3A_432 = tpu.vector_load_idx %arg10[%add3A_118, %add3A_431] : memref<320x128xf32, #tpu.memory_space<vmem>>[vector<16xi32>, vector<16xi32>], vector<16xf32>,
        %mul3A_433 = arith.mulf %gather3A_428, %gather3A_432 : vector<16xf32>
        %add3A_434 = arith.addf %add3A_400, %mul3A_433 : vector<16xf32>
        %add3A_435 = arith.constant 8 : i32
        %add3A_436 = vector.broadcast %add3A_435 : i32 to vector<16xi32>
        %add3A_437 = arith.addi %broadcast_in_dim3A_143, %add3A_436 : vector<16xi32>
        %gather3A_438 = tpu.vector_load_idx %arg10[%add3A_124, %add3A_437] : memref<320x128xf32, #tpu.memory_space<vmem>>[vector<16xi32>, vector<16xi32>], vector<16xf32>,
        %mul3A_439 = arith.mulf %gather3A_428, %gather3A_438 : vector<16xf32>
        %add3A_440 = arith.addf %add3A_406, %mul3A_439 : vector<16xf32>
        %add3A_441 = arith.constant 8 : i32
        %add3A_442 = vector.broadcast %add3A_441 : i32 to vector<16xi32>
        %add3A_443 = arith.addi %broadcast_in_dim3A_143, %add3A_442 : vector<16xi32>
        %gather3A_444 = tpu.vector_load_idx %arg10[%add3A_130, %add3A_443] : memref<320x128xf32, #tpu.memory_space<vmem>>[vector<16xi32>, vector<16xi32>], vector<16xf32>,
        %mul3A_445 = arith.mulf %gather3A_428, %gather3A_444 : vector<16xf32>
        %add3A_446 = arith.addf %add3A_412, %mul3A_445 : vector<16xf32>
        %add3A_447 = arith.constant 8 : i32
        %add3A_448 = vector.broadcast %add3A_447 : i32 to vector<16xi32>
        %add3A_449 = arith.addi %broadcast_in_dim3A_143, %add3A_448 : vector<16xi32>
        %gather3A_450 = tpu.vector_load_idx %arg10[%add3A_136, %add3A_449] : memref<320x128xf32, #tpu.memory_space<vmem>>[vector<16xi32>, vector<16xi32>], vector<16xf32>,
        %mul3A_451 = arith.mulf %gather3A_428, %gather3A_450 : vector<16xf32>
        %add3A_452 = arith.addf %add3A_418, %mul3A_451 : vector<16xf32>
        %add3A_453 = arith.constant 8 : i32
        %add3A_454 = vector.broadcast %add3A_453 : i32 to vector<16xi32>
        %add3A_455 = arith.addi %broadcast_in_dim3A_143, %add3A_454 : vector<16xi32>
        %gather3A_456 = tpu.vector_load_idx %arg10[%add3A_142, %add3A_455] : memref<320x128xf32, #tpu.memory_space<vmem>>[vector<16xi32>, vector<16xi32>], vector<16xf32>,
        %mul3A_457 = arith.mulf %gather3A_428, %gather3A_456 : vector<16xf32>
        %add3A_458 = arith.addf %add3A_424, %mul3A_457 : vector<16xf32>
        %add3A_459 = arith.constant 9 : i32
        %add3A_460 = vector.broadcast %add3A_459 : i32 to vector<16xi32>
        %add3A_461 = arith.addi %broadcast_in_dim3A_143, %add3A_460 : vector<16xi32>
        %gather3A_462 = tpu.vector_load_idx %arg9[%add3A_112, %add3A_461] : memref<64x128xf32, #tpu.memory_space<vmem>>[vector<16xi32>, vector<16xi32>], vector<16xf32>,
        %add3A_463 = arith.constant 9 : i32
        %add3A_464 = vector.broadcast %add3A_463 : i32 to vector<16xi32>
        %add3A_465 = arith.addi %broadcast_in_dim3A_143, %add3A_464 : vector<16xi32>
        %gather3A_466 = tpu.vector_load_idx %arg10[%add3A_118, %add3A_465] : memref<320x128xf32, #tpu.memory_space<vmem>>[vector<16xi32>, vector<16xi32>], vector<16xf32>,
        %mul3A_467 = arith.mulf %gather3A_462, %gather3A_466 : vector<16xf32>
        %add3A_468 = arith.addf %add3A_434, %mul3A_467 : vector<16xf32>
        %add3A_469 = arith.constant 9 : i32
        %add3A_470 = vector.broadcast %add3A_469 : i32 to vector<16xi32>
        %add3A_471 = arith.addi %broadcast_in_dim3A_143, %add3A_470 : vector<16xi32>
        %gather3A_472 = tpu.vector_load_idx %arg10[%add3A_124, %add3A_471] : memref<320x128xf32, #tpu.memory_space<vmem>>[vector<16xi32>, vector<16xi32>], vector<16xf32>,
        %mul3A_473 = arith.mulf %gather3A_462, %gather3A_472 : vector<16xf32>
        %add3A_474 = arith.addf %add3A_440, %mul3A_473 : vector<16xf32>
        %add3A_475 = arith.constant 9 : i32
        %add3A_476 = vector.broadcast %add3A_475 : i32 to vector<16xi32>
        %add3A_477 = arith.addi %broadcast_in_dim3A_143, %add3A_476 : vector<16xi32>
        %gather3A_478 = tpu.vector_load_idx %arg10[%add3A_130, %add3A_477] : memref<320x128xf32, #tpu.memory_space<vmem>>[vector<16xi32>, vector<16xi32>], vector<16xf32>,
        %mul3A_479 = arith.mulf %gather3A_462, %gather3A_478 : vector<16xf32>
        %add3A_480 = arith.addf %add3A_446, %mul3A_479 : vector<16xf32>
        %add3A_481 = arith.constant 9 : i32
        %add3A_482 = vector.broadcast %add3A_481 : i32 to vector<16xi32>
        %add3A_483 = arith.addi %broadcast_in_dim3A_143, %add3A_482 : vector<16xi32>
        %gather3A_484 = tpu.vector_load_idx %arg10[%add3A_136, %add3A_483] : memref<320x128xf32, #tpu.memory_space<vmem>>[vector<16xi32>, vector<16xi32>], vector<16xf32>,
        %mul3A_485 = arith.mulf %gather3A_462, %gather3A_484 : vector<16xf32>
        %add3A_486 = arith.addf %add3A_452, %mul3A_485 : vector<16xf32>
        %add3A_487 = arith.constant 9 : i32
        %add3A_488 = vector.broadcast %add3A_487 : i32 to vector<16xi32>
        %add3A_489 = arith.addi %broadcast_in_dim3A_143, %add3A_488 : vector<16xi32>
        %gather3A_490 = tpu.vector_load_idx %arg10[%add3A_142, %add3A_489] : memref<320x128xf32, #tpu.memory_space<vmem>>[vector<16xi32>, vector<16xi32>], vector<16xf32>,
        %mul3A_491 = arith.mulf %gather3A_462, %gather3A_490 : vector<16xf32>
        %add3A_492 = arith.addf %add3A_458, %mul3A_491 : vector<16xf32>
        %add3A_493 = arith.constant 10 : i32
        %add3A_494 = vector.broadcast %add3A_493 : i32 to vector<16xi32>
        %add3A_495 = arith.addi %broadcast_in_dim3A_143, %add3A_494 : vector<16xi32>
        %gather3A_496 = tpu.vector_load_idx %arg9[%add3A_112, %add3A_495] : memref<64x128xf32, #tpu.memory_space<vmem>>[vector<16xi32>, vector<16xi32>], vector<16xf32>,
        %add3A_497 = arith.constant 10 : i32
        %add3A_498 = vector.broadcast %add3A_497 : i32 to vector<16xi32>
        %add3A_499 = arith.addi %broadcast_in_dim3A_143, %add3A_498 : vector<16xi32>
        %gather3A_500 = tpu.vector_load_idx %arg10[%add3A_118, %add3A_499] : memref<320x128xf32, #tpu.memory_space<vmem>>[vector<16xi32>, vector<16xi32>], vector<16xf32>,
        %mul3A_501 = arith.mulf %gather3A_496, %gather3A_500 : vector<16xf32>
        %add3A_502 = arith.addf %add3A_468, %mul3A_501 : vector<16xf32>
        %add3A_503 = arith.constant 10 : i32
        %add3A_504 = vector.broadcast %add3A_503 : i32 to vector<16xi32>
        %add3A_505 = arith.addi %broadcast_in_dim3A_143, %add3A_504 : vector<16xi32>
        %gather3A_506 = tpu.vector_load_idx %arg10[%add3A_124, %add3A_505] : memref<320x128xf32, #tpu.memory_space<vmem>>[vector<16xi32>, vector<16xi32>], vector<16xf32>,
        %mul3A_507 = arith.mulf %gather3A_496, %gather3A_506 : vector<16xf32>
        %add3A_508 = arith.addf %add3A_474, %mul3A_507 : vector<16xf32>
        %add3A_509 = arith.constant 10 : i32
        %add3A_510 = vector.broadcast %add3A_509 : i32 to vector<16xi32>
        %add3A_511 = arith.addi %broadcast_in_dim3A_143, %add3A_510 : vector<16xi32>
        %gather3A_512 = tpu.vector_load_idx %arg10[%add3A_130, %add3A_511] : memref<320x128xf32, #tpu.memory_space<vmem>>[vector<16xi32>, vector<16xi32>], vector<16xf32>,
        %mul3A_513 = arith.mulf %gather3A_496, %gather3A_512 : vector<16xf32>
        %add3A_514 = arith.addf %add3A_480, %mul3A_513 : vector<16xf32>
        %add3A_515 = arith.constant 10 : i32
        %add3A_516 = vector.broadcast %add3A_515 : i32 to vector<16xi32>
        %add3A_517 = arith.addi %broadcast_in_dim3A_143, %add3A_516 : vector<16xi32>
        %gather3A_518 = tpu.vector_load_idx %arg10[%add3A_136, %add3A_517] : memref<320x128xf32, #tpu.memory_space<vmem>>[vector<16xi32>, vector<16xi32>], vector<16xf32>,
        %mul3A_519 = arith.mulf %gather3A_496, %gather3A_518 : vector<16xf32>
        %add3A_520 = arith.addf %add3A_486, %mul3A_519 : vector<16xf32>
        %add3A_521 = arith.constant 10 : i32
        %add3A_522 = vector.broadcast %add3A_521 : i32 to vector<16xi32>
        %add3A_523 = arith.addi %broadcast_in_dim3A_143, %add3A_522 : vector<16xi32>
        %gather3A_524 = tpu.vector_load_idx %arg10[%add3A_142, %add3A_523] : memref<320x128xf32, #tpu.memory_space<vmem>>[vector<16xi32>, vector<16xi32>], vector<16xf32>,
        %mul3A_525 = arith.mulf %gather3A_496, %gather3A_524 : vector<16xf32>
        %add3A_526 = arith.addf %add3A_492, %mul3A_525 : vector<16xf32>
        %add3A_527 = arith.constant 11 : i32
        %add3A_528 = vector.broadcast %add3A_527 : i32 to vector<16xi32>
        %add3A_529 = arith.addi %broadcast_in_dim3A_143, %add3A_528 : vector<16xi32>
        %gather3A_530 = tpu.vector_load_idx %arg9[%add3A_112, %add3A_529] : memref<64x128xf32, #tpu.memory_space<vmem>>[vector<16xi32>, vector<16xi32>], vector<16xf32>,
        %add3A_531 = arith.constant 11 : i32
        %add3A_532 = vector.broadcast %add3A_531 : i32 to vector<16xi32>
        %add3A_533 = arith.addi %broadcast_in_dim3A_143, %add3A_532 : vector<16xi32>
        %gather3A_534 = tpu.vector_load_idx %arg10[%add3A_118, %add3A_533] : memref<320x128xf32, #tpu.memory_space<vmem>>[vector<16xi32>, vector<16xi32>], vector<16xf32>,
        %mul3A_535 = arith.mulf %gather3A_530, %gather3A_534 : vector<16xf32>
        %add3A_536 = arith.addf %add3A_502, %mul3A_535 : vector<16xf32>
        %add3A_537 = arith.constant 11 : i32
        %add3A_538 = vector.broadcast %add3A_537 : i32 to vector<16xi32>
        %add3A_539 = arith.addi %broadcast_in_dim3A_143, %add3A_538 : vector<16xi32>
        %gather3A_540 = tpu.vector_load_idx %arg10[%add3A_124, %add3A_539] : memref<320x128xf32, #tpu.memory_space<vmem>>[vector<16xi32>, vector<16xi32>], vector<16xf32>,
        %mul3A_541 = arith.mulf %gather3A_530, %gather3A_540 : vector<16xf32>
        %add3A_542 = arith.addf %add3A_508, %mul3A_541 : vector<16xf32>
        %add3A_543 = arith.constant 11 : i32
        %add3A_544 = vector.broadcast %add3A_543 : i32 to vector<16xi32>
        %add3A_545 = arith.addi %broadcast_in_dim3A_143, %add3A_544 : vector<16xi32>
        %gather3A_546 = tpu.vector_load_idx %arg10[%add3A_130, %add3A_545] : memref<320x128xf32, #tpu.memory_space<vmem>>[vector<16xi32>, vector<16xi32>], vector<16xf32>,
        %mul3A_547 = arith.mulf %gather3A_530, %gather3A_546 : vector<16xf32>
        %add3A_548 = arith.addf %add3A_514, %mul3A_547 : vector<16xf32>
        %add3A_549 = arith.constant 11 : i32
        %add3A_550 = vector.broadcast %add3A_549 : i32 to vector<16xi32>
        %add3A_551 = arith.addi %broadcast_in_dim3A_143, %add3A_550 : vector<16xi32>
        %gather3A_552 = tpu.vector_load_idx %arg10[%add3A_136, %add3A_551] : memref<320x128xf32, #tpu.memory_space<vmem>>[vector<16xi32>, vector<16xi32>], vector<16xf32>,
        %mul3A_553 = arith.mulf %gather3A_530, %gather3A_552 : vector<16xf32>
        %add3A_554 = arith.addf %add3A_520, %mul3A_553 : vector<16xf32>
        %add3A_555 = arith.constant 11 : i32
        %add3A_556 = vector.broadcast %add3A_555 : i32 to vector<16xi32>
        %add3A_557 = arith.addi %broadcast_in_dim3A_143, %add3A_556 : vector<16xi32>
        %gather3A_558 = tpu.vector_load_idx %arg10[%add3A_142, %add3A_557] : memref<320x128xf32, #tpu.memory_space<vmem>>[vector<16xi32>, vector<16xi32>], vector<16xf32>,
        %mul3A_559 = arith.mulf %gather3A_530, %gather3A_558 : vector<16xf32>
        %add3A_560 = arith.addf %add3A_526, %mul3A_559 : vector<16xf32>
        %add3A_561 = arith.constant 12 : i32
        %add3A_562 = vector.broadcast %add3A_561 : i32 to vector<16xi32>
        %add3A_563 = arith.addi %broadcast_in_dim3A_143, %add3A_562 : vector<16xi32>
        %gather3A_564 = tpu.vector_load_idx %arg9[%add3A_112, %add3A_563] : memref<64x128xf32, #tpu.memory_space<vmem>>[vector<16xi32>, vector<16xi32>], vector<16xf32>,
        %add3A_565 = arith.constant 12 : i32
        %add3A_566 = vector.broadcast %add3A_565 : i32 to vector<16xi32>
        %add3A_567 = arith.addi %broadcast_in_dim3A_143, %add3A_566 : vector<16xi32>
        %gather3A_568 = tpu.vector_load_idx %arg10[%add3A_118, %add3A_567] : memref<320x128xf32, #tpu.memory_space<vmem>>[vector<16xi32>, vector<16xi32>], vector<16xf32>,
        %mul3A_569 = arith.mulf %gather3A_564, %gather3A_568 : vector<16xf32>
        %add3A_570 = arith.addf %add3A_536, %mul3A_569 : vector<16xf32>
        %add3A_571 = arith.constant 12 : i32
        %add3A_572 = vector.broadcast %add3A_571 : i32 to vector<16xi32>
        %add3A_573 = arith.addi %broadcast_in_dim3A_143, %add3A_572 : vector<16xi32>
        %gather3A_574 = tpu.vector_load_idx %arg10[%add3A_124, %add3A_573] : memref<320x128xf32, #tpu.memory_space<vmem>>[vector<16xi32>, vector<16xi32>], vector<16xf32>,
        %mul3A_575 = arith.mulf %gather3A_564, %gather3A_574 : vector<16xf32>
        %add3A_576 = arith.addf %add3A_542, %mul3A_575 : vector<16xf32>
        %add3A_577 = arith.constant 12 : i32
        %add3A_578 = vector.broadcast %add3A_577 : i32 to vector<16xi32>
        %add3A_579 = arith.addi %broadcast_in_dim3A_143, %add3A_578 : vector<16xi32>
        %gather3A_580 = tpu.vector_load_idx %arg10[%add3A_130, %add3A_579] : memref<320x128xf32, #tpu.memory_space<vmem>>[vector<16xi32>, vector<16xi32>], vector<16xf32>,
        %mul3A_581 = arith.mulf %gather3A_564, %gather3A_580 : vector<16xf32>
        %add3A_582 = arith.addf %add3A_548, %mul3A_581 : vector<16xf32>
        %add3A_583 = arith.constant 12 : i32
        %add3A_584 = vector.broadcast %add3A_583 : i32 to vector<16xi32>
        %add3A_585 = arith.addi %broadcast_in_dim3A_143, %add3A_584 : vector<16xi32>
        %gather3A_586 = tpu.vector_load_idx %arg10[%add3A_136, %add3A_585] : memref<320x128xf32, #tpu.memory_space<vmem>>[vector<16xi32>, vector<16xi32>], vector<16xf32>,
        %mul3A_587 = arith.mulf %gather3A_564, %gather3A_586 : vector<16xf32>
        %add3A_588 = arith.addf %add3A_554, %mul3A_587 : vector<16xf32>
        %add3A_589 = arith.constant 12 : i32
        %add3A_590 = vector.broadcast %add3A_589 : i32 to vector<16xi32>
        %add3A_591 = arith.addi %broadcast_in_dim3A_143, %add3A_590 : vector<16xi32>
        %gather3A_592 = tpu.vector_load_idx %arg10[%add3A_142, %add3A_591] : memref<320x128xf32, #tpu.memory_space<vmem>>[vector<16xi32>, vector<16xi32>], vector<16xf32>,
        %mul3A_593 = arith.mulf %gather3A_564, %gather3A_592 : vector<16xf32>
        %add3A_594 = arith.addf %add3A_560, %mul3A_593 : vector<16xf32>
        %add3A_595 = arith.constant 13 : i32
        %add3A_596 = vector.broadcast %add3A_595 : i32 to vector<16xi32>
        %add3A_597 = arith.addi %broadcast_in_dim3A_143, %add3A_596 : vector<16xi32>
        %gather3A_598 = tpu.vector_load_idx %arg9[%add3A_112, %add3A_597] : memref<64x128xf32, #tpu.memory_space<vmem>>[vector<16xi32>, vector<16xi32>], vector<16xf32>,
        %add3A_599 = arith.constant 13 : i32
        %add3A_600 = vector.broadcast %add3A_599 : i32 to vector<16xi32>
        %add3A_601 = arith.addi %broadcast_in_dim3A_143, %add3A_600 : vector<16xi32>
        %gather3A_602 = tpu.vector_load_idx %arg10[%add3A_118, %add3A_601] : memref<320x128xf32, #tpu.memory_space<vmem>>[vector<16xi32>, vector<16xi32>], vector<16xf32>,
        %mul3A_603 = arith.mulf %gather3A_598, %gather3A_602 : vector<16xf32>
        %add3A_604 = arith.addf %add3A_570, %mul3A_603 : vector<16xf32>
        %add3A_605 = arith.constant 13 : i32
        %add3A_606 = vector.broadcast %add3A_605 : i32 to vector<16xi32>
        %add3A_607 = arith.addi %broadcast_in_dim3A_143, %add3A_606 : vector<16xi32>
        %gather3A_608 = tpu.vector_load_idx %arg10[%add3A_124, %add3A_607] : memref<320x128xf32, #tpu.memory_space<vmem>>[vector<16xi32>, vector<16xi32>], vector<16xf32>,
        %mul3A_609 = arith.mulf %gather3A_598, %gather3A_608 : vector<16xf32>
        %add3A_610 = arith.addf %add3A_576, %mul3A_609 : vector<16xf32>
        %add3A_611 = arith.constant 13 : i32
        %add3A_612 = vector.broadcast %add3A_611 : i32 to vector<16xi32>
        %add3A_613 = arith.addi %broadcast_in_dim3A_143, %add3A_612 : vector<16xi32>
        %gather3A_614 = tpu.vector_load_idx %arg10[%add3A_130, %add3A_613] : memref<320x128xf32, #tpu.memory_space<vmem>>[vector<16xi32>, vector<16xi32>], vector<16xf32>,
        %mul3A_615 = arith.mulf %gather3A_598, %gather3A_614 : vector<16xf32>
        %add3A_616 = arith.addf %add3A_582, %mul3A_615 : vector<16xf32>
        %add3A_617 = arith.constant 13 : i32
        %add3A_618 = vector.broadcast %add3A_617 : i32 to vector<16xi32>
        %add3A_619 = arith.addi %broadcast_in_dim3A_143, %add3A_618 : vector<16xi32>
        %gather3A_620 = tpu.vector_load_idx %arg10[%add3A_136, %add3A_619] : memref<320x128xf32, #tpu.memory_space<vmem>>[vector<16xi32>, vector<16xi32>], vector<16xf32>,
        %mul3A_621 = arith.mulf %gather3A_598, %gather3A_620 : vector<16xf32>
        %add3A_622 = arith.addf %add3A_588, %mul3A_621 : vector<16xf32>
        %add3A_623 = arith.constant 13 : i32
        %add3A_624 = vector.broadcast %add3A_623 : i32 to vector<16xi32>
        %add3A_625 = arith.addi %broadcast_in_dim3A_143, %add3A_624 : vector<16xi32>
        %gather3A_626 = tpu.vector_load_idx %arg10[%add3A_142, %add3A_625] : memref<320x128xf32, #tpu.memory_space<vmem>>[vector<16xi32>, vector<16xi32>], vector<16xf32>,
        %mul3A_627 = arith.mulf %gather3A_598, %gather3A_626 : vector<16xf32>
        %add3A_628 = arith.addf %add3A_594, %mul3A_627 : vector<16xf32>
        %add3A_629 = arith.constant 14 : i32
        %add3A_630 = vector.broadcast %add3A_629 : i32 to vector<16xi32>
        %add3A_631 = arith.addi %broadcast_in_dim3A_143, %add3A_630 : vector<16xi32>
        %gather3A_632 = tpu.vector_load_idx %arg9[%add3A_112, %add3A_631] : memref<64x128xf32, #tpu.memory_space<vmem>>[vector<16xi32>, vector<16xi32>], vector<16xf32>,
        %add3A_633 = arith.constant 14 : i32
        %add3A_634 = vector.broadcast %add3A_633 : i32 to vector<16xi32>
        %add3A_635 = arith.addi %broadcast_in_dim3A_143, %add3A_634 : vector<16xi32>
        %gather3A_636 = tpu.vector_load_idx %arg10[%add3A_118, %add3A_635] : memref<320x128xf32, #tpu.memory_space<vmem>>[vector<16xi32>, vector<16xi32>], vector<16xf32>,
        %mul3A_637 = arith.mulf %gather3A_632, %gather3A_636 : vector<16xf32>
        %add3A_638 = arith.addf %add3A_604, %mul3A_637 : vector<16xf32>
        %add3A_639 = arith.constant 14 : i32
        %add3A_640 = vector.broadcast %add3A_639 : i32 to vector<16xi32>
        %add3A_641 = arith.addi %broadcast_in_dim3A_143, %add3A_640 : vector<16xi32>
        %gather3A_642 = tpu.vector_load_idx %arg10[%add3A_124, %add3A_641] : memref<320x128xf32, #tpu.memory_space<vmem>>[vector<16xi32>, vector<16xi32>], vector<16xf32>,
        %mul3A_643 = arith.mulf %gather3A_632, %gather3A_642 : vector<16xf32>
        %add3A_644 = arith.addf %add3A_610, %mul3A_643 : vector<16xf32>
        %add3A_645 = arith.constant 14 : i32
        %add3A_646 = vector.broadcast %add3A_645 : i32 to vector<16xi32>
        %add3A_647 = arith.addi %broadcast_in_dim3A_143, %add3A_646 : vector<16xi32>
        %gather3A_648 = tpu.vector_load_idx %arg10[%add3A_130, %add3A_647] : memref<320x128xf32, #tpu.memory_space<vmem>>[vector<16xi32>, vector<16xi32>], vector<16xf32>,
        %mul3A_649 = arith.mulf %gather3A_632, %gather3A_648 : vector<16xf32>
        %add3A_650 = arith.addf %add3A_616, %mul3A_649 : vector<16xf32>
        %add3A_651 = arith.constant 14 : i32
        %add3A_652 = vector.broadcast %add3A_651 : i32 to vector<16xi32>
        %add3A_653 = arith.addi %broadcast_in_dim3A_143, %add3A_652 : vector<16xi32>
        %gather3A_654 = tpu.vector_load_idx %arg10[%add3A_136, %add3A_653] : memref<320x128xf32, #tpu.memory_space<vmem>>[vector<16xi32>, vector<16xi32>], vector<16xf32>,
        %mul3A_655 = arith.mulf %gather3A_632, %gather3A_654 : vector<16xf32>
        %add3A_656 = arith.addf %add3A_622, %mul3A_655 : vector<16xf32>
        %add3A_657 = arith.constant 14 : i32
        %add3A_658 = vector.broadcast %add3A_657 : i32 to vector<16xi32>
        %add3A_659 = arith.addi %broadcast_in_dim3A_143, %add3A_658 : vector<16xi32>
        %gather3A_660 = tpu.vector_load_idx %arg10[%add3A_142, %add3A_659] : memref<320x128xf32, #tpu.memory_space<vmem>>[vector<16xi32>, vector<16xi32>], vector<16xf32>,
        %mul3A_661 = arith.mulf %gather3A_632, %gather3A_660 : vector<16xf32>
        %add3A_662 = arith.addf %add3A_628, %mul3A_661 : vector<16xf32>
        %add3A_663 = arith.constant 15 : i32
        %add3A_664 = vector.broadcast %add3A_663 : i32 to vector<16xi32>
        %add3A_665 = arith.addi %broadcast_in_dim3A_143, %add3A_664 : vector<16xi32>
        %gather3A_666 = tpu.vector_load_idx %arg9[%add3A_112, %add3A_665] : memref<64x128xf32, #tpu.memory_space<vmem>>[vector<16xi32>, vector<16xi32>], vector<16xf32>,
        %add3A_667 = arith.constant 15 : i32
        %add3A_668 = vector.broadcast %add3A_667 : i32 to vector<16xi32>
        %add3A_669 = arith.addi %broadcast_in_dim3A_143, %add3A_668 : vector<16xi32>
        %gather3A_670 = tpu.vector_load_idx %arg10[%add3A_118, %add3A_669] : memref<320x128xf32, #tpu.memory_space<vmem>>[vector<16xi32>, vector<16xi32>], vector<16xf32>,
        %mul3A_671 = arith.mulf %gather3A_666, %gather3A_670 : vector<16xf32>
        %add3A_672 = arith.addf %add3A_638, %mul3A_671 : vector<16xf32>
        %add3A_673 = arith.constant 15 : i32
        %add3A_674 = vector.broadcast %add3A_673 : i32 to vector<16xi32>
        %add3A_675 = arith.addi %broadcast_in_dim3A_143, %add3A_674 : vector<16xi32>
        %gather3A_676 = tpu.vector_load_idx %arg10[%add3A_124, %add3A_675] : memref<320x128xf32, #tpu.memory_space<vmem>>[vector<16xi32>, vector<16xi32>], vector<16xf32>,
        %mul3A_677 = arith.mulf %gather3A_666, %gather3A_676 : vector<16xf32>
        %add3A_678 = arith.addf %add3A_644, %mul3A_677 : vector<16xf32>
        %add3A_679 = arith.constant 15 : i32
        %add3A_680 = vector.broadcast %add3A_679 : i32 to vector<16xi32>
        %add3A_681 = arith.addi %broadcast_in_dim3A_143, %add3A_680 : vector<16xi32>
        %gather3A_682 = tpu.vector_load_idx %arg10[%add3A_130, %add3A_681] : memref<320x128xf32, #tpu.memory_space<vmem>>[vector<16xi32>, vector<16xi32>], vector<16xf32>,
        %mul3A_683 = arith.mulf %gather3A_666, %gather3A_682 : vector<16xf32>
        %add3A_684 = arith.addf %add3A_650, %mul3A_683 : vector<16xf32>
        %add3A_685 = arith.constant 15 : i32
        %add3A_686 = vector.broadcast %add3A_685 : i32 to vector<16xi32>
        %add3A_687 = arith.addi %broadcast_in_dim3A_143, %add3A_686 : vector<16xi32>
        %gather3A_688 = tpu.vector_load_idx %arg10[%add3A_136, %add3A_687] : memref<320x128xf32, #tpu.memory_space<vmem>>[vector<16xi32>, vector<16xi32>], vector<16xf32>,
        %mul3A_689 = arith.mulf %gather3A_666, %gather3A_688 : vector<16xf32>
        %add3A_690 = arith.addf %add3A_656, %mul3A_689 : vector<16xf32>
        %add3A_691 = arith.constant 15 : i32
        %add3A_692 = vector.broadcast %add3A_691 : i32 to vector<16xi32>
        %add3A_693 = arith.addi %broadcast_in_dim3A_143, %add3A_692 : vector<16xi32>
        %gather3A_694 = tpu.vector_load_idx %arg10[%add3A_142, %add3A_693] : memref<320x128xf32, #tpu.memory_space<vmem>>[vector<16xi32>, vector<16xi32>], vector<16xf32>,
        %mul3A_695 = arith.mulf %gather3A_666, %gather3A_694 : vector<16xf32>
        %add3A_696 = arith.addf %add3A_662, %mul3A_695 : vector<16xf32>
        %add3A_697 = arith.constant 16 : i32
        %add3A_698 = vector.broadcast %add3A_697 : i32 to vector<16xi32>
        %add3A_699 = arith.addi %broadcast_in_dim3A_143, %add3A_698 : vector<16xi32>
        %gather3A_700 = tpu.vector_load_idx %arg9[%add3A_112, %add3A_699] : memref<64x128xf32, #tpu.memory_space<vmem>>[vector<16xi32>, vector<16xi32>], vector<16xf32>,
        %add3A_701 = arith.constant 16 : i32
        %add3A_702 = vector.broadcast %add3A_701 : i32 to vector<16xi32>
        %add3A_703 = arith.addi %broadcast_in_dim3A_143, %add3A_702 : vector<16xi32>
        %gather3A_704 = tpu.vector_load_idx %arg10[%add3A_118, %add3A_703] : memref<320x128xf32, #tpu.memory_space<vmem>>[vector<16xi32>, vector<16xi32>], vector<16xf32>,
        %mul3A_705 = arith.mulf %gather3A_700, %gather3A_704 : vector<16xf32>
        %add3A_706 = arith.addf %add3A_672, %mul3A_705 : vector<16xf32>
        %add3A_707 = arith.constant 16 : i32
        %add3A_708 = vector.broadcast %add3A_707 : i32 to vector<16xi32>
        %add3A_709 = arith.addi %broadcast_in_dim3A_143, %add3A_708 : vector<16xi32>
        %gather3A_710 = tpu.vector_load_idx %arg10[%add3A_124, %add3A_709] : memref<320x128xf32, #tpu.memory_space<vmem>>[vector<16xi32>, vector<16xi32>], vector<16xf32>,
        %mul3A_711 = arith.mulf %gather3A_700, %gather3A_710 : vector<16xf32>
        %add3A_712 = arith.addf %add3A_678, %mul3A_711 : vector<16xf32>
        %add3A_713 = arith.constant 16 : i32
        %add3A_714 = vector.broadcast %add3A_713 : i32 to vector<16xi32>
        %add3A_715 = arith.addi %broadcast_in_dim3A_143, %add3A_714 : vector<16xi32>
        %gather3A_716 = tpu.vector_load_idx %arg10[%add3A_130, %add3A_715] : memref<320x128xf32, #tpu.memory_space<vmem>>[vector<16xi32>, vector<16xi32>], vector<16xf32>,
        %mul3A_717 = arith.mulf %gather3A_700, %gather3A_716 : vector<16xf32>
        %add3A_718 = arith.addf %add3A_684, %mul3A_717 : vector<16xf32>
        %add3A_719 = arith.constant 16 : i32
        %add3A_720 = vector.broadcast %add3A_719 : i32 to vector<16xi32>
        %add3A_721 = arith.addi %broadcast_in_dim3A_143, %add3A_720 : vector<16xi32>
        %gather3A_722 = tpu.vector_load_idx %arg10[%add3A_136, %add3A_721] : memref<320x128xf32, #tpu.memory_space<vmem>>[vector<16xi32>, vector<16xi32>], vector<16xf32>,
        %mul3A_723 = arith.mulf %gather3A_700, %gather3A_722 : vector<16xf32>
        %add3A_724 = arith.addf %add3A_690, %mul3A_723 : vector<16xf32>
        %add3A_725 = arith.constant 16 : i32
        %add3A_726 = vector.broadcast %add3A_725 : i32 to vector<16xi32>
        %add3A_727 = arith.addi %broadcast_in_dim3A_143, %add3A_726 : vector<16xi32>
        %gather3A_728 = tpu.vector_load_idx %arg10[%add3A_142, %add3A_727] : memref<320x128xf32, #tpu.memory_space<vmem>>[vector<16xi32>, vector<16xi32>], vector<16xf32>,
        %mul3A_729 = arith.mulf %gather3A_700, %gather3A_728 : vector<16xf32>
        %add3A_730 = arith.addf %add3A_696, %mul3A_729 : vector<16xf32>
        %add3A_731 = arith.constant 17 : i32
        %add3A_732 = vector.broadcast %add3A_731 : i32 to vector<16xi32>
        %add3A_733 = arith.addi %broadcast_in_dim3A_143, %add3A_732 : vector<16xi32>
        %gather3A_734 = tpu.vector_load_idx %arg9[%add3A_112, %add3A_733] : memref<64x128xf32, #tpu.memory_space<vmem>>[vector<16xi32>, vector<16xi32>], vector<16xf32>,
        %add3A_735 = arith.constant 17 : i32
        %add3A_736 = vector.broadcast %add3A_735 : i32 to vector<16xi32>
        %add3A_737 = arith.addi %broadcast_in_dim3A_143, %add3A_736 : vector<16xi32>
        %gather3A_738 = tpu.vector_load_idx %arg10[%add3A_118, %add3A_737] : memref<320x128xf32, #tpu.memory_space<vmem>>[vector<16xi32>, vector<16xi32>], vector<16xf32>,
        %mul3A_739 = arith.mulf %gather3A_734, %gather3A_738 : vector<16xf32>
        %add3A_740 = arith.addf %add3A_706, %mul3A_739 : vector<16xf32>
        %add3A_741 = arith.constant 17 : i32
        %add3A_742 = vector.broadcast %add3A_741 : i32 to vector<16xi32>
        %add3A_743 = arith.addi %broadcast_in_dim3A_143, %add3A_742 : vector<16xi32>
        %gather3A_744 = tpu.vector_load_idx %arg10[%add3A_124, %add3A_743] : memref<320x128xf32, #tpu.memory_space<vmem>>[vector<16xi32>, vector<16xi32>], vector<16xf32>,
        %mul3A_745 = arith.mulf %gather3A_734, %gather3A_744 : vector<16xf32>
        %add3A_746 = arith.addf %add3A_712, %mul3A_745 : vector<16xf32>
        %add3A_747 = arith.constant 17 : i32
        %add3A_748 = vector.broadcast %add3A_747 : i32 to vector<16xi32>
        %add3A_749 = arith.addi %broadcast_in_dim3A_143, %add3A_748 : vector<16xi32>
        %gather3A_750 = tpu.vector_load_idx %arg10[%add3A_130, %add3A_749] : memref<320x128xf32, #tpu.memory_space<vmem>>[vector<16xi32>, vector<16xi32>], vector<16xf32>,
        %mul3A_751 = arith.mulf %gather3A_734, %gather3A_750 : vector<16xf32>
        %add3A_752 = arith.addf %add3A_718, %mul3A_751 : vector<16xf32>
        %add3A_753 = arith.constant 17 : i32
        %add3A_754 = vector.broadcast %add3A_753 : i32 to vector<16xi32>
        %add3A_755 = arith.addi %broadcast_in_dim3A_143, %add3A_754 : vector<16xi32>
        %gather3A_756 = tpu.vector_load_idx %arg10[%add3A_136, %add3A_755] : memref<320x128xf32, #tpu.memory_space<vmem>>[vector<16xi32>, vector<16xi32>], vector<16xf32>,
        %mul3A_757 = arith.mulf %gather3A_734, %gather3A_756 : vector<16xf32>
        %add3A_758 = arith.addf %add3A_724, %mul3A_757 : vector<16xf32>
        %add3A_759 = arith.constant 17 : i32
        %add3A_760 = vector.broadcast %add3A_759 : i32 to vector<16xi32>
        %add3A_761 = arith.addi %broadcast_in_dim3A_143, %add3A_760 : vector<16xi32>
        %gather3A_762 = tpu.vector_load_idx %arg10[%add3A_142, %add3A_761] : memref<320x128xf32, #tpu.memory_space<vmem>>[vector<16xi32>, vector<16xi32>], vector<16xf32>,
        %mul3A_763 = arith.mulf %gather3A_734, %gather3A_762 : vector<16xf32>
        %add3A_764 = arith.addf %add3A_730, %mul3A_763 : vector<16xf32>
        %add3A_765 = arith.constant 18 : i32
        %add3A_766 = vector.broadcast %add3A_765 : i32 to vector<16xi32>
        %add3A_767 = arith.addi %broadcast_in_dim3A_143, %add3A_766 : vector<16xi32>
        %gather3A_768 = tpu.vector_load_idx %arg9[%add3A_112, %add3A_767] : memref<64x128xf32, #tpu.memory_space<vmem>>[vector<16xi32>, vector<16xi32>], vector<16xf32>,
        %add3A_769 = arith.constant 18 : i32
        %add3A_770 = vector.broadcast %add3A_769 : i32 to vector<16xi32>
        %add3A_771 = arith.addi %broadcast_in_dim3A_143, %add3A_770 : vector<16xi32>
        %gather3A_772 = tpu.vector_load_idx %arg10[%add3A_118, %add3A_771] : memref<320x128xf32, #tpu.memory_space<vmem>>[vector<16xi32>, vector<16xi32>], vector<16xf32>,
        %mul3A_773 = arith.mulf %gather3A_768, %gather3A_772 : vector<16xf32>
        %add3A_774 = arith.addf %add3A_740, %mul3A_773 : vector<16xf32>
        %add3A_775 = arith.constant 18 : i32
        %add3A_776 = vector.broadcast %add3A_775 : i32 to vector<16xi32>
        %add3A_777 = arith.addi %broadcast_in_dim3A_143, %add3A_776 : vector<16xi32>
        %gather3A_778 = tpu.vector_load_idx %arg10[%add3A_124, %add3A_777] : memref<320x128xf32, #tpu.memory_space<vmem>>[vector<16xi32>, vector<16xi32>], vector<16xf32>,
        %mul3A_779 = arith.mulf %gather3A_768, %gather3A_778 : vector<16xf32>
        %add3A_780 = arith.addf %add3A_746, %mul3A_779 : vector<16xf32>
        %add3A_781 = arith.constant 18 : i32
        %add3A_782 = vector.broadcast %add3A_781 : i32 to vector<16xi32>
        %add3A_783 = arith.addi %broadcast_in_dim3A_143, %add3A_782 : vector<16xi32>
        %gather3A_784 = tpu.vector_load_idx %arg10[%add3A_130, %add3A_783] : memref<320x128xf32, #tpu.memory_space<vmem>>[vector<16xi32>, vector<16xi32>], vector<16xf32>,
        %mul3A_785 = arith.mulf %gather3A_768, %gather3A_784 : vector<16xf32>
        %add3A_786 = arith.addf %add3A_752, %mul3A_785 : vector<16xf32>
        %add3A_787 = arith.constant 18 : i32
        %add3A_788 = vector.broadcast %add3A_787 : i32 to vector<16xi32>
        %add3A_789 = arith.addi %broadcast_in_dim3A_143, %add3A_788 : vector<16xi32>
        %gather3A_790 = tpu.vector_load_idx %arg10[%add3A_136, %add3A_789] : memref<320x128xf32, #tpu.memory_space<vmem>>[vector<16xi32>, vector<16xi32>], vector<16xf32>,
        %mul3A_791 = arith.mulf %gather3A_768, %gather3A_790 : vector<16xf32>
        %add3A_792 = arith.addf %add3A_758, %mul3A_791 : vector<16xf32>
        %add3A_793 = arith.constant 18 : i32
        %add3A_794 = vector.broadcast %add3A_793 : i32 to vector<16xi32>
        %add3A_795 = arith.addi %broadcast_in_dim3A_143, %add3A_794 : vector<16xi32>
        %gather3A_796 = tpu.vector_load_idx %arg10[%add3A_142, %add3A_795] : memref<320x128xf32, #tpu.memory_space<vmem>>[vector<16xi32>, vector<16xi32>], vector<16xf32>,
        %mul3A_797 = arith.mulf %gather3A_768, %gather3A_796 : vector<16xf32>
        %add3A_798 = arith.addf %add3A_764, %mul3A_797 : vector<16xf32>
        %add3A_799 = arith.constant 19 : i32
        %add3A_800 = vector.broadcast %add3A_799 : i32 to vector<16xi32>
        %add3A_801 = arith.addi %broadcast_in_dim3A_143, %add3A_800 : vector<16xi32>
        %gather3A_802 = tpu.vector_load_idx %arg9[%add3A_112, %add3A_801] : memref<64x128xf32, #tpu.memory_space<vmem>>[vector<16xi32>, vector<16xi32>], vector<16xf32>,
        %add3A_803 = arith.constant 19 : i32
        %add3A_804 = vector.broadcast %add3A_803 : i32 to vector<16xi32>
        %add3A_805 = arith.addi %broadcast_in_dim3A_143, %add3A_804 : vector<16xi32>
        %gather3A_806 = tpu.vector_load_idx %arg10[%add3A_118, %add3A_805] : memref<320x128xf32, #tpu.memory_space<vmem>>[vector<16xi32>, vector<16xi32>], vector<16xf32>,
        %mul3A_807 = arith.mulf %gather3A_802, %gather3A_806 : vector<16xf32>
        %add3A_808 = arith.addf %add3A_774, %mul3A_807 : vector<16xf32>
        %add3A_809 = arith.constant 19 : i32
        %add3A_810 = vector.broadcast %add3A_809 : i32 to vector<16xi32>
        %add3A_811 = arith.addi %broadcast_in_dim3A_143, %add3A_810 : vector<16xi32>
        %gather3A_812 = tpu.vector_load_idx %arg10[%add3A_124, %add3A_811] : memref<320x128xf32, #tpu.memory_space<vmem>>[vector<16xi32>, vector<16xi32>], vector<16xf32>,
        %mul3A_813 = arith.mulf %gather3A_802, %gather3A_812 : vector<16xf32>
        %add3A_814 = arith.addf %add3A_780, %mul3A_813 : vector<16xf32>
        %add3A_815 = arith.constant 19 : i32
        %add3A_816 = vector.broadcast %add3A_815 : i32 to vector<16xi32>
        %add3A_817 = arith.addi %broadcast_in_dim3A_143, %add3A_816 : vector<16xi32>
        %gather3A_818 = tpu.vector_load_idx %arg10[%add3A_130, %add3A_817] : memref<320x128xf32, #tpu.memory_space<vmem>>[vector<16xi32>, vector<16xi32>], vector<16xf32>,
        %mul3A_819 = arith.mulf %gather3A_802, %gather3A_818 : vector<16xf32>
        %add3A_820 = arith.addf %add3A_786, %mul3A_819 : vector<16xf32>
        %add3A_821 = arith.constant 19 : i32
        %add3A_822 = vector.broadcast %add3A_821 : i32 to vector<16xi32>
        %add3A_823 = arith.addi %broadcast_in_dim3A_143, %add3A_822 : vector<16xi32>
        %gather3A_824 = tpu.vector_load_idx %arg10[%add3A_136, %add3A_823] : memref<320x128xf32, #tpu.memory_space<vmem>>[vector<16xi32>, vector<16xi32>], vector<16xf32>,
        %mul3A_825 = arith.mulf %gather3A_802, %gather3A_824 : vector<16xf32>
        %add3A_826 = arith.addf %add3A_792, %mul3A_825 : vector<16xf32>
        %add3A_827 = arith.constant 19 : i32
        %add3A_828 = vector.broadcast %add3A_827 : i32 to vector<16xi32>
        %add3A_829 = arith.addi %broadcast_in_dim3A_143, %add3A_828 : vector<16xi32>
        %gather3A_830 = tpu.vector_load_idx %arg10[%add3A_142, %add3A_829] : memref<320x128xf32, #tpu.memory_space<vmem>>[vector<16xi32>, vector<16xi32>], vector<16xf32>,
        %mul3A_831 = arith.mulf %gather3A_802, %gather3A_830 : vector<16xf32>
        %add3A_832 = arith.addf %add3A_798, %mul3A_831 : vector<16xf32>
        %add3A_833 = arith.constant 20 : i32
        %add3A_834 = vector.broadcast %add3A_833 : i32 to vector<16xi32>
        %add3A_835 = arith.addi %broadcast_in_dim3A_143, %add3A_834 : vector<16xi32>
        %gather3A_836 = tpu.vector_load_idx %arg9[%add3A_112, %add3A_835] : memref<64x128xf32, #tpu.memory_space<vmem>>[vector<16xi32>, vector<16xi32>], vector<16xf32>,
        %add3A_837 = arith.constant 20 : i32
        %add3A_838 = vector.broadcast %add3A_837 : i32 to vector<16xi32>
        %add3A_839 = arith.addi %broadcast_in_dim3A_143, %add3A_838 : vector<16xi32>
        %gather3A_840 = tpu.vector_load_idx %arg10[%add3A_118, %add3A_839] : memref<320x128xf32, #tpu.memory_space<vmem>>[vector<16xi32>, vector<16xi32>], vector<16xf32>,
        %mul3A_841 = arith.mulf %gather3A_836, %gather3A_840 : vector<16xf32>
        %add3A_842 = arith.addf %add3A_808, %mul3A_841 : vector<16xf32>
        %add3A_843 = arith.constant 20 : i32
        %add3A_844 = vector.broadcast %add3A_843 : i32 to vector<16xi32>
        %add3A_845 = arith.addi %broadcast_in_dim3A_143, %add3A_844 : vector<16xi32>
        %gather3A_846 = tpu.vector_load_idx %arg10[%add3A_124, %add3A_845] : memref<320x128xf32, #tpu.memory_space<vmem>>[vector<16xi32>, vector<16xi32>], vector<16xf32>,
        %mul3A_847 = arith.mulf %gather3A_836, %gather3A_846 : vector<16xf32>
        %add3A_848 = arith.addf %add3A_814, %mul3A_847 : vector<16xf32>
        %add3A_849 = arith.constant 20 : i32
        %add3A_850 = vector.broadcast %add3A_849 : i32 to vector<16xi32>
        %add3A_851 = arith.addi %broadcast_in_dim3A_143, %add3A_850 : vector<16xi32>
        %gather3A_852 = tpu.vector_load_idx %arg10[%add3A_130, %add3A_851] : memref<320x128xf32, #tpu.memory_space<vmem>>[vector<16xi32>, vector<16xi32>], vector<16xf32>,
        %mul3A_853 = arith.mulf %gather3A_836, %gather3A_852 : vector<16xf32>
        %add3A_854 = arith.addf %add3A_820, %mul3A_853 : vector<16xf32>
        %add3A_855 = arith.constant 20 : i32
        %add3A_856 = vector.broadcast %add3A_855 : i32 to vector<16xi32>
        %add3A_857 = arith.addi %broadcast_in_dim3A_143, %add3A_856 : vector<16xi32>
        %gather3A_858 = tpu.vector_load_idx %arg10[%add3A_136, %add3A_857] : memref<320x128xf32, #tpu.memory_space<vmem>>[vector<16xi32>, vector<16xi32>], vector<16xf32>,
        %mul3A_859 = arith.mulf %gather3A_836, %gather3A_858 : vector<16xf32>
        %add3A_860 = arith.addf %add3A_826, %mul3A_859 : vector<16xf32>
        %add3A_861 = arith.constant 20 : i32
        %add3A_862 = vector.broadcast %add3A_861 : i32 to vector<16xi32>
        %add3A_863 = arith.addi %broadcast_in_dim3A_143, %add3A_862 : vector<16xi32>
        %gather3A_864 = tpu.vector_load_idx %arg10[%add3A_142, %add3A_863] : memref<320x128xf32, #tpu.memory_space<vmem>>[vector<16xi32>, vector<16xi32>], vector<16xf32>,
        %mul3A_865 = arith.mulf %gather3A_836, %gather3A_864 : vector<16xf32>
        %add3A_866 = arith.addf %add3A_832, %mul3A_865 : vector<16xf32>
        %add3A_867 = arith.constant 21 : i32
        %add3A_868 = vector.broadcast %add3A_867 : i32 to vector<16xi32>
        %add3A_869 = arith.addi %broadcast_in_dim3A_143, %add3A_868 : vector<16xi32>
        %gather3A_870 = tpu.vector_load_idx %arg9[%add3A_112, %add3A_869] : memref<64x128xf32, #tpu.memory_space<vmem>>[vector<16xi32>, vector<16xi32>], vector<16xf32>,
        %add3A_871 = arith.constant 21 : i32
        %add3A_872 = vector.broadcast %add3A_871 : i32 to vector<16xi32>
        %add3A_873 = arith.addi %broadcast_in_dim3A_143, %add3A_872 : vector<16xi32>
        %gather3A_874 = tpu.vector_load_idx %arg10[%add3A_118, %add3A_873] : memref<320x128xf32, #tpu.memory_space<vmem>>[vector<16xi32>, vector<16xi32>], vector<16xf32>,
        %mul3A_875 = arith.mulf %gather3A_870, %gather3A_874 : vector<16xf32>
        %add3A_876 = arith.addf %add3A_842, %mul3A_875 : vector<16xf32>
        %add3A_877 = arith.constant 21 : i32
        %add3A_878 = vector.broadcast %add3A_877 : i32 to vector<16xi32>
        %add3A_879 = arith.addi %broadcast_in_dim3A_143, %add3A_878 : vector<16xi32>
        %gather3A_880 = tpu.vector_load_idx %arg10[%add3A_124, %add3A_879] : memref<320x128xf32, #tpu.memory_space<vmem>>[vector<16xi32>, vector<16xi32>], vector<16xf32>,
        %mul3A_881 = arith.mulf %gather3A_870, %gather3A_880 : vector<16xf32>
        %add3A_882 = arith.addf %add3A_848, %mul3A_881 : vector<16xf32>
        %add3A_883 = arith.constant 21 : i32
        %add3A_884 = vector.broadcast %add3A_883 : i32 to vector<16xi32>
        %add3A_885 = arith.addi %broadcast_in_dim3A_143, %add3A_884 : vector<16xi32>
        %gather3A_886 = tpu.vector_load_idx %arg10[%add3A_130, %add3A_885] : memref<320x128xf32, #tpu.memory_space<vmem>>[vector<16xi32>, vector<16xi32>], vector<16xf32>,
        %mul3A_887 = arith.mulf %gather3A_870, %gather3A_886 : vector<16xf32>
        %add3A_888 = arith.addf %add3A_854, %mul3A_887 : vector<16xf32>
        %add3A_889 = arith.constant 21 : i32
        %add3A_890 = vector.broadcast %add3A_889 : i32 to vector<16xi32>
        %add3A_891 = arith.addi %broadcast_in_dim3A_143, %add3A_890 : vector<16xi32>
        %gather3A_892 = tpu.vector_load_idx %arg10[%add3A_136, %add3A_891] : memref<320x128xf32, #tpu.memory_space<vmem>>[vector<16xi32>, vector<16xi32>], vector<16xf32>,
        %mul3A_893 = arith.mulf %gather3A_870, %gather3A_892 : vector<16xf32>
        %add3A_894 = arith.addf %add3A_860, %mul3A_893 : vector<16xf32>
        %add3A_895 = arith.constant 21 : i32
        %add3A_896 = vector.broadcast %add3A_895 : i32 to vector<16xi32>
        %add3A_897 = arith.addi %broadcast_in_dim3A_143, %add3A_896 : vector<16xi32>
        %gather3A_898 = tpu.vector_load_idx %arg10[%add3A_142, %add3A_897] : memref<320x128xf32, #tpu.memory_space<vmem>>[vector<16xi32>, vector<16xi32>], vector<16xf32>,
        %mul3A_899 = arith.mulf %gather3A_870, %gather3A_898 : vector<16xf32>
        %add3A_900 = arith.addf %add3A_866, %mul3A_899 : vector<16xf32>
        %add3A_901 = arith.constant 22 : i32
        %add3A_902 = vector.broadcast %add3A_901 : i32 to vector<16xi32>
        %add3A_903 = arith.addi %broadcast_in_dim3A_143, %add3A_902 : vector<16xi32>
        %gather3A_904 = tpu.vector_load_idx %arg9[%add3A_112, %add3A_903] : memref<64x128xf32, #tpu.memory_space<vmem>>[vector<16xi32>, vector<16xi32>], vector<16xf32>,
        %add3A_905 = arith.constant 22 : i32
        %add3A_906 = vector.broadcast %add3A_905 : i32 to vector<16xi32>
        %add3A_907 = arith.addi %broadcast_in_dim3A_143, %add3A_906 : vector<16xi32>
        %gather3A_908 = tpu.vector_load_idx %arg10[%add3A_118, %add3A_907] : memref<320x128xf32, #tpu.memory_space<vmem>>[vector<16xi32>, vector<16xi32>], vector<16xf32>,
        %mul3A_909 = arith.mulf %gather3A_904, %gather3A_908 : vector<16xf32>
        %add3A_910 = arith.addf %add3A_876, %mul3A_909 : vector<16xf32>
        %add3A_911 = arith.constant 22 : i32
        %add3A_912 = vector.broadcast %add3A_911 : i32 to vector<16xi32>
        %add3A_913 = arith.addi %broadcast_in_dim3A_143, %add3A_912 : vector<16xi32>
        %gather3A_914 = tpu.vector_load_idx %arg10[%add3A_124, %add3A_913] : memref<320x128xf32, #tpu.memory_space<vmem>>[vector<16xi32>, vector<16xi32>], vector<16xf32>,
        %mul3A_915 = arith.mulf %gather3A_904, %gather3A_914 : vector<16xf32>
        %add3A_916 = arith.addf %add3A_882, %mul3A_915 : vector<16xf32>
        %add3A_917 = arith.constant 22 : i32
        %add3A_918 = vector.broadcast %add3A_917 : i32 to vector<16xi32>
        %add3A_919 = arith.addi %broadcast_in_dim3A_143, %add3A_918 : vector<16xi32>
        %gather3A_920 = tpu.vector_load_idx %arg10[%add3A_130, %add3A_919] : memref<320x128xf32, #tpu.memory_space<vmem>>[vector<16xi32>, vector<16xi32>], vector<16xf32>,
        %mul3A_921 = arith.mulf %gather3A_904, %gather3A_920 : vector<16xf32>
        %add3A_922 = arith.addf %add3A_888, %mul3A_921 : vector<16xf32>
        %add3A_923 = arith.constant 22 : i32
        %add3A_924 = vector.broadcast %add3A_923 : i32 to vector<16xi32>
        %add3A_925 = arith.addi %broadcast_in_dim3A_143, %add3A_924 : vector<16xi32>
        %gather3A_926 = tpu.vector_load_idx %arg10[%add3A_136, %add3A_925] : memref<320x128xf32, #tpu.memory_space<vmem>>[vector<16xi32>, vector<16xi32>], vector<16xf32>,
        %mul3A_927 = arith.mulf %gather3A_904, %gather3A_926 : vector<16xf32>
        %add3A_928 = arith.addf %add3A_894, %mul3A_927 : vector<16xf32>
        %add3A_929 = arith.constant 22 : i32
        %add3A_930 = vector.broadcast %add3A_929 : i32 to vector<16xi32>
        %add3A_931 = arith.addi %broadcast_in_dim3A_143, %add3A_930 : vector<16xi32>
        %gather3A_932 = tpu.vector_load_idx %arg10[%add3A_142, %add3A_931] : memref<320x128xf32, #tpu.memory_space<vmem>>[vector<16xi32>, vector<16xi32>], vector<16xf32>,
        %mul3A_933 = arith.mulf %gather3A_904, %gather3A_932 : vector<16xf32>
        %add3A_934 = arith.addf %add3A_900, %mul3A_933 : vector<16xf32>
        %add3A_935 = arith.constant 23 : i32
        %add3A_936 = vector.broadcast %add3A_935 : i32 to vector<16xi32>
        %add3A_937 = arith.addi %broadcast_in_dim3A_143, %add3A_936 : vector<16xi32>
        %gather3A_938 = tpu.vector_load_idx %arg9[%add3A_112, %add3A_937] : memref<64x128xf32, #tpu.memory_space<vmem>>[vector<16xi32>, vector<16xi32>], vector<16xf32>,
        %add3A_939 = arith.constant 23 : i32
        %add3A_940 = vector.broadcast %add3A_939 : i32 to vector<16xi32>
        %add3A_941 = arith.addi %broadcast_in_dim3A_143, %add3A_940 : vector<16xi32>
        %gather3A_942 = tpu.vector_load_idx %arg10[%add3A_118, %add3A_941] : memref<320x128xf32, #tpu.memory_space<vmem>>[vector<16xi32>, vector<16xi32>], vector<16xf32>,
        %mul3A_943 = arith.mulf %gather3A_938, %gather3A_942 : vector<16xf32>
        %add3A_944 = arith.addf %add3A_910, %mul3A_943 : vector<16xf32>
        %add3A_945 = arith.constant 23 : i32
        %add3A_946 = vector.broadcast %add3A_945 : i32 to vector<16xi32>
        %add3A_947 = arith.addi %broadcast_in_dim3A_143, %add3A_946 : vector<16xi32>
        %gather3A_948 = tpu.vector_load_idx %arg10[%add3A_124, %add3A_947] : memref<320x128xf32, #tpu.memory_space<vmem>>[vector<16xi32>, vector<16xi32>], vector<16xf32>,
        %mul3A_949 = arith.mulf %gather3A_938, %gather3A_948 : vector<16xf32>
        %add3A_950 = arith.addf %add3A_916, %mul3A_949 : vector<16xf32>
        %add3A_951 = arith.constant 23 : i32
        %add3A_952 = vector.broadcast %add3A_951 : i32 to vector<16xi32>
        %add3A_953 = arith.addi %broadcast_in_dim3A_143, %add3A_952 : vector<16xi32>
        %gather3A_954 = tpu.vector_load_idx %arg10[%add3A_130, %add3A_953] : memref<320x128xf32, #tpu.memory_space<vmem>>[vector<16xi32>, vector<16xi32>], vector<16xf32>,
        %mul3A_955 = arith.mulf %gather3A_938, %gather3A_954 : vector<16xf32>
        %add3A_956 = arith.addf %add3A_922, %mul3A_955 : vector<16xf32>
        %add3A_957 = arith.constant 23 : i32
        %add3A_958 = vector.broadcast %add3A_957 : i32 to vector<16xi32>
        %add3A_959 = arith.addi %broadcast_in_dim3A_143, %add3A_958 : vector<16xi32>
        %gather3A_960 = tpu.vector_load_idx %arg10[%add3A_136, %add3A_959] : memref<320x128xf32, #tpu.memory_space<vmem>>[vector<16xi32>, vector<16xi32>], vector<16xf32>,
        %mul3A_961 = arith.mulf %gather3A_938, %gather3A_960 : vector<16xf32>
        %add3A_962 = arith.addf %add3A_928, %mul3A_961 : vector<16xf32>
        %add3A_963 = arith.constant 23 : i32
        %add3A_964 = vector.broadcast %add3A_963 : i32 to vector<16xi32>
        %add3A_965 = arith.addi %broadcast_in_dim3A_143, %add3A_964 : vector<16xi32>
        %gather3A_966 = tpu.vector_load_idx %arg10[%add3A_142, %add3A_965] : memref<320x128xf32, #tpu.memory_space<vmem>>[vector<16xi32>, vector<16xi32>], vector<16xf32>,
        %mul3A_967 = arith.mulf %gather3A_938, %gather3A_966 : vector<16xf32>
        %add3A_968 = arith.addf %add3A_934, %mul3A_967 : vector<16xf32>
        %add3A_969 = arith.constant 24 : i32
        %add3A_970 = vector.broadcast %add3A_969 : i32 to vector<16xi32>
        %add3A_971 = arith.addi %broadcast_in_dim3A_143, %add3A_970 : vector<16xi32>
        %gather3A_972 = tpu.vector_load_idx %arg9[%add3A_112, %add3A_971] : memref<64x128xf32, #tpu.memory_space<vmem>>[vector<16xi32>, vector<16xi32>], vector<16xf32>,
        %add3A_973 = arith.constant 24 : i32
        %add3A_974 = vector.broadcast %add3A_973 : i32 to vector<16xi32>
        %add3A_975 = arith.addi %broadcast_in_dim3A_143, %add3A_974 : vector<16xi32>
        %gather3A_976 = tpu.vector_load_idx %arg10[%add3A_118, %add3A_975] : memref<320x128xf32, #tpu.memory_space<vmem>>[vector<16xi32>, vector<16xi32>], vector<16xf32>,
        %mul3A_977 = arith.mulf %gather3A_972, %gather3A_976 : vector<16xf32>
        %add3A_978 = arith.addf %add3A_944, %mul3A_977 : vector<16xf32>
        %add3A_979 = arith.constant 24 : i32
        %add3A_980 = vector.broadcast %add3A_979 : i32 to vector<16xi32>
        %add3A_981 = arith.addi %broadcast_in_dim3A_143, %add3A_980 : vector<16xi32>
        %gather3A_982 = tpu.vector_load_idx %arg10[%add3A_124, %add3A_981] : memref<320x128xf32, #tpu.memory_space<vmem>>[vector<16xi32>, vector<16xi32>], vector<16xf32>,
        %mul3A_983 = arith.mulf %gather3A_972, %gather3A_982 : vector<16xf32>
        %add3A_984 = arith.addf %add3A_950, %mul3A_983 : vector<16xf32>
        %add3A_985 = arith.constant 24 : i32
        %add3A_986 = vector.broadcast %add3A_985 : i32 to vector<16xi32>
        %add3A_987 = arith.addi %broadcast_in_dim3A_143, %add3A_986 : vector<16xi32>
        %gather3A_988 = tpu.vector_load_idx %arg10[%add3A_130, %add3A_987] : memref<320x128xf32, #tpu.memory_space<vmem>>[vector<16xi32>, vector<16xi32>], vector<16xf32>,
        %mul3A_989 = arith.mulf %gather3A_972, %gather3A_988 : vector<16xf32>
        %add3A_990 = arith.addf %add3A_956, %mul3A_989 : vector<16xf32>
        %add3A_991 = arith.constant 24 : i32
        %add3A_992 = vector.broadcast %add3A_991 : i32 to vector<16xi32>
        %add3A_993 = arith.addi %broadcast_in_dim3A_143, %add3A_992 : vector<16xi32>
        %gather3A_994 = tpu.vector_load_idx %arg10[%add3A_136, %add3A_993] : memref<320x128xf32, #tpu.memory_space<vmem>>[vector<16xi32>, vector<16xi32>], vector<16xf32>,
        %mul3A_995 = arith.mulf %gather3A_972, %gather3A_994 : vector<16xf32>
        %add3A_996 = arith.addf %add3A_962, %mul3A_995 : vector<16xf32>
        %add3A_997 = arith.constant 24 : i32
        %add3A_998 = vector.broadcast %add3A_997 : i32 to vector<16xi32>
        %add3A_999 = arith.addi %broadcast_in_dim3A_143, %add3A_998 : vector<16xi32>
        %gather3A_1000 = tpu.vector_load_idx %arg10[%add3A_142, %add3A_999] : memref<320x128xf32, #tpu.memory_space<vmem>>[vector<16xi32>, vector<16xi32>], vector<16xf32>,
        %mul3A_1001 = arith.mulf %gather3A_972, %gather3A_1000 : vector<16xf32>
        %add3A_1002 = arith.addf %add3A_968, %mul3A_1001 : vector<16xf32>
        %add3A_1003 = arith.constant 25 : i32
        %add3A_1004 = vector.broadcast %add3A_1003 : i32 to vector<16xi32>
        %add3A_1005 = arith.addi %broadcast_in_dim3A_143, %add3A_1004 : vector<16xi32>
        %gather3A_1006 = tpu.vector_load_idx %arg9[%add3A_112, %add3A_1005] : memref<64x128xf32, #tpu.memory_space<vmem>>[vector<16xi32>, vector<16xi32>], vector<16xf32>,
        %add3A_1007 = arith.constant 25 : i32
        %add3A_1008 = vector.broadcast %add3A_1007 : i32 to vector<16xi32>
        %add3A_1009 = arith.addi %broadcast_in_dim3A_143, %add3A_1008 : vector<16xi32>
        %gather3A_1010 = tpu.vector_load_idx %arg10[%add3A_118, %add3A_1009] : memref<320x128xf32, #tpu.memory_space<vmem>>[vector<16xi32>, vector<16xi32>], vector<16xf32>,
        %mul3A_1011 = arith.mulf %gather3A_1006, %gather3A_1010 : vector<16xf32>
        %add3A_1012 = arith.addf %add3A_978, %mul3A_1011 : vector<16xf32>
        %add3A_1013 = arith.constant 25 : i32
        %add3A_1014 = vector.broadcast %add3A_1013 : i32 to vector<16xi32>
        %add3A_1015 = arith.addi %broadcast_in_dim3A_143, %add3A_1014 : vector<16xi32>
        %gather3A_1016 = tpu.vector_load_idx %arg10[%add3A_124, %add3A_1015] : memref<320x128xf32, #tpu.memory_space<vmem>>[vector<16xi32>, vector<16xi32>], vector<16xf32>,
        %mul3A_1017 = arith.mulf %gather3A_1006, %gather3A_1016 : vector<16xf32>
        %add3A_1018 = arith.addf %add3A_984, %mul3A_1017 : vector<16xf32>
        %add3A_1019 = arith.constant 25 : i32
        %add3A_1020 = vector.broadcast %add3A_1019 : i32 to vector<16xi32>
        %add3A_1021 = arith.addi %broadcast_in_dim3A_143, %add3A_1020 : vector<16xi32>
        %gather3A_1022 = tpu.vector_load_idx %arg10[%add3A_130, %add3A_1021] : memref<320x128xf32, #tpu.memory_space<vmem>>[vector<16xi32>, vector<16xi32>], vector<16xf32>,
        %mul3A_1023 = arith.mulf %gather3A_1006, %gather3A_1022 : vector<16xf32>
        %add3A_1024 = arith.addf %add3A_990, %mul3A_1023 : vector<16xf32>
        %add3A_1025 = arith.constant 25 : i32
        %add3A_1026 = vector.broadcast %add3A_1025 : i32 to vector<16xi32>
        %add3A_1027 = arith.addi %broadcast_in_dim3A_143, %add3A_1026 : vector<16xi32>
        %gather3A_1028 = tpu.vector_load_idx %arg10[%add3A_136, %add3A_1027] : memref<320x128xf32, #tpu.memory_space<vmem>>[vector<16xi32>, vector<16xi32>], vector<16xf32>,
        %mul3A_1029 = arith.mulf %gather3A_1006, %gather3A_1028 : vector<16xf32>
        %add3A_1030 = arith.addf %add3A_996, %mul3A_1029 : vector<16xf32>
        %add3A_1031 = arith.constant 25 : i32
        %add3A_1032 = vector.broadcast %add3A_1031 : i32 to vector<16xi32>
        %add3A_1033 = arith.addi %broadcast_in_dim3A_143, %add3A_1032 : vector<16xi32>
        %gather3A_1034 = tpu.vector_load_idx %arg10[%add3A_142, %add3A_1033] : memref<320x128xf32, #tpu.memory_space<vmem>>[vector<16xi32>, vector<16xi32>], vector<16xf32>,
        %mul3A_1035 = arith.mulf %gather3A_1006, %gather3A_1034 : vector<16xf32>
        %add3A_1036 = arith.addf %add3A_1002, %mul3A_1035 : vector<16xf32>
        %add3A_1037 = arith.constant 26 : i32
        %add3A_1038 = vector.broadcast %add3A_1037 : i32 to vector<16xi32>
        %add3A_1039 = arith.addi %broadcast_in_dim3A_143, %add3A_1038 : vector<16xi32>
        %gather3A_1040 = tpu.vector_load_idx %arg9[%add3A_112, %add3A_1039] : memref<64x128xf32, #tpu.memory_space<vmem>>[vector<16xi32>, vector<16xi32>], vector<16xf32>,
        %add3A_1041 = arith.constant 26 : i32
        %add3A_1042 = vector.broadcast %add3A_1041 : i32 to vector<16xi32>
        %add3A_1043 = arith.addi %broadcast_in_dim3A_143, %add3A_1042 : vector<16xi32>
        %gather3A_1044 = tpu.vector_load_idx %arg10[%add3A_118, %add3A_1043] : memref<320x128xf32, #tpu.memory_space<vmem>>[vector<16xi32>, vector<16xi32>], vector<16xf32>,
        %mul3A_1045 = arith.mulf %gather3A_1040, %gather3A_1044 : vector<16xf32>
        %add3A_1046 = arith.addf %add3A_1012, %mul3A_1045 : vector<16xf32>
        %add3A_1047 = arith.constant 26 : i32
        %add3A_1048 = vector.broadcast %add3A_1047 : i32 to vector<16xi32>
        %add3A_1049 = arith.addi %broadcast_in_dim3A_143, %add3A_1048 : vector<16xi32>
        %gather3A_1050 = tpu.vector_load_idx %arg10[%add3A_124, %add3A_1049] : memref<320x128xf32, #tpu.memory_space<vmem>>[vector<16xi32>, vector<16xi32>], vector<16xf32>,
        %mul3A_1051 = arith.mulf %gather3A_1040, %gather3A_1050 : vector<16xf32>
        %add3A_1052 = arith.addf %add3A_1018, %mul3A_1051 : vector<16xf32>
        %add3A_1053 = arith.constant 26 : i32
        %add3A_1054 = vector.broadcast %add3A_1053 : i32 to vector<16xi32>
        %add3A_1055 = arith.addi %broadcast_in_dim3A_143, %add3A_1054 : vector<16xi32>
        %gather3A_1056 = tpu.vector_load_idx %arg10[%add3A_130, %add3A_1055] : memref<320x128xf32, #tpu.memory_space<vmem>>[vector<16xi32>, vector<16xi32>], vector<16xf32>,
        %mul3A_1057 = arith.mulf %gather3A_1040, %gather3A_1056 : vector<16xf32>
        %add3A_1058 = arith.addf %add3A_1024, %mul3A_1057 : vector<16xf32>
        %add3A_1059 = arith.constant 26 : i32
        %add3A_1060 = vector.broadcast %add3A_1059 : i32 to vector<16xi32>
        %add3A_1061 = arith.addi %broadcast_in_dim3A_143, %add3A_1060 : vector<16xi32>
        %gather3A_1062 = tpu.vector_load_idx %arg10[%add3A_136, %add3A_1061] : memref<320x128xf32, #tpu.memory_space<vmem>>[vector<16xi32>, vector<16xi32>], vector<16xf32>,
        %mul3A_1063 = arith.mulf %gather3A_1040, %gather3A_1062 : vector<16xf32>
        %add3A_1064 = arith.addf %add3A_1030, %mul3A_1063 : vector<16xf32>
        %add3A_1065 = arith.constant 26 : i32
        %add3A_1066 = vector.broadcast %add3A_1065 : i32 to vector<16xi32>
        %add3A_1067 = arith.addi %broadcast_in_dim3A_143, %add3A_1066 : vector<16xi32>
        %gather3A_1068 = tpu.vector_load_idx %arg10[%add3A_142, %add3A_1067] : memref<320x128xf32, #tpu.memory_space<vmem>>[vector<16xi32>, vector<16xi32>], vector<16xf32>,
        %mul3A_1069 = arith.mulf %gather3A_1040, %gather3A_1068 : vector<16xf32>
        %add3A_1070 = arith.addf %add3A_1036, %mul3A_1069 : vector<16xf32>
        %add3A_1071 = arith.constant 27 : i32
        %add3A_1072 = vector.broadcast %add3A_1071 : i32 to vector<16xi32>
        %add3A_1073 = arith.addi %broadcast_in_dim3A_143, %add3A_1072 : vector<16xi32>
        %gather3A_1074 = tpu.vector_load_idx %arg9[%add3A_112, %add3A_1073] : memref<64x128xf32, #tpu.memory_space<vmem>>[vector<16xi32>, vector<16xi32>], vector<16xf32>,
        %add3A_1075 = arith.constant 27 : i32
        %add3A_1076 = vector.broadcast %add3A_1075 : i32 to vector<16xi32>
        %add3A_1077 = arith.addi %broadcast_in_dim3A_143, %add3A_1076 : vector<16xi32>
        %gather3A_1078 = tpu.vector_load_idx %arg10[%add3A_118, %add3A_1077] : memref<320x128xf32, #tpu.memory_space<vmem>>[vector<16xi32>, vector<16xi32>], vector<16xf32>,
        %mul3A_1079 = arith.mulf %gather3A_1074, %gather3A_1078 : vector<16xf32>
        %add3A_1080 = arith.addf %add3A_1046, %mul3A_1079 : vector<16xf32>
        %add3A_1081 = arith.constant 27 : i32
        %add3A_1082 = vector.broadcast %add3A_1081 : i32 to vector<16xi32>
        %add3A_1083 = arith.addi %broadcast_in_dim3A_143, %add3A_1082 : vector<16xi32>
        %gather3A_1084 = tpu.vector_load_idx %arg10[%add3A_124, %add3A_1083] : memref<320x128xf32, #tpu.memory_space<vmem>>[vector<16xi32>, vector<16xi32>], vector<16xf32>,
        %mul3A_1085 = arith.mulf %gather3A_1074, %gather3A_1084 : vector<16xf32>
        %add3A_1086 = arith.addf %add3A_1052, %mul3A_1085 : vector<16xf32>
        %add3A_1087 = arith.constant 27 : i32
        %add3A_1088 = vector.broadcast %add3A_1087 : i32 to vector<16xi32>
        %add3A_1089 = arith.addi %broadcast_in_dim3A_143, %add3A_1088 : vector<16xi32>
        %gather3A_1090 = tpu.vector_load_idx %arg10[%add3A_130, %add3A_1089] : memref<320x128xf32, #tpu.memory_space<vmem>>[vector<16xi32>, vector<16xi32>], vector<16xf32>,
        %mul3A_1091 = arith.mulf %gather3A_1074, %gather3A_1090 : vector<16xf32>
        %add3A_1092 = arith.addf %add3A_1058, %mul3A_1091 : vector<16xf32>
        %add3A_1093 = arith.constant 27 : i32
        %add3A_1094 = vector.broadcast %add3A_1093 : i32 to vector<16xi32>
        %add3A_1095 = arith.addi %broadcast_in_dim3A_143, %add3A_1094 : vector<16xi32>
        %gather3A_1096 = tpu.vector_load_idx %arg10[%add3A_136, %add3A_1095] : memref<320x128xf32, #tpu.memory_space<vmem>>[vector<16xi32>, vector<16xi32>], vector<16xf32>,
        %mul3A_1097 = arith.mulf %gather3A_1074, %gather3A_1096 : vector<16xf32>
        %add3A_1098 = arith.addf %add3A_1064, %mul3A_1097 : vector<16xf32>
        %add3A_1099 = arith.constant 27 : i32
        %add3A_1100 = vector.broadcast %add3A_1099 : i32 to vector<16xi32>
        %add3A_1101 = arith.addi %broadcast_in_dim3A_143, %add3A_1100 : vector<16xi32>
        %gather3A_1102 = tpu.vector_load_idx %arg10[%add3A_142, %add3A_1101] : memref<320x128xf32, #tpu.memory_space<vmem>>[vector<16xi32>, vector<16xi32>], vector<16xf32>,
        %mul3A_1103 = arith.mulf %gather3A_1074, %gather3A_1102 : vector<16xf32>
        %add3A_1104 = arith.addf %add3A_1070, %mul3A_1103 : vector<16xf32>
        %add3A_1105 = arith.constant 28 : i32
        %add3A_1106 = vector.broadcast %add3A_1105 : i32 to vector<16xi32>
        %add3A_1107 = arith.addi %broadcast_in_dim3A_143, %add3A_1106 : vector<16xi32>
        %gather3A_1108 = tpu.vector_load_idx %arg9[%add3A_112, %add3A_1107] : memref<64x128xf32, #tpu.memory_space<vmem>>[vector<16xi32>, vector<16xi32>], vector<16xf32>,
        %add3A_1109 = arith.constant 28 : i32
        %add3A_1110 = vector.broadcast %add3A_1109 : i32 to vector<16xi32>
        %add3A_1111 = arith.addi %broadcast_in_dim3A_143, %add3A_1110 : vector<16xi32>
        %gather3A_1112 = tpu.vector_load_idx %arg10[%add3A_118, %add3A_1111] : memref<320x128xf32, #tpu.memory_space<vmem>>[vector<16xi32>, vector<16xi32>], vector<16xf32>,
        %mul3A_1113 = arith.mulf %gather3A_1108, %gather3A_1112 : vector<16xf32>
        %add3A_1114 = arith.addf %add3A_1080, %mul3A_1113 : vector<16xf32>
        %add3A_1115 = arith.constant 28 : i32
        %add3A_1116 = vector.broadcast %add3A_1115 : i32 to vector<16xi32>
        %add3A_1117 = arith.addi %broadcast_in_dim3A_143, %add3A_1116 : vector<16xi32>
        %gather3A_1118 = tpu.vector_load_idx %arg10[%add3A_124, %add3A_1117] : memref<320x128xf32, #tpu.memory_space<vmem>>[vector<16xi32>, vector<16xi32>], vector<16xf32>,
        %mul3A_1119 = arith.mulf %gather3A_1108, %gather3A_1118 : vector<16xf32>
        %add3A_1120 = arith.addf %add3A_1086, %mul3A_1119 : vector<16xf32>
        %add3A_1121 = arith.constant 28 : i32
        %add3A_1122 = vector.broadcast %add3A_1121 : i32 to vector<16xi32>
        %add3A_1123 = arith.addi %broadcast_in_dim3A_143, %add3A_1122 : vector<16xi32>
        %gather3A_1124 = tpu.vector_load_idx %arg10[%add3A_130, %add3A_1123] : memref<320x128xf32, #tpu.memory_space<vmem>>[vector<16xi32>, vector<16xi32>], vector<16xf32>,
        %mul3A_1125 = arith.mulf %gather3A_1108, %gather3A_1124 : vector<16xf32>
        %add3A_1126 = arith.addf %add3A_1092, %mul3A_1125 : vector<16xf32>
        %add3A_1127 = arith.constant 28 : i32
        %add3A_1128 = vector.broadcast %add3A_1127 : i32 to vector<16xi32>
        %add3A_1129 = arith.addi %broadcast_in_dim3A_143, %add3A_1128 : vector<16xi32>
        %gather3A_1130 = tpu.vector_load_idx %arg10[%add3A_136, %add3A_1129] : memref<320x128xf32, #tpu.memory_space<vmem>>[vector<16xi32>, vector<16xi32>], vector<16xf32>,
        %mul3A_1131 = arith.mulf %gather3A_1108, %gather3A_1130 : vector<16xf32>
        %add3A_1132 = arith.addf %add3A_1098, %mul3A_1131 : vector<16xf32>
        %add3A_1133 = arith.constant 28 : i32
        %add3A_1134 = vector.broadcast %add3A_1133 : i32 to vector<16xi32>
        %add3A_1135 = arith.addi %broadcast_in_dim3A_143, %add3A_1134 : vector<16xi32>
        %gather3A_1136 = tpu.vector_load_idx %arg10[%add3A_142, %add3A_1135] : memref<320x128xf32, #tpu.memory_space<vmem>>[vector<16xi32>, vector<16xi32>], vector<16xf32>,
        %mul3A_1137 = arith.mulf %gather3A_1108, %gather3A_1136 : vector<16xf32>
        %add3A_1138 = arith.addf %add3A_1104, %mul3A_1137 : vector<16xf32>
        %add3A_1139 = arith.constant 29 : i32
        %add3A_1140 = vector.broadcast %add3A_1139 : i32 to vector<16xi32>
        %add3A_1141 = arith.addi %broadcast_in_dim3A_143, %add3A_1140 : vector<16xi32>
        %gather3A_1142 = tpu.vector_load_idx %arg9[%add3A_112, %add3A_1141] : memref<64x128xf32, #tpu.memory_space<vmem>>[vector<16xi32>, vector<16xi32>], vector<16xf32>,
        %add3A_1143 = arith.constant 29 : i32
        %add3A_1144 = vector.broadcast %add3A_1143 : i32 to vector<16xi32>
        %add3A_1145 = arith.addi %broadcast_in_dim3A_143, %add3A_1144 : vector<16xi32>
        %gather3A_1146 = tpu.vector_load_idx %arg10[%add3A_118, %add3A_1145] : memref<320x128xf32, #tpu.memory_space<vmem>>[vector<16xi32>, vector<16xi32>], vector<16xf32>,
        %mul3A_1147 = arith.mulf %gather3A_1142, %gather3A_1146 : vector<16xf32>
        %add3A_1148 = arith.addf %add3A_1114, %mul3A_1147 : vector<16xf32>
        %add3A_1149 = arith.constant 29 : i32
        %add3A_1150 = vector.broadcast %add3A_1149 : i32 to vector<16xi32>
        %add3A_1151 = arith.addi %broadcast_in_dim3A_143, %add3A_1150 : vector<16xi32>
        %gather3A_1152 = tpu.vector_load_idx %arg10[%add3A_124, %add3A_1151] : memref<320x128xf32, #tpu.memory_space<vmem>>[vector<16xi32>, vector<16xi32>], vector<16xf32>,
        %mul3A_1153 = arith.mulf %gather3A_1142, %gather3A_1152 : vector<16xf32>
        %add3A_1154 = arith.addf %add3A_1120, %mul3A_1153 : vector<16xf32>
        %add3A_1155 = arith.constant 29 : i32
        %add3A_1156 = vector.broadcast %add3A_1155 : i32 to vector<16xi32>
        %add3A_1157 = arith.addi %broadcast_in_dim3A_143, %add3A_1156 : vector<16xi32>
        %gather3A_1158 = tpu.vector_load_idx %arg10[%add3A_130, %add3A_1157] : memref<320x128xf32, #tpu.memory_space<vmem>>[vector<16xi32>, vector<16xi32>], vector<16xf32>,
        %mul3A_1159 = arith.mulf %gather3A_1142, %gather3A_1158 : vector<16xf32>
        %add3A_1160 = arith.addf %add3A_1126, %mul3A_1159 : vector<16xf32>
        %add3A_1161 = arith.constant 29 : i32
        %add3A_1162 = vector.broadcast %add3A_1161 : i32 to vector<16xi32>
        %add3A_1163 = arith.addi %broadcast_in_dim3A_143, %add3A_1162 : vector<16xi32>
        %gather3A_1164 = tpu.vector_load_idx %arg10[%add3A_136, %add3A_1163] : memref<320x128xf32, #tpu.memory_space<vmem>>[vector<16xi32>, vector<16xi32>], vector<16xf32>,
        %mul3A_1165 = arith.mulf %gather3A_1142, %gather3A_1164 : vector<16xf32>
        %add3A_1166 = arith.addf %add3A_1132, %mul3A_1165 : vector<16xf32>
        %add3A_1167 = arith.constant 29 : i32
        %add3A_1168 = vector.broadcast %add3A_1167 : i32 to vector<16xi32>
        %add3A_1169 = arith.addi %broadcast_in_dim3A_143, %add3A_1168 : vector<16xi32>
        %gather3A_1170 = tpu.vector_load_idx %arg10[%add3A_142, %add3A_1169] : memref<320x128xf32, #tpu.memory_space<vmem>>[vector<16xi32>, vector<16xi32>], vector<16xf32>,
        %mul3A_1171 = arith.mulf %gather3A_1142, %gather3A_1170 : vector<16xf32>
        %add3A_1172 = arith.addf %add3A_1138, %mul3A_1171 : vector<16xf32>
        %add3A_1173 = arith.constant 30 : i32
        %add3A_1174 = vector.broadcast %add3A_1173 : i32 to vector<16xi32>
        %add3A_1175 = arith.addi %broadcast_in_dim3A_143, %add3A_1174 : vector<16xi32>
        %gather3A_1176 = tpu.vector_load_idx %arg9[%add3A_112, %add3A_1175] : memref<64x128xf32, #tpu.memory_space<vmem>>[vector<16xi32>, vector<16xi32>], vector<16xf32>,
        %add3A_1177 = arith.constant 30 : i32
        %add3A_1178 = vector.broadcast %add3A_1177 : i32 to vector<16xi32>
        %add3A_1179 = arith.addi %broadcast_in_dim3A_143, %add3A_1178 : vector<16xi32>
        %gather3A_1180 = tpu.vector_load_idx %arg10[%add3A_118, %add3A_1179] : memref<320x128xf32, #tpu.memory_space<vmem>>[vector<16xi32>, vector<16xi32>], vector<16xf32>,
        %mul3A_1181 = arith.mulf %gather3A_1176, %gather3A_1180 : vector<16xf32>
        %add3A_1182 = arith.addf %add3A_1148, %mul3A_1181 : vector<16xf32>
        %add3A_1183 = arith.constant 30 : i32
        %add3A_1184 = vector.broadcast %add3A_1183 : i32 to vector<16xi32>
        %add3A_1185 = arith.addi %broadcast_in_dim3A_143, %add3A_1184 : vector<16xi32>
        %gather3A_1186 = tpu.vector_load_idx %arg10[%add3A_124, %add3A_1185] : memref<320x128xf32, #tpu.memory_space<vmem>>[vector<16xi32>, vector<16xi32>], vector<16xf32>,
        %mul3A_1187 = arith.mulf %gather3A_1176, %gather3A_1186 : vector<16xf32>
        %add3A_1188 = arith.addf %add3A_1154, %mul3A_1187 : vector<16xf32>
        %add3A_1189 = arith.constant 30 : i32
        %add3A_1190 = vector.broadcast %add3A_1189 : i32 to vector<16xi32>
        %add3A_1191 = arith.addi %broadcast_in_dim3A_143, %add3A_1190 : vector<16xi32>
        %gather3A_1192 = tpu.vector_load_idx %arg10[%add3A_130, %add3A_1191] : memref<320x128xf32, #tpu.memory_space<vmem>>[vector<16xi32>, vector<16xi32>], vector<16xf32>,
        %mul3A_1193 = arith.mulf %gather3A_1176, %gather3A_1192 : vector<16xf32>
        %add3A_1194 = arith.addf %add3A_1160, %mul3A_1193 : vector<16xf32>
        %add3A_1195 = arith.constant 30 : i32
        %add3A_1196 = vector.broadcast %add3A_1195 : i32 to vector<16xi32>
        %add3A_1197 = arith.addi %broadcast_in_dim3A_143, %add3A_1196 : vector<16xi32>
        %gather3A_1198 = tpu.vector_load_idx %arg10[%add3A_136, %add3A_1197] : memref<320x128xf32, #tpu.memory_space<vmem>>[vector<16xi32>, vector<16xi32>], vector<16xf32>,
        %mul3A_1199 = arith.mulf %gather3A_1176, %gather3A_1198 : vector<16xf32>
        %add3A_1200 = arith.addf %add3A_1166, %mul3A_1199 : vector<16xf32>
        %add3A_1201 = arith.constant 30 : i32
        %add3A_1202 = vector.broadcast %add3A_1201 : i32 to vector<16xi32>
        %add3A_1203 = arith.addi %broadcast_in_dim3A_143, %add3A_1202 : vector<16xi32>
        %gather3A_1204 = tpu.vector_load_idx %arg10[%add3A_142, %add3A_1203] : memref<320x128xf32, #tpu.memory_space<vmem>>[vector<16xi32>, vector<16xi32>], vector<16xf32>,
        %mul3A_1205 = arith.mulf %gather3A_1176, %gather3A_1204 : vector<16xf32>
        %add3A_1206 = arith.addf %add3A_1172, %mul3A_1205 : vector<16xf32>
        %add3A_1207 = arith.constant 31 : i32
        %add3A_1208 = vector.broadcast %add3A_1207 : i32 to vector<16xi32>
        %add3A_1209 = arith.addi %broadcast_in_dim3A_143, %add3A_1208 : vector<16xi32>
        %gather3A_1210 = tpu.vector_load_idx %arg9[%add3A_112, %add3A_1209] : memref<64x128xf32, #tpu.memory_space<vmem>>[vector<16xi32>, vector<16xi32>], vector<16xf32>,
        %add3A_1211 = arith.constant 31 : i32
        %add3A_1212 = vector.broadcast %add3A_1211 : i32 to vector<16xi32>
        %add3A_1213 = arith.addi %broadcast_in_dim3A_143, %add3A_1212 : vector<16xi32>
        %gather3A_1214 = tpu.vector_load_idx %arg10[%add3A_118, %add3A_1213] : memref<320x128xf32, #tpu.memory_space<vmem>>[vector<16xi32>, vector<16xi32>], vector<16xf32>,
        %mul3A_1215 = arith.mulf %gather3A_1210, %gather3A_1214 : vector<16xf32>
        %add3A_1216 = arith.addf %add3A_1182, %mul3A_1215 : vector<16xf32>
        %add3A_1217 = arith.constant 31 : i32
        %add3A_1218 = vector.broadcast %add3A_1217 : i32 to vector<16xi32>
        %add3A_1219 = arith.addi %broadcast_in_dim3A_143, %add3A_1218 : vector<16xi32>
        %gather3A_1220 = tpu.vector_load_idx %arg10[%add3A_124, %add3A_1219] : memref<320x128xf32, #tpu.memory_space<vmem>>[vector<16xi32>, vector<16xi32>], vector<16xf32>,
        %mul3A_1221 = arith.mulf %gather3A_1210, %gather3A_1220 : vector<16xf32>
        %add3A_1222 = arith.addf %add3A_1188, %mul3A_1221 : vector<16xf32>
        %add3A_1223 = arith.constant 31 : i32
        %add3A_1224 = vector.broadcast %add3A_1223 : i32 to vector<16xi32>
        %add3A_1225 = arith.addi %broadcast_in_dim3A_143, %add3A_1224 : vector<16xi32>
        %gather3A_1226 = tpu.vector_load_idx %arg10[%add3A_130, %add3A_1225] : memref<320x128xf32, #tpu.memory_space<vmem>>[vector<16xi32>, vector<16xi32>], vector<16xf32>,
        %mul3A_1227 = arith.mulf %gather3A_1210, %gather3A_1226 : vector<16xf32>
        %add3A_1228 = arith.addf %add3A_1194, %mul3A_1227 : vector<16xf32>
        %add3A_1229 = arith.constant 31 : i32
        %add3A_1230 = vector.broadcast %add3A_1229 : i32 to vector<16xi32>
        %add3A_1231 = arith.addi %broadcast_in_dim3A_143, %add3A_1230 : vector<16xi32>
        %gather3A_1232 = tpu.vector_load_idx %arg10[%add3A_136, %add3A_1231] : memref<320x128xf32, #tpu.memory_space<vmem>>[vector<16xi32>, vector<16xi32>], vector<16xf32>,
        %mul3A_1233 = arith.mulf %gather3A_1210, %gather3A_1232 : vector<16xf32>
        %add3A_1234 = arith.addf %add3A_1200, %mul3A_1233 : vector<16xf32>
        %add3A_1235 = arith.constant 31 : i32
        %add3A_1236 = vector.broadcast %add3A_1235 : i32 to vector<16xi32>
        %add3A_1237 = arith.addi %broadcast_in_dim3A_143, %add3A_1236 : vector<16xi32>
        %gather3A_1238 = tpu.vector_load_idx %arg10[%add3A_142, %add3A_1237] : memref<320x128xf32, #tpu.memory_space<vmem>>[vector<16xi32>, vector<16xi32>], vector<16xf32>,
        %mul3A_1239 = arith.mulf %gather3A_1210, %gather3A_1238 : vector<16xf32>
        %add3A_1240 = arith.addf %add3A_1206, %mul3A_1239 : vector<16xf32>
        %add3A_1241 = arith.constant 32 : i32
        %add3A_1242 = vector.broadcast %add3A_1241 : i32 to vector<16xi32>
        %add3A_1243 = arith.addi %broadcast_in_dim3A_143, %add3A_1242 : vector<16xi32>
        %gather3A_1244 = tpu.vector_load_idx %arg9[%add3A_112, %add3A_1243] : memref<64x128xf32, #tpu.memory_space<vmem>>[vector<16xi32>, vector<16xi32>], vector<16xf32>,
        %add3A_1245 = arith.constant 32 : i32
        %add3A_1246 = vector.broadcast %add3A_1245 : i32 to vector<16xi32>
        %add3A_1247 = arith.addi %broadcast_in_dim3A_143, %add3A_1246 : vector<16xi32>
        %gather3A_1248 = tpu.vector_load_idx %arg10[%add3A_118, %add3A_1247] : memref<320x128xf32, #tpu.memory_space<vmem>>[vector<16xi32>, vector<16xi32>], vector<16xf32>,
        %mul3A_1249 = arith.mulf %gather3A_1244, %gather3A_1248 : vector<16xf32>
        %add3A_1250 = arith.addf %add3A_1216, %mul3A_1249 : vector<16xf32>
        %add3A_1251 = arith.constant 32 : i32
        %add3A_1252 = vector.broadcast %add3A_1251 : i32 to vector<16xi32>
        %add3A_1253 = arith.addi %broadcast_in_dim3A_143, %add3A_1252 : vector<16xi32>
        %gather3A_1254 = tpu.vector_load_idx %arg10[%add3A_124, %add3A_1253] : memref<320x128xf32, #tpu.memory_space<vmem>>[vector<16xi32>, vector<16xi32>], vector<16xf32>,
        %mul3A_1255 = arith.mulf %gather3A_1244, %gather3A_1254 : vector<16xf32>
        %add3A_1256 = arith.addf %add3A_1222, %mul3A_1255 : vector<16xf32>
        %add3A_1257 = arith.constant 32 : i32
        %add3A_1258 = vector.broadcast %add3A_1257 : i32 to vector<16xi32>
        %add3A_1259 = arith.addi %broadcast_in_dim3A_143, %add3A_1258 : vector<16xi32>
        %gather3A_1260 = tpu.vector_load_idx %arg10[%add3A_130, %add3A_1259] : memref<320x128xf32, #tpu.memory_space<vmem>>[vector<16xi32>, vector<16xi32>], vector<16xf32>,
        %mul3A_1261 = arith.mulf %gather3A_1244, %gather3A_1260 : vector<16xf32>
        %add3A_1262 = arith.addf %add3A_1228, %mul3A_1261 : vector<16xf32>
        %add3A_1263 = arith.constant 32 : i32
        %add3A_1264 = vector.broadcast %add3A_1263 : i32 to vector<16xi32>
        %add3A_1265 = arith.addi %broadcast_in_dim3A_143, %add3A_1264 : vector<16xi32>
        %gather3A_1266 = tpu.vector_load_idx %arg10[%add3A_136, %add3A_1265] : memref<320x128xf32, #tpu.memory_space<vmem>>[vector<16xi32>, vector<16xi32>], vector<16xf32>,
        %mul3A_1267 = arith.mulf %gather3A_1244, %gather3A_1266 : vector<16xf32>
        %add3A_1268 = arith.addf %add3A_1234, %mul3A_1267 : vector<16xf32>
        %add3A_1269 = arith.constant 32 : i32
        %add3A_1270 = vector.broadcast %add3A_1269 : i32 to vector<16xi32>
        %add3A_1271 = arith.addi %broadcast_in_dim3A_143, %add3A_1270 : vector<16xi32>
        %gather3A_1272 = tpu.vector_load_idx %arg10[%add3A_142, %add3A_1271] : memref<320x128xf32, #tpu.memory_space<vmem>>[vector<16xi32>, vector<16xi32>], vector<16xf32>,
        %mul3A_1273 = arith.mulf %gather3A_1244, %gather3A_1272 : vector<16xf32>
        %add3A_1274 = arith.addf %add3A_1240, %mul3A_1273 : vector<16xf32>
        %add3A_1275 = arith.constant 33 : i32
        %add3A_1276 = vector.broadcast %add3A_1275 : i32 to vector<16xi32>
        %add3A_1277 = arith.addi %broadcast_in_dim3A_143, %add3A_1276 : vector<16xi32>
        %gather3A_1278 = tpu.vector_load_idx %arg9[%add3A_112, %add3A_1277] : memref<64x128xf32, #tpu.memory_space<vmem>>[vector<16xi32>, vector<16xi32>], vector<16xf32>,
        %add3A_1279 = arith.constant 33 : i32
        %add3A_1280 = vector.broadcast %add3A_1279 : i32 to vector<16xi32>
        %add3A_1281 = arith.addi %broadcast_in_dim3A_143, %add3A_1280 : vector<16xi32>
        %gather3A_1282 = tpu.vector_load_idx %arg10[%add3A_118, %add3A_1281] : memref<320x128xf32, #tpu.memory_space<vmem>>[vector<16xi32>, vector<16xi32>], vector<16xf32>,
        %mul3A_1283 = arith.mulf %gather3A_1278, %gather3A_1282 : vector<16xf32>
        %add3A_1284 = arith.addf %add3A_1250, %mul3A_1283 : vector<16xf32>
        %add3A_1285 = arith.constant 33 : i32
        %add3A_1286 = vector.broadcast %add3A_1285 : i32 to vector<16xi32>
        %add3A_1287 = arith.addi %broadcast_in_dim3A_143, %add3A_1286 : vector<16xi32>
        %gather3A_1288 = tpu.vector_load_idx %arg10[%add3A_124, %add3A_1287] : memref<320x128xf32, #tpu.memory_space<vmem>>[vector<16xi32>, vector<16xi32>], vector<16xf32>,
        %mul3A_1289 = arith.mulf %gather3A_1278, %gather3A_1288 : vector<16xf32>
        %add3A_1290 = arith.addf %add3A_1256, %mul3A_1289 : vector<16xf32>
        %add3A_1291 = arith.constant 33 : i32
        %add3A_1292 = vector.broadcast %add3A_1291 : i32 to vector<16xi32>
        %add3A_1293 = arith.addi %broadcast_in_dim3A_143, %add3A_1292 : vector<16xi32>
        %gather3A_1294 = tpu.vector_load_idx %arg10[%add3A_130, %add3A_1293] : memref<320x128xf32, #tpu.memory_space<vmem>>[vector<16xi32>, vector<16xi32>], vector<16xf32>,
        %mul3A_1295 = arith.mulf %gather3A_1278, %gather3A_1294 : vector<16xf32>
        %add3A_1296 = arith.addf %add3A_1262, %mul3A_1295 : vector<16xf32>
        %add3A_1297 = arith.constant 33 : i32
        %add3A_1298 = vector.broadcast %add3A_1297 : i32 to vector<16xi32>
        %add3A_1299 = arith.addi %broadcast_in_dim3A_143, %add3A_1298 : vector<16xi32>
        %gather3A_1300 = tpu.vector_load_idx %arg10[%add3A_136, %add3A_1299] : memref<320x128xf32, #tpu.memory_space<vmem>>[vector<16xi32>, vector<16xi32>], vector<16xf32>,
        %mul3A_1301 = arith.mulf %gather3A_1278, %gather3A_1300 : vector<16xf32>
        %add3A_1302 = arith.addf %add3A_1268, %mul3A_1301 : vector<16xf32>
        %add3A_1303 = arith.constant 33 : i32
        %add3A_1304 = vector.broadcast %add3A_1303 : i32 to vector<16xi32>
        %add3A_1305 = arith.addi %broadcast_in_dim3A_143, %add3A_1304 : vector<16xi32>
        %gather3A_1306 = tpu.vector_load_idx %arg10[%add3A_142, %add3A_1305] : memref<320x128xf32, #tpu.memory_space<vmem>>[vector<16xi32>, vector<16xi32>], vector<16xf32>,
        %mul3A_1307 = arith.mulf %gather3A_1278, %gather3A_1306 : vector<16xf32>
        %add3A_1308 = arith.addf %add3A_1274, %mul3A_1307 : vector<16xf32>
        %add3A_1309 = arith.constant 34 : i32
        %add3A_1310 = vector.broadcast %add3A_1309 : i32 to vector<16xi32>
        %add3A_1311 = arith.addi %broadcast_in_dim3A_143, %add3A_1310 : vector<16xi32>
        %gather3A_1312 = tpu.vector_load_idx %arg9[%add3A_112, %add3A_1311] : memref<64x128xf32, #tpu.memory_space<vmem>>[vector<16xi32>, vector<16xi32>], vector<16xf32>,
        %add3A_1313 = arith.constant 34 : i32
        %add3A_1314 = vector.broadcast %add3A_1313 : i32 to vector<16xi32>
        %add3A_1315 = arith.addi %broadcast_in_dim3A_143, %add3A_1314 : vector<16xi32>
        %gather3A_1316 = tpu.vector_load_idx %arg10[%add3A_118, %add3A_1315] : memref<320x128xf32, #tpu.memory_space<vmem>>[vector<16xi32>, vector<16xi32>], vector<16xf32>,
        %mul3A_1317 = arith.mulf %gather3A_1312, %gather3A_1316 : vector<16xf32>
        %add3A_1318 = arith.addf %add3A_1284, %mul3A_1317 : vector<16xf32>
        %add3A_1319 = arith.constant 34 : i32
        %add3A_1320 = vector.broadcast %add3A_1319 : i32 to vector<16xi32>
        %add3A_1321 = arith.addi %broadcast_in_dim3A_143, %add3A_1320 : vector<16xi32>
        %gather3A_1322 = tpu.vector_load_idx %arg10[%add3A_124, %add3A_1321] : memref<320x128xf32, #tpu.memory_space<vmem>>[vector<16xi32>, vector<16xi32>], vector<16xf32>,
        %mul3A_1323 = arith.mulf %gather3A_1312, %gather3A_1322 : vector<16xf32>
        %add3A_1324 = arith.addf %add3A_1290, %mul3A_1323 : vector<16xf32>
        %add3A_1325 = arith.constant 34 : i32
        %add3A_1326 = vector.broadcast %add3A_1325 : i32 to vector<16xi32>
        %add3A_1327 = arith.addi %broadcast_in_dim3A_143, %add3A_1326 : vector<16xi32>
        %gather3A_1328 = tpu.vector_load_idx %arg10[%add3A_130, %add3A_1327] : memref<320x128xf32, #tpu.memory_space<vmem>>[vector<16xi32>, vector<16xi32>], vector<16xf32>,
        %mul3A_1329 = arith.mulf %gather3A_1312, %gather3A_1328 : vector<16xf32>
        %add3A_1330 = arith.addf %add3A_1296, %mul3A_1329 : vector<16xf32>
        %add3A_1331 = arith.constant 34 : i32
        %add3A_1332 = vector.broadcast %add3A_1331 : i32 to vector<16xi32>
        %add3A_1333 = arith.addi %broadcast_in_dim3A_143, %add3A_1332 : vector<16xi32>
        %gather3A_1334 = tpu.vector_load_idx %arg10[%add3A_136, %add3A_1333] : memref<320x128xf32, #tpu.memory_space<vmem>>[vector<16xi32>, vector<16xi32>], vector<16xf32>,
        %mul3A_1335 = arith.mulf %gather3A_1312, %gather3A_1334 : vector<16xf32>
        %add3A_1336 = arith.addf %add3A_1302, %mul3A_1335 : vector<16xf32>
        %add3A_1337 = arith.constant 34 : i32
        %add3A_1338 = vector.broadcast %add3A_1337 : i32 to vector<16xi32>
        %add3A_1339 = arith.addi %broadcast_in_dim3A_143, %add3A_1338 : vector<16xi32>
        %gather3A_1340 = tpu.vector_load_idx %arg10[%add3A_142, %add3A_1339] : memref<320x128xf32, #tpu.memory_space<vmem>>[vector<16xi32>, vector<16xi32>], vector<16xf32>,
        %mul3A_1341 = arith.mulf %gather3A_1312, %gather3A_1340 : vector<16xf32>
        %add3A_1342 = arith.addf %add3A_1308, %mul3A_1341 : vector<16xf32>
        %add3A_1343 = arith.constant 35 : i32
        %add3A_1344 = vector.broadcast %add3A_1343 : i32 to vector<16xi32>
        %add3A_1345 = arith.addi %broadcast_in_dim3A_143, %add3A_1344 : vector<16xi32>
        %gather3A_1346 = tpu.vector_load_idx %arg9[%add3A_112, %add3A_1345] : memref<64x128xf32, #tpu.memory_space<vmem>>[vector<16xi32>, vector<16xi32>], vector<16xf32>,
        %add3A_1347 = arith.constant 35 : i32
        %add3A_1348 = vector.broadcast %add3A_1347 : i32 to vector<16xi32>
        %add3A_1349 = arith.addi %broadcast_in_dim3A_143, %add3A_1348 : vector<16xi32>
        %gather3A_1350 = tpu.vector_load_idx %arg10[%add3A_118, %add3A_1349] : memref<320x128xf32, #tpu.memory_space<vmem>>[vector<16xi32>, vector<16xi32>], vector<16xf32>,
        %mul3A_1351 = arith.mulf %gather3A_1346, %gather3A_1350 : vector<16xf32>
        %add3A_1352 = arith.addf %add3A_1318, %mul3A_1351 : vector<16xf32>
        %add3A_1353 = arith.constant 35 : i32
        %add3A_1354 = vector.broadcast %add3A_1353 : i32 to vector<16xi32>
        %add3A_1355 = arith.addi %broadcast_in_dim3A_143, %add3A_1354 : vector<16xi32>
        %gather3A_1356 = tpu.vector_load_idx %arg10[%add3A_124, %add3A_1355] : memref<320x128xf32, #tpu.memory_space<vmem>>[vector<16xi32>, vector<16xi32>], vector<16xf32>,
        %mul3A_1357 = arith.mulf %gather3A_1346, %gather3A_1356 : vector<16xf32>
        %add3A_1358 = arith.addf %add3A_1324, %mul3A_1357 : vector<16xf32>
        %add3A_1359 = arith.constant 35 : i32
        %add3A_1360 = vector.broadcast %add3A_1359 : i32 to vector<16xi32>
        %add3A_1361 = arith.addi %broadcast_in_dim3A_143, %add3A_1360 : vector<16xi32>
        %gather3A_1362 = tpu.vector_load_idx %arg10[%add3A_130, %add3A_1361] : memref<320x128xf32, #tpu.memory_space<vmem>>[vector<16xi32>, vector<16xi32>], vector<16xf32>,
        %mul3A_1363 = arith.mulf %gather3A_1346, %gather3A_1362 : vector<16xf32>
        %add3A_1364 = arith.addf %add3A_1330, %mul3A_1363 : vector<16xf32>
        %add3A_1365 = arith.constant 35 : i32
        %add3A_1366 = vector.broadcast %add3A_1365 : i32 to vector<16xi32>
        %add3A_1367 = arith.addi %broadcast_in_dim3A_143, %add3A_1366 : vector<16xi32>
        %gather3A_1368 = tpu.vector_load_idx %arg10[%add3A_136, %add3A_1367] : memref<320x128xf32, #tpu.memory_space<vmem>>[vector<16xi32>, vector<16xi32>], vector<16xf32>,
        %mul3A_1369 = arith.mulf %gather3A_1346, %gather3A_1368 : vector<16xf32>
        %add3A_1370 = arith.addf %add3A_1336, %mul3A_1369 : vector<16xf32>
        %add3A_1371 = arith.constant 35 : i32
        %add3A_1372 = vector.broadcast %add3A_1371 : i32 to vector<16xi32>
        %add3A_1373 = arith.addi %broadcast_in_dim3A_143, %add3A_1372 : vector<16xi32>
        %gather3A_1374 = tpu.vector_load_idx %arg10[%add3A_142, %add3A_1373] : memref<320x128xf32, #tpu.memory_space<vmem>>[vector<16xi32>, vector<16xi32>], vector<16xf32>,
        %mul3A_1375 = arith.mulf %gather3A_1346, %gather3A_1374 : vector<16xf32>
        %add3A_1376 = arith.addf %add3A_1342, %mul3A_1375 : vector<16xf32>
        %add3A_1377 = arith.constant 36 : i32
        %add3A_1378 = vector.broadcast %add3A_1377 : i32 to vector<16xi32>
        %add3A_1379 = arith.addi %broadcast_in_dim3A_143, %add3A_1378 : vector<16xi32>
        %gather3A_1380 = tpu.vector_load_idx %arg9[%add3A_112, %add3A_1379] : memref<64x128xf32, #tpu.memory_space<vmem>>[vector<16xi32>, vector<16xi32>], vector<16xf32>,
        %add3A_1381 = arith.constant 36 : i32
        %add3A_1382 = vector.broadcast %add3A_1381 : i32 to vector<16xi32>
        %add3A_1383 = arith.addi %broadcast_in_dim3A_143, %add3A_1382 : vector<16xi32>
        %gather3A_1384 = tpu.vector_load_idx %arg10[%add3A_118, %add3A_1383] : memref<320x128xf32, #tpu.memory_space<vmem>>[vector<16xi32>, vector<16xi32>], vector<16xf32>,
        %mul3A_1385 = arith.mulf %gather3A_1380, %gather3A_1384 : vector<16xf32>
        %add3A_1386 = arith.addf %add3A_1352, %mul3A_1385 : vector<16xf32>
        %add3A_1387 = arith.constant 36 : i32
        %add3A_1388 = vector.broadcast %add3A_1387 : i32 to vector<16xi32>
        %add3A_1389 = arith.addi %broadcast_in_dim3A_143, %add3A_1388 : vector<16xi32>
        %gather3A_1390 = tpu.vector_load_idx %arg10[%add3A_124, %add3A_1389] : memref<320x128xf32, #tpu.memory_space<vmem>>[vector<16xi32>, vector<16xi32>], vector<16xf32>,
        %mul3A_1391 = arith.mulf %gather3A_1380, %gather3A_1390 : vector<16xf32>
        %add3A_1392 = arith.addf %add3A_1358, %mul3A_1391 : vector<16xf32>
        %add3A_1393 = arith.constant 36 : i32
        %add3A_1394 = vector.broadcast %add3A_1393 : i32 to vector<16xi32>
        %add3A_1395 = arith.addi %broadcast_in_dim3A_143, %add3A_1394 : vector<16xi32>
        %gather3A_1396 = tpu.vector_load_idx %arg10[%add3A_130, %add3A_1395] : memref<320x128xf32, #tpu.memory_space<vmem>>[vector<16xi32>, vector<16xi32>], vector<16xf32>,
        %mul3A_1397 = arith.mulf %gather3A_1380, %gather3A_1396 : vector<16xf32>
        %add3A_1398 = arith.addf %add3A_1364, %mul3A_1397 : vector<16xf32>
        %add3A_1399 = arith.constant 36 : i32
        %add3A_1400 = vector.broadcast %add3A_1399 : i32 to vector<16xi32>
        %add3A_1401 = arith.addi %broadcast_in_dim3A_143, %add3A_1400 : vector<16xi32>
        %gather3A_1402 = tpu.vector_load_idx %arg10[%add3A_136, %add3A_1401] : memref<320x128xf32, #tpu.memory_space<vmem>>[vector<16xi32>, vector<16xi32>], vector<16xf32>,
        %mul3A_1403 = arith.mulf %gather3A_1380, %gather3A_1402 : vector<16xf32>
        %add3A_1404 = arith.addf %add3A_1370, %mul3A_1403 : vector<16xf32>
        %add3A_1405 = arith.constant 36 : i32
        %add3A_1406 = vector.broadcast %add3A_1405 : i32 to vector<16xi32>
        %add3A_1407 = arith.addi %broadcast_in_dim3A_143, %add3A_1406 : vector<16xi32>
        %gather3A_1408 = tpu.vector_load_idx %arg10[%add3A_142, %add3A_1407] : memref<320x128xf32, #tpu.memory_space<vmem>>[vector<16xi32>, vector<16xi32>], vector<16xf32>,
        %mul3A_1409 = arith.mulf %gather3A_1380, %gather3A_1408 : vector<16xf32>
        %add3A_1410 = arith.addf %add3A_1376, %mul3A_1409 : vector<16xf32>
        %add3A_1411 = arith.constant 37 : i32
        %add3A_1412 = vector.broadcast %add3A_1411 : i32 to vector<16xi32>
        %add3A_1413 = arith.addi %broadcast_in_dim3A_143, %add3A_1412 : vector<16xi32>
        %gather3A_1414 = tpu.vector_load_idx %arg9[%add3A_112, %add3A_1413] : memref<64x128xf32, #tpu.memory_space<vmem>>[vector<16xi32>, vector<16xi32>], vector<16xf32>,
        %add3A_1415 = arith.constant 37 : i32
        %add3A_1416 = vector.broadcast %add3A_1415 : i32 to vector<16xi32>
        %add3A_1417 = arith.addi %broadcast_in_dim3A_143, %add3A_1416 : vector<16xi32>
        %gather3A_1418 = tpu.vector_load_idx %arg10[%add3A_118, %add3A_1417] : memref<320x128xf32, #tpu.memory_space<vmem>>[vector<16xi32>, vector<16xi32>], vector<16xf32>,
        %mul3A_1419 = arith.mulf %gather3A_1414, %gather3A_1418 : vector<16xf32>
        %add3A_1420 = arith.addf %add3A_1386, %mul3A_1419 : vector<16xf32>
        %add3A_1421 = arith.constant 37 : i32
        %add3A_1422 = vector.broadcast %add3A_1421 : i32 to vector<16xi32>
        %add3A_1423 = arith.addi %broadcast_in_dim3A_143, %add3A_1422 : vector<16xi32>
        %gather3A_1424 = tpu.vector_load_idx %arg10[%add3A_124, %add3A_1423] : memref<320x128xf32, #tpu.memory_space<vmem>>[vector<16xi32>, vector<16xi32>], vector<16xf32>,
        %mul3A_1425 = arith.mulf %gather3A_1414, %gather3A_1424 : vector<16xf32>
        %add3A_1426 = arith.addf %add3A_1392, %mul3A_1425 : vector<16xf32>
        %add3A_1427 = arith.constant 37 : i32
        %add3A_1428 = vector.broadcast %add3A_1427 : i32 to vector<16xi32>
        %add3A_1429 = arith.addi %broadcast_in_dim3A_143, %add3A_1428 : vector<16xi32>
        %gather3A_1430 = tpu.vector_load_idx %arg10[%add3A_130, %add3A_1429] : memref<320x128xf32, #tpu.memory_space<vmem>>[vector<16xi32>, vector<16xi32>], vector<16xf32>,
        %mul3A_1431 = arith.mulf %gather3A_1414, %gather3A_1430 : vector<16xf32>
        %add3A_1432 = arith.addf %add3A_1398, %mul3A_1431 : vector<16xf32>
        %add3A_1433 = arith.constant 37 : i32
        %add3A_1434 = vector.broadcast %add3A_1433 : i32 to vector<16xi32>
        %add3A_1435 = arith.addi %broadcast_in_dim3A_143, %add3A_1434 : vector<16xi32>
        %gather3A_1436 = tpu.vector_load_idx %arg10[%add3A_136, %add3A_1435] : memref<320x128xf32, #tpu.memory_space<vmem>>[vector<16xi32>, vector<16xi32>], vector<16xf32>,
        %mul3A_1437 = arith.mulf %gather3A_1414, %gather3A_1436 : vector<16xf32>
        %add3A_1438 = arith.addf %add3A_1404, %mul3A_1437 : vector<16xf32>
        %add3A_1439 = arith.constant 37 : i32
        %add3A_1440 = vector.broadcast %add3A_1439 : i32 to vector<16xi32>
        %add3A_1441 = arith.addi %broadcast_in_dim3A_143, %add3A_1440 : vector<16xi32>
        %gather3A_1442 = tpu.vector_load_idx %arg10[%add3A_142, %add3A_1441] : memref<320x128xf32, #tpu.memory_space<vmem>>[vector<16xi32>, vector<16xi32>], vector<16xf32>,
        %mul3A_1443 = arith.mulf %gather3A_1414, %gather3A_1442 : vector<16xf32>
        %add3A_1444 = arith.addf %add3A_1410, %mul3A_1443 : vector<16xf32>
        %add3A_1445 = arith.constant 38 : i32
        %add3A_1446 = vector.broadcast %add3A_1445 : i32 to vector<16xi32>
        %add3A_1447 = arith.addi %broadcast_in_dim3A_143, %add3A_1446 : vector<16xi32>
        %gather3A_1448 = tpu.vector_load_idx %arg9[%add3A_112, %add3A_1447] : memref<64x128xf32, #tpu.memory_space<vmem>>[vector<16xi32>, vector<16xi32>], vector<16xf32>,
        %add3A_1449 = arith.constant 38 : i32
        %add3A_1450 = vector.broadcast %add3A_1449 : i32 to vector<16xi32>
        %add3A_1451 = arith.addi %broadcast_in_dim3A_143, %add3A_1450 : vector<16xi32>
        %gather3A_1452 = tpu.vector_load_idx %arg10[%add3A_118, %add3A_1451] : memref<320x128xf32, #tpu.memory_space<vmem>>[vector<16xi32>, vector<16xi32>], vector<16xf32>,
        %mul3A_1453 = arith.mulf %gather3A_1448, %gather3A_1452 : vector<16xf32>
        %add3A_1454 = arith.addf %add3A_1420, %mul3A_1453 : vector<16xf32>
        %add3A_1455 = arith.constant 38 : i32
        %add3A_1456 = vector.broadcast %add3A_1455 : i32 to vector<16xi32>
        %add3A_1457 = arith.addi %broadcast_in_dim3A_143, %add3A_1456 : vector<16xi32>
        %gather3A_1458 = tpu.vector_load_idx %arg10[%add3A_124, %add3A_1457] : memref<320x128xf32, #tpu.memory_space<vmem>>[vector<16xi32>, vector<16xi32>], vector<16xf32>,
        %mul3A_1459 = arith.mulf %gather3A_1448, %gather3A_1458 : vector<16xf32>
        %add3A_1460 = arith.addf %add3A_1426, %mul3A_1459 : vector<16xf32>
        %add3A_1461 = arith.constant 38 : i32
        %add3A_1462 = vector.broadcast %add3A_1461 : i32 to vector<16xi32>
        %add3A_1463 = arith.addi %broadcast_in_dim3A_143, %add3A_1462 : vector<16xi32>
        %gather3A_1464 = tpu.vector_load_idx %arg10[%add3A_130, %add3A_1463] : memref<320x128xf32, #tpu.memory_space<vmem>>[vector<16xi32>, vector<16xi32>], vector<16xf32>,
        %mul3A_1465 = arith.mulf %gather3A_1448, %gather3A_1464 : vector<16xf32>
        %add3A_1466 = arith.addf %add3A_1432, %mul3A_1465 : vector<16xf32>
        %add3A_1467 = arith.constant 38 : i32
        %add3A_1468 = vector.broadcast %add3A_1467 : i32 to vector<16xi32>
        %add3A_1469 = arith.addi %broadcast_in_dim3A_143, %add3A_1468 : vector<16xi32>
        %gather3A_1470 = tpu.vector_load_idx %arg10[%add3A_136, %add3A_1469] : memref<320x128xf32, #tpu.memory_space<vmem>>[vector<16xi32>, vector<16xi32>], vector<16xf32>,
        %mul3A_1471 = arith.mulf %gather3A_1448, %gather3A_1470 : vector<16xf32>
        %add3A_1472 = arith.addf %add3A_1438, %mul3A_1471 : vector<16xf32>
        %add3A_1473 = arith.constant 38 : i32
        %add3A_1474 = vector.broadcast %add3A_1473 : i32 to vector<16xi32>
        %add3A_1475 = arith.addi %broadcast_in_dim3A_143, %add3A_1474 : vector<16xi32>
        %gather3A_1476 = tpu.vector_load_idx %arg10[%add3A_142, %add3A_1475] : memref<320x128xf32, #tpu.memory_space<vmem>>[vector<16xi32>, vector<16xi32>], vector<16xf32>,
        %mul3A_1477 = arith.mulf %gather3A_1448, %gather3A_1476 : vector<16xf32>
        %add3A_1478 = arith.addf %add3A_1444, %mul3A_1477 : vector<16xf32>
        %add3A_1479 = arith.constant 39 : i32
        %add3A_1480 = vector.broadcast %add3A_1479 : i32 to vector<16xi32>
        %add3A_1481 = arith.addi %broadcast_in_dim3A_143, %add3A_1480 : vector<16xi32>
        %gather3A_1482 = tpu.vector_load_idx %arg9[%add3A_112, %add3A_1481] : memref<64x128xf32, #tpu.memory_space<vmem>>[vector<16xi32>, vector<16xi32>], vector<16xf32>,
        %add3A_1483 = arith.constant 39 : i32
        %add3A_1484 = vector.broadcast %add3A_1483 : i32 to vector<16xi32>
        %add3A_1485 = arith.addi %broadcast_in_dim3A_143, %add3A_1484 : vector<16xi32>
        %gather3A_1486 = tpu.vector_load_idx %arg10[%add3A_118, %add3A_1485] : memref<320x128xf32, #tpu.memory_space<vmem>>[vector<16xi32>, vector<16xi32>], vector<16xf32>,
        %mul3A_1487 = arith.mulf %gather3A_1482, %gather3A_1486 : vector<16xf32>
        %add3A_1488 = arith.addf %add3A_1454, %mul3A_1487 : vector<16xf32>
        %add3A_1489 = arith.constant 39 : i32
        %add3A_1490 = vector.broadcast %add3A_1489 : i32 to vector<16xi32>
        %add3A_1491 = arith.addi %broadcast_in_dim3A_143, %add3A_1490 : vector<16xi32>
        %gather3A_1492 = tpu.vector_load_idx %arg10[%add3A_124, %add3A_1491] : memref<320x128xf32, #tpu.memory_space<vmem>>[vector<16xi32>, vector<16xi32>], vector<16xf32>,
        %mul3A_1493 = arith.mulf %gather3A_1482, %gather3A_1492 : vector<16xf32>
        %add3A_1494 = arith.addf %add3A_1460, %mul3A_1493 : vector<16xf32>
        %add3A_1495 = arith.constant 39 : i32
        %add3A_1496 = vector.broadcast %add3A_1495 : i32 to vector<16xi32>
        %add3A_1497 = arith.addi %broadcast_in_dim3A_143, %add3A_1496 : vector<16xi32>
        %gather3A_1498 = tpu.vector_load_idx %arg10[%add3A_130, %add3A_1497] : memref<320x128xf32, #tpu.memory_space<vmem>>[vector<16xi32>, vector<16xi32>], vector<16xf32>,
        %mul3A_1499 = arith.mulf %gather3A_1482, %gather3A_1498 : vector<16xf32>
        %add3A_1500 = arith.addf %add3A_1466, %mul3A_1499 : vector<16xf32>
        %add3A_1501 = arith.constant 39 : i32
        %add3A_1502 = vector.broadcast %add3A_1501 : i32 to vector<16xi32>
        %add3A_1503 = arith.addi %broadcast_in_dim3A_143, %add3A_1502 : vector<16xi32>
        %gather3A_1504 = tpu.vector_load_idx %arg10[%add3A_136, %add3A_1503] : memref<320x128xf32, #tpu.memory_space<vmem>>[vector<16xi32>, vector<16xi32>], vector<16xf32>,
        %mul3A_1505 = arith.mulf %gather3A_1482, %gather3A_1504 : vector<16xf32>
        %add3A_1506 = arith.addf %add3A_1472, %mul3A_1505 : vector<16xf32>
        %add3A_1507 = arith.constant 39 : i32
        %add3A_1508 = vector.broadcast %add3A_1507 : i32 to vector<16xi32>
        %add3A_1509 = arith.addi %broadcast_in_dim3A_143, %add3A_1508 : vector<16xi32>
        %gather3A_1510 = tpu.vector_load_idx %arg10[%add3A_142, %add3A_1509] : memref<320x128xf32, #tpu.memory_space<vmem>>[vector<16xi32>, vector<16xi32>], vector<16xf32>,
        %mul3A_1511 = arith.mulf %gather3A_1482, %gather3A_1510 : vector<16xf32>
        %add3A_1512 = arith.addf %add3A_1478, %mul3A_1511 : vector<16xf32>
        %add3A_1513 = arith.constant 40 : i32
        %add3A_1514 = vector.broadcast %add3A_1513 : i32 to vector<16xi32>
        %add3A_1515 = arith.addi %broadcast_in_dim3A_143, %add3A_1514 : vector<16xi32>
        %gather3A_1516 = tpu.vector_load_idx %arg9[%add3A_112, %add3A_1515] : memref<64x128xf32, #tpu.memory_space<vmem>>[vector<16xi32>, vector<16xi32>], vector<16xf32>,
        %add3A_1517 = arith.constant 40 : i32
        %add3A_1518 = vector.broadcast %add3A_1517 : i32 to vector<16xi32>
        %add3A_1519 = arith.addi %broadcast_in_dim3A_143, %add3A_1518 : vector<16xi32>
        %gather3A_1520 = tpu.vector_load_idx %arg10[%add3A_118, %add3A_1519] : memref<320x128xf32, #tpu.memory_space<vmem>>[vector<16xi32>, vector<16xi32>], vector<16xf32>,
        %mul3A_1521 = arith.mulf %gather3A_1516, %gather3A_1520 : vector<16xf32>
        %add3A_1522 = arith.addf %add3A_1488, %mul3A_1521 : vector<16xf32>
        %add3A_1523 = arith.constant 40 : i32
        %add3A_1524 = vector.broadcast %add3A_1523 : i32 to vector<16xi32>
        %add3A_1525 = arith.addi %broadcast_in_dim3A_143, %add3A_1524 : vector<16xi32>
        %gather3A_1526 = tpu.vector_load_idx %arg10[%add3A_124, %add3A_1525] : memref<320x128xf32, #tpu.memory_space<vmem>>[vector<16xi32>, vector<16xi32>], vector<16xf32>,
        %mul3A_1527 = arith.mulf %gather3A_1516, %gather3A_1526 : vector<16xf32>
        %add3A_1528 = arith.addf %add3A_1494, %mul3A_1527 : vector<16xf32>
        %add3A_1529 = arith.constant 40 : i32
        %add3A_1530 = vector.broadcast %add3A_1529 : i32 to vector<16xi32>
        %add3A_1531 = arith.addi %broadcast_in_dim3A_143, %add3A_1530 : vector<16xi32>
        %gather3A_1532 = tpu.vector_load_idx %arg10[%add3A_130, %add3A_1531] : memref<320x128xf32, #tpu.memory_space<vmem>>[vector<16xi32>, vector<16xi32>], vector<16xf32>,
        %mul3A_1533 = arith.mulf %gather3A_1516, %gather3A_1532 : vector<16xf32>
        %add3A_1534 = arith.addf %add3A_1500, %mul3A_1533 : vector<16xf32>
        %add3A_1535 = arith.constant 40 : i32
        %add3A_1536 = vector.broadcast %add3A_1535 : i32 to vector<16xi32>
        %add3A_1537 = arith.addi %broadcast_in_dim3A_143, %add3A_1536 : vector<16xi32>
        %gather3A_1538 = tpu.vector_load_idx %arg10[%add3A_136, %add3A_1537] : memref<320x128xf32, #tpu.memory_space<vmem>>[vector<16xi32>, vector<16xi32>], vector<16xf32>,
        %mul3A_1539 = arith.mulf %gather3A_1516, %gather3A_1538 : vector<16xf32>
        %add3A_1540 = arith.addf %add3A_1506, %mul3A_1539 : vector<16xf32>
        %add3A_1541 = arith.constant 40 : i32
        %add3A_1542 = vector.broadcast %add3A_1541 : i32 to vector<16xi32>
        %add3A_1543 = arith.addi %broadcast_in_dim3A_143, %add3A_1542 : vector<16xi32>
        %gather3A_1544 = tpu.vector_load_idx %arg10[%add3A_142, %add3A_1543] : memref<320x128xf32, #tpu.memory_space<vmem>>[vector<16xi32>, vector<16xi32>], vector<16xf32>,
        %mul3A_1545 = arith.mulf %gather3A_1516, %gather3A_1544 : vector<16xf32>
        %add3A_1546 = arith.addf %add3A_1512, %mul3A_1545 : vector<16xf32>
        %add3A_1547 = arith.constant 41 : i32
        %add3A_1548 = vector.broadcast %add3A_1547 : i32 to vector<16xi32>
        %add3A_1549 = arith.addi %broadcast_in_dim3A_143, %add3A_1548 : vector<16xi32>
        %gather3A_1550 = tpu.vector_load_idx %arg9[%add3A_112, %add3A_1549] : memref<64x128xf32, #tpu.memory_space<vmem>>[vector<16xi32>, vector<16xi32>], vector<16xf32>,
        %add3A_1551 = arith.constant 41 : i32
        %add3A_1552 = vector.broadcast %add3A_1551 : i32 to vector<16xi32>
        %add3A_1553 = arith.addi %broadcast_in_dim3A_143, %add3A_1552 : vector<16xi32>
        %gather3A_1554 = tpu.vector_load_idx %arg10[%add3A_118, %add3A_1553] : memref<320x128xf32, #tpu.memory_space<vmem>>[vector<16xi32>, vector<16xi32>], vector<16xf32>,
        %mul3A_1555 = arith.mulf %gather3A_1550, %gather3A_1554 : vector<16xf32>
        %add3A_1556 = arith.addf %add3A_1522, %mul3A_1555 : vector<16xf32>
        %add3A_1557 = arith.constant 41 : i32
        %add3A_1558 = vector.broadcast %add3A_1557 : i32 to vector<16xi32>
        %add3A_1559 = arith.addi %broadcast_in_dim3A_143, %add3A_1558 : vector<16xi32>
        %gather3A_1560 = tpu.vector_load_idx %arg10[%add3A_124, %add3A_1559] : memref<320x128xf32, #tpu.memory_space<vmem>>[vector<16xi32>, vector<16xi32>], vector<16xf32>,
        %mul3A_1561 = arith.mulf %gather3A_1550, %gather3A_1560 : vector<16xf32>
        %add3A_1562 = arith.addf %add3A_1528, %mul3A_1561 : vector<16xf32>
        %add3A_1563 = arith.constant 41 : i32
        %add3A_1564 = vector.broadcast %add3A_1563 : i32 to vector<16xi32>
        %add3A_1565 = arith.addi %broadcast_in_dim3A_143, %add3A_1564 : vector<16xi32>
        %gather3A_1566 = tpu.vector_load_idx %arg10[%add3A_130, %add3A_1565] : memref<320x128xf32, #tpu.memory_space<vmem>>[vector<16xi32>, vector<16xi32>], vector<16xf32>,
        %mul3A_1567 = arith.mulf %gather3A_1550, %gather3A_1566 : vector<16xf32>
        %add3A_1568 = arith.addf %add3A_1534, %mul3A_1567 : vector<16xf32>
        %add3A_1569 = arith.constant 41 : i32
        %add3A_1570 = vector.broadcast %add3A_1569 : i32 to vector<16xi32>
        %add3A_1571 = arith.addi %broadcast_in_dim3A_143, %add3A_1570 : vector<16xi32>
        %gather3A_1572 = tpu.vector_load_idx %arg10[%add3A_136, %add3A_1571] : memref<320x128xf32, #tpu.memory_space<vmem>>[vector<16xi32>, vector<16xi32>], vector<16xf32>,
        %mul3A_1573 = arith.mulf %gather3A_1550, %gather3A_1572 : vector<16xf32>
        %add3A_1574 = arith.addf %add3A_1540, %mul3A_1573 : vector<16xf32>
        %add3A_1575 = arith.constant 41 : i32
        %add3A_1576 = vector.broadcast %add3A_1575 : i32 to vector<16xi32>
        %add3A_1577 = arith.addi %broadcast_in_dim3A_143, %add3A_1576 : vector<16xi32>
        %gather3A_1578 = tpu.vector_load_idx %arg10[%add3A_142, %add3A_1577] : memref<320x128xf32, #tpu.memory_space<vmem>>[vector<16xi32>, vector<16xi32>], vector<16xf32>,
        %mul3A_1579 = arith.mulf %gather3A_1550, %gather3A_1578 : vector<16xf32>
        %add3A_1580 = arith.addf %add3A_1546, %mul3A_1579 : vector<16xf32>
        %add3A_1581 = arith.constant 42 : i32
        %add3A_1582 = vector.broadcast %add3A_1581 : i32 to vector<16xi32>
        %add3A_1583 = arith.addi %broadcast_in_dim3A_143, %add3A_1582 : vector<16xi32>
        %gather3A_1584 = tpu.vector_load_idx %arg9[%add3A_112, %add3A_1583] : memref<64x128xf32, #tpu.memory_space<vmem>>[vector<16xi32>, vector<16xi32>], vector<16xf32>,
        %add3A_1585 = arith.constant 42 : i32
        %add3A_1586 = vector.broadcast %add3A_1585 : i32 to vector<16xi32>
        %add3A_1587 = arith.addi %broadcast_in_dim3A_143, %add3A_1586 : vector<16xi32>
        %gather3A_1588 = tpu.vector_load_idx %arg10[%add3A_118, %add3A_1587] : memref<320x128xf32, #tpu.memory_space<vmem>>[vector<16xi32>, vector<16xi32>], vector<16xf32>,
        %mul3A_1589 = arith.mulf %gather3A_1584, %gather3A_1588 : vector<16xf32>
        %add3A_1590 = arith.addf %add3A_1556, %mul3A_1589 : vector<16xf32>
        %add3A_1591 = arith.constant 42 : i32
        %add3A_1592 = vector.broadcast %add3A_1591 : i32 to vector<16xi32>
        %add3A_1593 = arith.addi %broadcast_in_dim3A_143, %add3A_1592 : vector<16xi32>
        %gather3A_1594 = tpu.vector_load_idx %arg10[%add3A_124, %add3A_1593] : memref<320x128xf32, #tpu.memory_space<vmem>>[vector<16xi32>, vector<16xi32>], vector<16xf32>,
        %mul3A_1595 = arith.mulf %gather3A_1584, %gather3A_1594 : vector<16xf32>
        %add3A_1596 = arith.addf %add3A_1562, %mul3A_1595 : vector<16xf32>
        %add3A_1597 = arith.constant 42 : i32
        %add3A_1598 = vector.broadcast %add3A_1597 : i32 to vector<16xi32>
        %add3A_1599 = arith.addi %broadcast_in_dim3A_143, %add3A_1598 : vector<16xi32>
        %gather3A_1600 = tpu.vector_load_idx %arg10[%add3A_130, %add3A_1599] : memref<320x128xf32, #tpu.memory_space<vmem>>[vector<16xi32>, vector<16xi32>], vector<16xf32>,
        %mul3A_1601 = arith.mulf %gather3A_1584, %gather3A_1600 : vector<16xf32>
        %add3A_1602 = arith.addf %add3A_1568, %mul3A_1601 : vector<16xf32>
        %add3A_1603 = arith.constant 42 : i32
        %add3A_1604 = vector.broadcast %add3A_1603 : i32 to vector<16xi32>
        %add3A_1605 = arith.addi %broadcast_in_dim3A_143, %add3A_1604 : vector<16xi32>
        %gather3A_1606 = tpu.vector_load_idx %arg10[%add3A_136, %add3A_1605] : memref<320x128xf32, #tpu.memory_space<vmem>>[vector<16xi32>, vector<16xi32>], vector<16xf32>,
        %mul3A_1607 = arith.mulf %gather3A_1584, %gather3A_1606 : vector<16xf32>
        %add3A_1608 = arith.addf %add3A_1574, %mul3A_1607 : vector<16xf32>
        %add3A_1609 = arith.constant 42 : i32
        %add3A_1610 = vector.broadcast %add3A_1609 : i32 to vector<16xi32>
        %add3A_1611 = arith.addi %broadcast_in_dim3A_143, %add3A_1610 : vector<16xi32>
        %gather3A_1612 = tpu.vector_load_idx %arg10[%add3A_142, %add3A_1611] : memref<320x128xf32, #tpu.memory_space<vmem>>[vector<16xi32>, vector<16xi32>], vector<16xf32>,
        %mul3A_1613 = arith.mulf %gather3A_1584, %gather3A_1612 : vector<16xf32>
        %add3A_1614 = arith.addf %add3A_1580, %mul3A_1613 : vector<16xf32>
        %add3A_1615 = arith.constant 43 : i32
        %add3A_1616 = vector.broadcast %add3A_1615 : i32 to vector<16xi32>
        %add3A_1617 = arith.addi %broadcast_in_dim3A_143, %add3A_1616 : vector<16xi32>
        %gather3A_1618 = tpu.vector_load_idx %arg9[%add3A_112, %add3A_1617] : memref<64x128xf32, #tpu.memory_space<vmem>>[vector<16xi32>, vector<16xi32>], vector<16xf32>,
        %add3A_1619 = arith.constant 43 : i32
        %add3A_1620 = vector.broadcast %add3A_1619 : i32 to vector<16xi32>
        %add3A_1621 = arith.addi %broadcast_in_dim3A_143, %add3A_1620 : vector<16xi32>
        %gather3A_1622 = tpu.vector_load_idx %arg10[%add3A_118, %add3A_1621] : memref<320x128xf32, #tpu.memory_space<vmem>>[vector<16xi32>, vector<16xi32>], vector<16xf32>,
        %mul3A_1623 = arith.mulf %gather3A_1618, %gather3A_1622 : vector<16xf32>
        %add3A_1624 = arith.addf %add3A_1590, %mul3A_1623 : vector<16xf32>
        %add3A_1625 = arith.constant 43 : i32
        %add3A_1626 = vector.broadcast %add3A_1625 : i32 to vector<16xi32>
        %add3A_1627 = arith.addi %broadcast_in_dim3A_143, %add3A_1626 : vector<16xi32>
        %gather3A_1628 = tpu.vector_load_idx %arg10[%add3A_124, %add3A_1627] : memref<320x128xf32, #tpu.memory_space<vmem>>[vector<16xi32>, vector<16xi32>], vector<16xf32>,
        %mul3A_1629 = arith.mulf %gather3A_1618, %gather3A_1628 : vector<16xf32>
        %add3A_1630 = arith.addf %add3A_1596, %mul3A_1629 : vector<16xf32>
        %add3A_1631 = arith.constant 43 : i32
        %add3A_1632 = vector.broadcast %add3A_1631 : i32 to vector<16xi32>
        %add3A_1633 = arith.addi %broadcast_in_dim3A_143, %add3A_1632 : vector<16xi32>
        %gather3A_1634 = tpu.vector_load_idx %arg10[%add3A_130, %add3A_1633] : memref<320x128xf32, #tpu.memory_space<vmem>>[vector<16xi32>, vector<16xi32>], vector<16xf32>,
        %mul3A_1635 = arith.mulf %gather3A_1618, %gather3A_1634 : vector<16xf32>
        %add3A_1636 = arith.addf %add3A_1602, %mul3A_1635 : vector<16xf32>
        %add3A_1637 = arith.constant 43 : i32
        %add3A_1638 = vector.broadcast %add3A_1637 : i32 to vector<16xi32>
        %add3A_1639 = arith.addi %broadcast_in_dim3A_143, %add3A_1638 : vector<16xi32>
        %gather3A_1640 = tpu.vector_load_idx %arg10[%add3A_136, %add3A_1639] : memref<320x128xf32, #tpu.memory_space<vmem>>[vector<16xi32>, vector<16xi32>], vector<16xf32>,
        %mul3A_1641 = arith.mulf %gather3A_1618, %gather3A_1640 : vector<16xf32>
        %add3A_1642 = arith.addf %add3A_1608, %mul3A_1641 : vector<16xf32>
        %add3A_1643 = arith.constant 43 : i32
        %add3A_1644 = vector.broadcast %add3A_1643 : i32 to vector<16xi32>
        %add3A_1645 = arith.addi %broadcast_in_dim3A_143, %add3A_1644 : vector<16xi32>
        %gather3A_1646 = tpu.vector_load_idx %arg10[%add3A_142, %add3A_1645] : memref<320x128xf32, #tpu.memory_space<vmem>>[vector<16xi32>, vector<16xi32>], vector<16xf32>,
        %mul3A_1647 = arith.mulf %gather3A_1618, %gather3A_1646 : vector<16xf32>
        %add3A_1648 = arith.addf %add3A_1614, %mul3A_1647 : vector<16xf32>
        %add3A_1649 = arith.constant 44 : i32
        %add3A_1650 = vector.broadcast %add3A_1649 : i32 to vector<16xi32>
        %add3A_1651 = arith.addi %broadcast_in_dim3A_143, %add3A_1650 : vector<16xi32>
        %gather3A_1652 = tpu.vector_load_idx %arg9[%add3A_112, %add3A_1651] : memref<64x128xf32, #tpu.memory_space<vmem>>[vector<16xi32>, vector<16xi32>], vector<16xf32>,
        %add3A_1653 = arith.constant 44 : i32
        %add3A_1654 = vector.broadcast %add3A_1653 : i32 to vector<16xi32>
        %add3A_1655 = arith.addi %broadcast_in_dim3A_143, %add3A_1654 : vector<16xi32>
        %gather3A_1656 = tpu.vector_load_idx %arg10[%add3A_118, %add3A_1655] : memref<320x128xf32, #tpu.memory_space<vmem>>[vector<16xi32>, vector<16xi32>], vector<16xf32>,
        %mul3A_1657 = arith.mulf %gather3A_1652, %gather3A_1656 : vector<16xf32>
        %add3A_1658 = arith.addf %add3A_1624, %mul3A_1657 : vector<16xf32>
        %add3A_1659 = arith.constant 44 : i32
        %add3A_1660 = vector.broadcast %add3A_1659 : i32 to vector<16xi32>
        %add3A_1661 = arith.addi %broadcast_in_dim3A_143, %add3A_1660 : vector<16xi32>
        %gather3A_1662 = tpu.vector_load_idx %arg10[%add3A_124, %add3A_1661] : memref<320x128xf32, #tpu.memory_space<vmem>>[vector<16xi32>, vector<16xi32>], vector<16xf32>,
        %mul3A_1663 = arith.mulf %gather3A_1652, %gather3A_1662 : vector<16xf32>
        %add3A_1664 = arith.addf %add3A_1630, %mul3A_1663 : vector<16xf32>
        %add3A_1665 = arith.constant 44 : i32
        %add3A_1666 = vector.broadcast %add3A_1665 : i32 to vector<16xi32>
        %add3A_1667 = arith.addi %broadcast_in_dim3A_143, %add3A_1666 : vector<16xi32>
        %gather3A_1668 = tpu.vector_load_idx %arg10[%add3A_130, %add3A_1667] : memref<320x128xf32, #tpu.memory_space<vmem>>[vector<16xi32>, vector<16xi32>], vector<16xf32>,
        %mul3A_1669 = arith.mulf %gather3A_1652, %gather3A_1668 : vector<16xf32>
        %add3A_1670 = arith.addf %add3A_1636, %mul3A_1669 : vector<16xf32>
        %add3A_1671 = arith.constant 44 : i32
        %add3A_1672 = vector.broadcast %add3A_1671 : i32 to vector<16xi32>
        %add3A_1673 = arith.addi %broadcast_in_dim3A_143, %add3A_1672 : vector<16xi32>
        %gather3A_1674 = tpu.vector_load_idx %arg10[%add3A_136, %add3A_1673] : memref<320x128xf32, #tpu.memory_space<vmem>>[vector<16xi32>, vector<16xi32>], vector<16xf32>,
        %mul3A_1675 = arith.mulf %gather3A_1652, %gather3A_1674 : vector<16xf32>
        %add3A_1676 = arith.addf %add3A_1642, %mul3A_1675 : vector<16xf32>
        %add3A_1677 = arith.constant 44 : i32
        %add3A_1678 = vector.broadcast %add3A_1677 : i32 to vector<16xi32>
        %add3A_1679 = arith.addi %broadcast_in_dim3A_143, %add3A_1678 : vector<16xi32>
        %gather3A_1680 = tpu.vector_load_idx %arg10[%add3A_142, %add3A_1679] : memref<320x128xf32, #tpu.memory_space<vmem>>[vector<16xi32>, vector<16xi32>], vector<16xf32>,
        %mul3A_1681 = arith.mulf %gather3A_1652, %gather3A_1680 : vector<16xf32>
        %add3A_1682 = arith.addf %add3A_1648, %mul3A_1681 : vector<16xf32>
        %add3A_1683 = arith.constant 45 : i32
        %add3A_1684 = vector.broadcast %add3A_1683 : i32 to vector<16xi32>
        %add3A_1685 = arith.addi %broadcast_in_dim3A_143, %add3A_1684 : vector<16xi32>
        %gather3A_1686 = tpu.vector_load_idx %arg9[%add3A_112, %add3A_1685] : memref<64x128xf32, #tpu.memory_space<vmem>>[vector<16xi32>, vector<16xi32>], vector<16xf32>,
        %add3A_1687 = arith.constant 45 : i32
        %add3A_1688 = vector.broadcast %add3A_1687 : i32 to vector<16xi32>
        %add3A_1689 = arith.addi %broadcast_in_dim3A_143, %add3A_1688 : vector<16xi32>
        %gather3A_1690 = tpu.vector_load_idx %arg10[%add3A_118, %add3A_1689] : memref<320x128xf32, #tpu.memory_space<vmem>>[vector<16xi32>, vector<16xi32>], vector<16xf32>,
        %mul3A_1691 = arith.mulf %gather3A_1686, %gather3A_1690 : vector<16xf32>
        %add3A_1692 = arith.addf %add3A_1658, %mul3A_1691 : vector<16xf32>
        %add3A_1693 = arith.constant 45 : i32
        %add3A_1694 = vector.broadcast %add3A_1693 : i32 to vector<16xi32>
        %add3A_1695 = arith.addi %broadcast_in_dim3A_143, %add3A_1694 : vector<16xi32>
        %gather3A_1696 = tpu.vector_load_idx %arg10[%add3A_124, %add3A_1695] : memref<320x128xf32, #tpu.memory_space<vmem>>[vector<16xi32>, vector<16xi32>], vector<16xf32>,
        %mul3A_1697 = arith.mulf %gather3A_1686, %gather3A_1696 : vector<16xf32>
        %add3A_1698 = arith.addf %add3A_1664, %mul3A_1697 : vector<16xf32>
        %add3A_1699 = arith.constant 45 : i32
        %add3A_1700 = vector.broadcast %add3A_1699 : i32 to vector<16xi32>
        %add3A_1701 = arith.addi %broadcast_in_dim3A_143, %add3A_1700 : vector<16xi32>
        %gather3A_1702 = tpu.vector_load_idx %arg10[%add3A_130, %add3A_1701] : memref<320x128xf32, #tpu.memory_space<vmem>>[vector<16xi32>, vector<16xi32>], vector<16xf32>,
        %mul3A_1703 = arith.mulf %gather3A_1686, %gather3A_1702 : vector<16xf32>
        %add3A_1704 = arith.addf %add3A_1670, %mul3A_1703 : vector<16xf32>
        %add3A_1705 = arith.constant 45 : i32
        %add3A_1706 = vector.broadcast %add3A_1705 : i32 to vector<16xi32>
        %add3A_1707 = arith.addi %broadcast_in_dim3A_143, %add3A_1706 : vector<16xi32>
        %gather3A_1708 = tpu.vector_load_idx %arg10[%add3A_136, %add3A_1707] : memref<320x128xf32, #tpu.memory_space<vmem>>[vector<16xi32>, vector<16xi32>], vector<16xf32>,
        %mul3A_1709 = arith.mulf %gather3A_1686, %gather3A_1708 : vector<16xf32>
        %add3A_1710 = arith.addf %add3A_1676, %mul3A_1709 : vector<16xf32>
        %add3A_1711 = arith.constant 45 : i32
        %add3A_1712 = vector.broadcast %add3A_1711 : i32 to vector<16xi32>
        %add3A_1713 = arith.addi %broadcast_in_dim3A_143, %add3A_1712 : vector<16xi32>
        %gather3A_1714 = tpu.vector_load_idx %arg10[%add3A_142, %add3A_1713] : memref<320x128xf32, #tpu.memory_space<vmem>>[vector<16xi32>, vector<16xi32>], vector<16xf32>,
        %mul3A_1715 = arith.mulf %gather3A_1686, %gather3A_1714 : vector<16xf32>
        %add3A_1716 = arith.addf %add3A_1682, %mul3A_1715 : vector<16xf32>
        %add3A_1717 = arith.constant 46 : i32
        %add3A_1718 = vector.broadcast %add3A_1717 : i32 to vector<16xi32>
        %add3A_1719 = arith.addi %broadcast_in_dim3A_143, %add3A_1718 : vector<16xi32>
        %gather3A_1720 = tpu.vector_load_idx %arg9[%add3A_112, %add3A_1719] : memref<64x128xf32, #tpu.memory_space<vmem>>[vector<16xi32>, vector<16xi32>], vector<16xf32>,
        %add3A_1721 = arith.constant 46 : i32
        %add3A_1722 = vector.broadcast %add3A_1721 : i32 to vector<16xi32>
        %add3A_1723 = arith.addi %broadcast_in_dim3A_143, %add3A_1722 : vector<16xi32>
        %gather3A_1724 = tpu.vector_load_idx %arg10[%add3A_118, %add3A_1723] : memref<320x128xf32, #tpu.memory_space<vmem>>[vector<16xi32>, vector<16xi32>], vector<16xf32>,
        %mul3A_1725 = arith.mulf %gather3A_1720, %gather3A_1724 : vector<16xf32>
        %add3A_1726 = arith.addf %add3A_1692, %mul3A_1725 : vector<16xf32>
        %add3A_1727 = arith.constant 46 : i32
        %add3A_1728 = vector.broadcast %add3A_1727 : i32 to vector<16xi32>
        %add3A_1729 = arith.addi %broadcast_in_dim3A_143, %add3A_1728 : vector<16xi32>
        %gather3A_1730 = tpu.vector_load_idx %arg10[%add3A_124, %add3A_1729] : memref<320x128xf32, #tpu.memory_space<vmem>>[vector<16xi32>, vector<16xi32>], vector<16xf32>,
        %mul3A_1731 = arith.mulf %gather3A_1720, %gather3A_1730 : vector<16xf32>
        %add3A_1732 = arith.addf %add3A_1698, %mul3A_1731 : vector<16xf32>
        %add3A_1733 = arith.constant 46 : i32
        %add3A_1734 = vector.broadcast %add3A_1733 : i32 to vector<16xi32>
        %add3A_1735 = arith.addi %broadcast_in_dim3A_143, %add3A_1734 : vector<16xi32>
        %gather3A_1736 = tpu.vector_load_idx %arg10[%add3A_130, %add3A_1735] : memref<320x128xf32, #tpu.memory_space<vmem>>[vector<16xi32>, vector<16xi32>], vector<16xf32>,
        %mul3A_1737 = arith.mulf %gather3A_1720, %gather3A_1736 : vector<16xf32>
        %add3A_1738 = arith.addf %add3A_1704, %mul3A_1737 : vector<16xf32>
        %add3A_1739 = arith.constant 46 : i32
        %add3A_1740 = vector.broadcast %add3A_1739 : i32 to vector<16xi32>
        %add3A_1741 = arith.addi %broadcast_in_dim3A_143, %add3A_1740 : vector<16xi32>
        %gather3A_1742 = tpu.vector_load_idx %arg10[%add3A_136, %add3A_1741] : memref<320x128xf32, #tpu.memory_space<vmem>>[vector<16xi32>, vector<16xi32>], vector<16xf32>,
        %mul3A_1743 = arith.mulf %gather3A_1720, %gather3A_1742 : vector<16xf32>
        %add3A_1744 = arith.addf %add3A_1710, %mul3A_1743 : vector<16xf32>
        %add3A_1745 = arith.constant 46 : i32
        %add3A_1746 = vector.broadcast %add3A_1745 : i32 to vector<16xi32>
        %add3A_1747 = arith.addi %broadcast_in_dim3A_143, %add3A_1746 : vector<16xi32>
        %gather3A_1748 = tpu.vector_load_idx %arg10[%add3A_142, %add3A_1747] : memref<320x128xf32, #tpu.memory_space<vmem>>[vector<16xi32>, vector<16xi32>], vector<16xf32>,
        %mul3A_1749 = arith.mulf %gather3A_1720, %gather3A_1748 : vector<16xf32>
        %add3A_1750 = arith.addf %add3A_1716, %mul3A_1749 : vector<16xf32>
        %add3A_1751 = arith.constant 47 : i32
        %add3A_1752 = vector.broadcast %add3A_1751 : i32 to vector<16xi32>
        %add3A_1753 = arith.addi %broadcast_in_dim3A_143, %add3A_1752 : vector<16xi32>
        %gather3A_1754 = tpu.vector_load_idx %arg9[%add3A_112, %add3A_1753] : memref<64x128xf32, #tpu.memory_space<vmem>>[vector<16xi32>, vector<16xi32>], vector<16xf32>,
        %add3A_1755 = arith.constant 47 : i32
        %add3A_1756 = vector.broadcast %add3A_1755 : i32 to vector<16xi32>
        %add3A_1757 = arith.addi %broadcast_in_dim3A_143, %add3A_1756 : vector<16xi32>
        %gather3A_1758 = tpu.vector_load_idx %arg10[%add3A_118, %add3A_1757] : memref<320x128xf32, #tpu.memory_space<vmem>>[vector<16xi32>, vector<16xi32>], vector<16xf32>,
        %mul3A_1759 = arith.mulf %gather3A_1754, %gather3A_1758 : vector<16xf32>
        %add3A_1760 = arith.addf %add3A_1726, %mul3A_1759 : vector<16xf32>
        %add3A_1761 = arith.constant 47 : i32
        %add3A_1762 = vector.broadcast %add3A_1761 : i32 to vector<16xi32>
        %add3A_1763 = arith.addi %broadcast_in_dim3A_143, %add3A_1762 : vector<16xi32>
        %gather3A_1764 = tpu.vector_load_idx %arg10[%add3A_124, %add3A_1763] : memref<320x128xf32, #tpu.memory_space<vmem>>[vector<16xi32>, vector<16xi32>], vector<16xf32>,
        %mul3A_1765 = arith.mulf %gather3A_1754, %gather3A_1764 : vector<16xf32>
        %add3A_1766 = arith.addf %add3A_1732, %mul3A_1765 : vector<16xf32>
        %add3A_1767 = arith.constant 47 : i32
        %add3A_1768 = vector.broadcast %add3A_1767 : i32 to vector<16xi32>
        %add3A_1769 = arith.addi %broadcast_in_dim3A_143, %add3A_1768 : vector<16xi32>
        %gather3A_1770 = tpu.vector_load_idx %arg10[%add3A_130, %add3A_1769] : memref<320x128xf32, #tpu.memory_space<vmem>>[vector<16xi32>, vector<16xi32>], vector<16xf32>,
        %mul3A_1771 = arith.mulf %gather3A_1754, %gather3A_1770 : vector<16xf32>
        %add3A_1772 = arith.addf %add3A_1738, %mul3A_1771 : vector<16xf32>
        %add3A_1773 = arith.constant 47 : i32
        %add3A_1774 = vector.broadcast %add3A_1773 : i32 to vector<16xi32>
        %add3A_1775 = arith.addi %broadcast_in_dim3A_143, %add3A_1774 : vector<16xi32>
        %gather3A_1776 = tpu.vector_load_idx %arg10[%add3A_136, %add3A_1775] : memref<320x128xf32, #tpu.memory_space<vmem>>[vector<16xi32>, vector<16xi32>], vector<16xf32>,
        %mul3A_1777 = arith.mulf %gather3A_1754, %gather3A_1776 : vector<16xf32>
        %add3A_1778 = arith.addf %add3A_1744, %mul3A_1777 : vector<16xf32>
        %add3A_1779 = arith.constant 47 : i32
        %add3A_1780 = vector.broadcast %add3A_1779 : i32 to vector<16xi32>
        %add3A_1781 = arith.addi %broadcast_in_dim3A_143, %add3A_1780 : vector<16xi32>
        %gather3A_1782 = tpu.vector_load_idx %arg10[%add3A_142, %add3A_1781] : memref<320x128xf32, #tpu.memory_space<vmem>>[vector<16xi32>, vector<16xi32>], vector<16xf32>,
        %mul3A_1783 = arith.mulf %gather3A_1754, %gather3A_1782 : vector<16xf32>
        %add3A_1784 = arith.addf %add3A_1750, %mul3A_1783 : vector<16xf32>
        %add3A_1785 = arith.constant 48 : i32
        %add3A_1786 = vector.broadcast %add3A_1785 : i32 to vector<16xi32>
        %add3A_1787 = arith.addi %broadcast_in_dim3A_143, %add3A_1786 : vector<16xi32>
        %gather3A_1788 = tpu.vector_load_idx %arg9[%add3A_112, %add3A_1787] : memref<64x128xf32, #tpu.memory_space<vmem>>[vector<16xi32>, vector<16xi32>], vector<16xf32>,
        %add3A_1789 = arith.constant 48 : i32
        %add3A_1790 = vector.broadcast %add3A_1789 : i32 to vector<16xi32>
        %add3A_1791 = arith.addi %broadcast_in_dim3A_143, %add3A_1790 : vector<16xi32>
        %gather3A_1792 = tpu.vector_load_idx %arg10[%add3A_118, %add3A_1791] : memref<320x128xf32, #tpu.memory_space<vmem>>[vector<16xi32>, vector<16xi32>], vector<16xf32>,
        %mul3A_1793 = arith.mulf %gather3A_1788, %gather3A_1792 : vector<16xf32>
        %add3A_1794 = arith.addf %add3A_1760, %mul3A_1793 : vector<16xf32>
        %add3A_1795 = arith.constant 48 : i32
        %add3A_1796 = vector.broadcast %add3A_1795 : i32 to vector<16xi32>
        %add3A_1797 = arith.addi %broadcast_in_dim3A_143, %add3A_1796 : vector<16xi32>
        %gather3A_1798 = tpu.vector_load_idx %arg10[%add3A_124, %add3A_1797] : memref<320x128xf32, #tpu.memory_space<vmem>>[vector<16xi32>, vector<16xi32>], vector<16xf32>,
        %mul3A_1799 = arith.mulf %gather3A_1788, %gather3A_1798 : vector<16xf32>
        %add3A_1800 = arith.addf %add3A_1766, %mul3A_1799 : vector<16xf32>
        %add3A_1801 = arith.constant 48 : i32
        %add3A_1802 = vector.broadcast %add3A_1801 : i32 to vector<16xi32>
        %add3A_1803 = arith.addi %broadcast_in_dim3A_143, %add3A_1802 : vector<16xi32>
        %gather3A_1804 = tpu.vector_load_idx %arg10[%add3A_130, %add3A_1803] : memref<320x128xf32, #tpu.memory_space<vmem>>[vector<16xi32>, vector<16xi32>], vector<16xf32>,
        %mul3A_1805 = arith.mulf %gather3A_1788, %gather3A_1804 : vector<16xf32>
        %add3A_1806 = arith.addf %add3A_1772, %mul3A_1805 : vector<16xf32>
        %add3A_1807 = arith.constant 48 : i32
        %add3A_1808 = vector.broadcast %add3A_1807 : i32 to vector<16xi32>
        %add3A_1809 = arith.addi %broadcast_in_dim3A_143, %add3A_1808 : vector<16xi32>
        %gather3A_1810 = tpu.vector_load_idx %arg10[%add3A_136, %add3A_1809] : memref<320x128xf32, #tpu.memory_space<vmem>>[vector<16xi32>, vector<16xi32>], vector<16xf32>,
        %mul3A_1811 = arith.mulf %gather3A_1788, %gather3A_1810 : vector<16xf32>
        %add3A_1812 = arith.addf %add3A_1778, %mul3A_1811 : vector<16xf32>
        %add3A_1813 = arith.constant 48 : i32
        %add3A_1814 = vector.broadcast %add3A_1813 : i32 to vector<16xi32>
        %add3A_1815 = arith.addi %broadcast_in_dim3A_143, %add3A_1814 : vector<16xi32>
        %gather3A_1816 = tpu.vector_load_idx %arg10[%add3A_142, %add3A_1815] : memref<320x128xf32, #tpu.memory_space<vmem>>[vector<16xi32>, vector<16xi32>], vector<16xf32>,
        %mul3A_1817 = arith.mulf %gather3A_1788, %gather3A_1816 : vector<16xf32>
        %add3A_1818 = arith.addf %add3A_1784, %mul3A_1817 : vector<16xf32>
        %add3A_1819 = arith.constant 49 : i32
        %add3A_1820 = vector.broadcast %add3A_1819 : i32 to vector<16xi32>
        %add3A_1821 = arith.addi %broadcast_in_dim3A_143, %add3A_1820 : vector<16xi32>
        %gather3A_1822 = tpu.vector_load_idx %arg9[%add3A_112, %add3A_1821] : memref<64x128xf32, #tpu.memory_space<vmem>>[vector<16xi32>, vector<16xi32>], vector<16xf32>,
        %add3A_1823 = arith.constant 49 : i32
        %add3A_1824 = vector.broadcast %add3A_1823 : i32 to vector<16xi32>
        %add3A_1825 = arith.addi %broadcast_in_dim3A_143, %add3A_1824 : vector<16xi32>
        %gather3A_1826 = tpu.vector_load_idx %arg10[%add3A_118, %add3A_1825] : memref<320x128xf32, #tpu.memory_space<vmem>>[vector<16xi32>, vector<16xi32>], vector<16xf32>,
        %mul3A_1827 = arith.mulf %gather3A_1822, %gather3A_1826 : vector<16xf32>
        %add3A_1828 = arith.addf %add3A_1794, %mul3A_1827 : vector<16xf32>
        %add3A_1829 = arith.constant 49 : i32
        %add3A_1830 = vector.broadcast %add3A_1829 : i32 to vector<16xi32>
        %add3A_1831 = arith.addi %broadcast_in_dim3A_143, %add3A_1830 : vector<16xi32>
        %gather3A_1832 = tpu.vector_load_idx %arg10[%add3A_124, %add3A_1831] : memref<320x128xf32, #tpu.memory_space<vmem>>[vector<16xi32>, vector<16xi32>], vector<16xf32>,
        %mul3A_1833 = arith.mulf %gather3A_1822, %gather3A_1832 : vector<16xf32>
        %add3A_1834 = arith.addf %add3A_1800, %mul3A_1833 : vector<16xf32>
        %add3A_1835 = arith.constant 49 : i32
        %add3A_1836 = vector.broadcast %add3A_1835 : i32 to vector<16xi32>
        %add3A_1837 = arith.addi %broadcast_in_dim3A_143, %add3A_1836 : vector<16xi32>
        %gather3A_1838 = tpu.vector_load_idx %arg10[%add3A_130, %add3A_1837] : memref<320x128xf32, #tpu.memory_space<vmem>>[vector<16xi32>, vector<16xi32>], vector<16xf32>,
        %mul3A_1839 = arith.mulf %gather3A_1822, %gather3A_1838 : vector<16xf32>
        %add3A_1840 = arith.addf %add3A_1806, %mul3A_1839 : vector<16xf32>
        %add3A_1841 = arith.constant 49 : i32
        %add3A_1842 = vector.broadcast %add3A_1841 : i32 to vector<16xi32>
        %add3A_1843 = arith.addi %broadcast_in_dim3A_143, %add3A_1842 : vector<16xi32>
        %gather3A_1844 = tpu.vector_load_idx %arg10[%add3A_136, %add3A_1843] : memref<320x128xf32, #tpu.memory_space<vmem>>[vector<16xi32>, vector<16xi32>], vector<16xf32>,
        %mul3A_1845 = arith.mulf %gather3A_1822, %gather3A_1844 : vector<16xf32>
        %add3A_1846 = arith.addf %add3A_1812, %mul3A_1845 : vector<16xf32>
        %add3A_1847 = arith.constant 49 : i32
        %add3A_1848 = vector.broadcast %add3A_1847 : i32 to vector<16xi32>
        %add3A_1849 = arith.addi %broadcast_in_dim3A_143, %add3A_1848 : vector<16xi32>
        %gather3A_1850 = tpu.vector_load_idx %arg10[%add3A_142, %add3A_1849] : memref<320x128xf32, #tpu.memory_space<vmem>>[vector<16xi32>, vector<16xi32>], vector<16xf32>,
        %mul3A_1851 = arith.mulf %gather3A_1822, %gather3A_1850 : vector<16xf32>
        %add3A_1852 = arith.addf %add3A_1818, %mul3A_1851 : vector<16xf32>
        %add3A_1853 = arith.constant 50 : i32
        %add3A_1854 = vector.broadcast %add3A_1853 : i32 to vector<16xi32>
        %add3A_1855 = arith.addi %broadcast_in_dim3A_143, %add3A_1854 : vector<16xi32>
        %gather3A_1856 = tpu.vector_load_idx %arg9[%add3A_112, %add3A_1855] : memref<64x128xf32, #tpu.memory_space<vmem>>[vector<16xi32>, vector<16xi32>], vector<16xf32>,
        %add3A_1857 = arith.constant 50 : i32
        %add3A_1858 = vector.broadcast %add3A_1857 : i32 to vector<16xi32>
        %add3A_1859 = arith.addi %broadcast_in_dim3A_143, %add3A_1858 : vector<16xi32>
        %gather3A_1860 = tpu.vector_load_idx %arg10[%add3A_118, %add3A_1859] : memref<320x128xf32, #tpu.memory_space<vmem>>[vector<16xi32>, vector<16xi32>], vector<16xf32>,
        %mul3A_1861 = arith.mulf %gather3A_1856, %gather3A_1860 : vector<16xf32>
        %add3A_1862 = arith.addf %add3A_1828, %mul3A_1861 : vector<16xf32>
        %add3A_1863 = arith.constant 50 : i32
        %add3A_1864 = vector.broadcast %add3A_1863 : i32 to vector<16xi32>
        %add3A_1865 = arith.addi %broadcast_in_dim3A_143, %add3A_1864 : vector<16xi32>
        %gather3A_1866 = tpu.vector_load_idx %arg10[%add3A_124, %add3A_1865] : memref<320x128xf32, #tpu.memory_space<vmem>>[vector<16xi32>, vector<16xi32>], vector<16xf32>,
        %mul3A_1867 = arith.mulf %gather3A_1856, %gather3A_1866 : vector<16xf32>
        %add3A_1868 = arith.addf %add3A_1834, %mul3A_1867 : vector<16xf32>
        %add3A_1869 = arith.constant 50 : i32
        %add3A_1870 = vector.broadcast %add3A_1869 : i32 to vector<16xi32>
        %add3A_1871 = arith.addi %broadcast_in_dim3A_143, %add3A_1870 : vector<16xi32>
        %gather3A_1872 = tpu.vector_load_idx %arg10[%add3A_130, %add3A_1871] : memref<320x128xf32, #tpu.memory_space<vmem>>[vector<16xi32>, vector<16xi32>], vector<16xf32>,
        %mul3A_1873 = arith.mulf %gather3A_1856, %gather3A_1872 : vector<16xf32>
        %add3A_1874 = arith.addf %add3A_1840, %mul3A_1873 : vector<16xf32>
        %add3A_1875 = arith.constant 50 : i32
        %add3A_1876 = vector.broadcast %add3A_1875 : i32 to vector<16xi32>
        %add3A_1877 = arith.addi %broadcast_in_dim3A_143, %add3A_1876 : vector<16xi32>
        %gather3A_1878 = tpu.vector_load_idx %arg10[%add3A_136, %add3A_1877] : memref<320x128xf32, #tpu.memory_space<vmem>>[vector<16xi32>, vector<16xi32>], vector<16xf32>,
        %mul3A_1879 = arith.mulf %gather3A_1856, %gather3A_1878 : vector<16xf32>
        %add3A_1880 = arith.addf %add3A_1846, %mul3A_1879 : vector<16xf32>
        %add3A_1881 = arith.constant 50 : i32
        %add3A_1882 = vector.broadcast %add3A_1881 : i32 to vector<16xi32>
        %add3A_1883 = arith.addi %broadcast_in_dim3A_143, %add3A_1882 : vector<16xi32>
        %gather3A_1884 = tpu.vector_load_idx %arg10[%add3A_142, %add3A_1883] : memref<320x128xf32, #tpu.memory_space<vmem>>[vector<16xi32>, vector<16xi32>], vector<16xf32>,
        %mul3A_1885 = arith.mulf %gather3A_1856, %gather3A_1884 : vector<16xf32>
        %add3A_1886 = arith.addf %add3A_1852, %mul3A_1885 : vector<16xf32>
        %add3A_1887 = arith.constant 51 : i32
        %add3A_1888 = vector.broadcast %add3A_1887 : i32 to vector<16xi32>
        %add3A_1889 = arith.addi %broadcast_in_dim3A_143, %add3A_1888 : vector<16xi32>
        %gather3A_1890 = tpu.vector_load_idx %arg9[%add3A_112, %add3A_1889] : memref<64x128xf32, #tpu.memory_space<vmem>>[vector<16xi32>, vector<16xi32>], vector<16xf32>,
        %add3A_1891 = arith.constant 51 : i32
        %add3A_1892 = vector.broadcast %add3A_1891 : i32 to vector<16xi32>
        %add3A_1893 = arith.addi %broadcast_in_dim3A_143, %add3A_1892 : vector<16xi32>
        %gather3A_1894 = tpu.vector_load_idx %arg10[%add3A_118, %add3A_1893] : memref<320x128xf32, #tpu.memory_space<vmem>>[vector<16xi32>, vector<16xi32>], vector<16xf32>,
        %mul3A_1895 = arith.mulf %gather3A_1890, %gather3A_1894 : vector<16xf32>
        %add3A_1896 = arith.addf %add3A_1862, %mul3A_1895 : vector<16xf32>
        %add3A_1897 = arith.constant 51 : i32
        %add3A_1898 = vector.broadcast %add3A_1897 : i32 to vector<16xi32>
        %add3A_1899 = arith.addi %broadcast_in_dim3A_143, %add3A_1898 : vector<16xi32>
        %gather3A_1900 = tpu.vector_load_idx %arg10[%add3A_124, %add3A_1899] : memref<320x128xf32, #tpu.memory_space<vmem>>[vector<16xi32>, vector<16xi32>], vector<16xf32>,
        %mul3A_1901 = arith.mulf %gather3A_1890, %gather3A_1900 : vector<16xf32>
        %add3A_1902 = arith.addf %add3A_1868, %mul3A_1901 : vector<16xf32>
        %add3A_1903 = arith.constant 51 : i32
        %add3A_1904 = vector.broadcast %add3A_1903 : i32 to vector<16xi32>
        %add3A_1905 = arith.addi %broadcast_in_dim3A_143, %add3A_1904 : vector<16xi32>
        %gather3A_1906 = tpu.vector_load_idx %arg10[%add3A_130, %add3A_1905] : memref<320x128xf32, #tpu.memory_space<vmem>>[vector<16xi32>, vector<16xi32>], vector<16xf32>,
        %mul3A_1907 = arith.mulf %gather3A_1890, %gather3A_1906 : vector<16xf32>
        %add3A_1908 = arith.addf %add3A_1874, %mul3A_1907 : vector<16xf32>
        %add3A_1909 = arith.constant 51 : i32
        %add3A_1910 = vector.broadcast %add3A_1909 : i32 to vector<16xi32>
        %add3A_1911 = arith.addi %broadcast_in_dim3A_143, %add3A_1910 : vector<16xi32>
        %gather3A_1912 = tpu.vector_load_idx %arg10[%add3A_136, %add3A_1911] : memref<320x128xf32, #tpu.memory_space<vmem>>[vector<16xi32>, vector<16xi32>], vector<16xf32>,
        %mul3A_1913 = arith.mulf %gather3A_1890, %gather3A_1912 : vector<16xf32>
        %add3A_1914 = arith.addf %add3A_1880, %mul3A_1913 : vector<16xf32>
        %add3A_1915 = arith.constant 51 : i32
        %add3A_1916 = vector.broadcast %add3A_1915 : i32 to vector<16xi32>
        %add3A_1917 = arith.addi %broadcast_in_dim3A_143, %add3A_1916 : vector<16xi32>
        %gather3A_1918 = tpu.vector_load_idx %arg10[%add3A_142, %add3A_1917] : memref<320x128xf32, #tpu.memory_space<vmem>>[vector<16xi32>, vector<16xi32>], vector<16xf32>,
        %mul3A_1919 = arith.mulf %gather3A_1890, %gather3A_1918 : vector<16xf32>
        %add3A_1920 = arith.addf %add3A_1886, %mul3A_1919 : vector<16xf32>
        %add3A_1921 = arith.constant 52 : i32
        %add3A_1922 = vector.broadcast %add3A_1921 : i32 to vector<16xi32>
        %add3A_1923 = arith.addi %broadcast_in_dim3A_143, %add3A_1922 : vector<16xi32>
        %gather3A_1924 = tpu.vector_load_idx %arg9[%add3A_112, %add3A_1923] : memref<64x128xf32, #tpu.memory_space<vmem>>[vector<16xi32>, vector<16xi32>], vector<16xf32>,
        %add3A_1925 = arith.constant 52 : i32
        %add3A_1926 = vector.broadcast %add3A_1925 : i32 to vector<16xi32>
        %add3A_1927 = arith.addi %broadcast_in_dim3A_143, %add3A_1926 : vector<16xi32>
        %gather3A_1928 = tpu.vector_load_idx %arg10[%add3A_118, %add3A_1927] : memref<320x128xf32, #tpu.memory_space<vmem>>[vector<16xi32>, vector<16xi32>], vector<16xf32>,
        %mul3A_1929 = arith.mulf %gather3A_1924, %gather3A_1928 : vector<16xf32>
        %add3A_1930 = arith.addf %add3A_1896, %mul3A_1929 : vector<16xf32>
        %add3A_1931 = arith.constant 52 : i32
        %add3A_1932 = vector.broadcast %add3A_1931 : i32 to vector<16xi32>
        %add3A_1933 = arith.addi %broadcast_in_dim3A_143, %add3A_1932 : vector<16xi32>
        %gather3A_1934 = tpu.vector_load_idx %arg10[%add3A_124, %add3A_1933] : memref<320x128xf32, #tpu.memory_space<vmem>>[vector<16xi32>, vector<16xi32>], vector<16xf32>,
        %mul3A_1935 = arith.mulf %gather3A_1924, %gather3A_1934 : vector<16xf32>
        %add3A_1936 = arith.addf %add3A_1902, %mul3A_1935 : vector<16xf32>
        %add3A_1937 = arith.constant 52 : i32
        %add3A_1938 = vector.broadcast %add3A_1937 : i32 to vector<16xi32>
        %add3A_1939 = arith.addi %broadcast_in_dim3A_143, %add3A_1938 : vector<16xi32>
        %gather3A_1940 = tpu.vector_load_idx %arg10[%add3A_130, %add3A_1939] : memref<320x128xf32, #tpu.memory_space<vmem>>[vector<16xi32>, vector<16xi32>], vector<16xf32>,
        %mul3A_1941 = arith.mulf %gather3A_1924, %gather3A_1940 : vector<16xf32>
        %add3A_1942 = arith.addf %add3A_1908, %mul3A_1941 : vector<16xf32>
        %add3A_1943 = arith.constant 52 : i32
        %add3A_1944 = vector.broadcast %add3A_1943 : i32 to vector<16xi32>
        %add3A_1945 = arith.addi %broadcast_in_dim3A_143, %add3A_1944 : vector<16xi32>
        %gather3A_1946 = tpu.vector_load_idx %arg10[%add3A_136, %add3A_1945] : memref<320x128xf32, #tpu.memory_space<vmem>>[vector<16xi32>, vector<16xi32>], vector<16xf32>,
        %mul3A_1947 = arith.mulf %gather3A_1924, %gather3A_1946 : vector<16xf32>
        %add3A_1948 = arith.addf %add3A_1914, %mul3A_1947 : vector<16xf32>
        %add3A_1949 = arith.constant 52 : i32
        %add3A_1950 = vector.broadcast %add3A_1949 : i32 to vector<16xi32>
        %add3A_1951 = arith.addi %broadcast_in_dim3A_143, %add3A_1950 : vector<16xi32>
        %gather3A_1952 = tpu.vector_load_idx %arg10[%add3A_142, %add3A_1951] : memref<320x128xf32, #tpu.memory_space<vmem>>[vector<16xi32>, vector<16xi32>], vector<16xf32>,
        %mul3A_1953 = arith.mulf %gather3A_1924, %gather3A_1952 : vector<16xf32>
        %add3A_1954 = arith.addf %add3A_1920, %mul3A_1953 : vector<16xf32>
        %add3A_1955 = arith.constant 53 : i32
        %add3A_1956 = vector.broadcast %add3A_1955 : i32 to vector<16xi32>
        %add3A_1957 = arith.addi %broadcast_in_dim3A_143, %add3A_1956 : vector<16xi32>
        %gather3A_1958 = tpu.vector_load_idx %arg9[%add3A_112, %add3A_1957] : memref<64x128xf32, #tpu.memory_space<vmem>>[vector<16xi32>, vector<16xi32>], vector<16xf32>,
        %add3A_1959 = arith.constant 53 : i32
        %add3A_1960 = vector.broadcast %add3A_1959 : i32 to vector<16xi32>
        %add3A_1961 = arith.addi %broadcast_in_dim3A_143, %add3A_1960 : vector<16xi32>
        %gather3A_1962 = tpu.vector_load_idx %arg10[%add3A_118, %add3A_1961] : memref<320x128xf32, #tpu.memory_space<vmem>>[vector<16xi32>, vector<16xi32>], vector<16xf32>,
        %mul3A_1963 = arith.mulf %gather3A_1958, %gather3A_1962 : vector<16xf32>
        %add3A_1964 = arith.addf %add3A_1930, %mul3A_1963 : vector<16xf32>
        %add3A_1965 = arith.constant 53 : i32
        %add3A_1966 = vector.broadcast %add3A_1965 : i32 to vector<16xi32>
        %add3A_1967 = arith.addi %broadcast_in_dim3A_143, %add3A_1966 : vector<16xi32>
        %gather3A_1968 = tpu.vector_load_idx %arg10[%add3A_124, %add3A_1967] : memref<320x128xf32, #tpu.memory_space<vmem>>[vector<16xi32>, vector<16xi32>], vector<16xf32>,
        %mul3A_1969 = arith.mulf %gather3A_1958, %gather3A_1968 : vector<16xf32>
        %add3A_1970 = arith.addf %add3A_1936, %mul3A_1969 : vector<16xf32>
        %add3A_1971 = arith.constant 53 : i32
        %add3A_1972 = vector.broadcast %add3A_1971 : i32 to vector<16xi32>
        %add3A_1973 = arith.addi %broadcast_in_dim3A_143, %add3A_1972 : vector<16xi32>
        %gather3A_1974 = tpu.vector_load_idx %arg10[%add3A_130, %add3A_1973] : memref<320x128xf32, #tpu.memory_space<vmem>>[vector<16xi32>, vector<16xi32>], vector<16xf32>,
        %mul3A_1975 = arith.mulf %gather3A_1958, %gather3A_1974 : vector<16xf32>
        %add3A_1976 = arith.addf %add3A_1942, %mul3A_1975 : vector<16xf32>
        %add3A_1977 = arith.constant 53 : i32
        %add3A_1978 = vector.broadcast %add3A_1977 : i32 to vector<16xi32>
        %add3A_1979 = arith.addi %broadcast_in_dim3A_143, %add3A_1978 : vector<16xi32>
        %gather3A_1980 = tpu.vector_load_idx %arg10[%add3A_136, %add3A_1979] : memref<320x128xf32, #tpu.memory_space<vmem>>[vector<16xi32>, vector<16xi32>], vector<16xf32>,
        %mul3A_1981 = arith.mulf %gather3A_1958, %gather3A_1980 : vector<16xf32>
        %add3A_1982 = arith.addf %add3A_1948, %mul3A_1981 : vector<16xf32>
        %add3A_1983 = arith.constant 53 : i32
        %add3A_1984 = vector.broadcast %add3A_1983 : i32 to vector<16xi32>
        %add3A_1985 = arith.addi %broadcast_in_dim3A_143, %add3A_1984 : vector<16xi32>
        %gather3A_1986 = tpu.vector_load_idx %arg10[%add3A_142, %add3A_1985] : memref<320x128xf32, #tpu.memory_space<vmem>>[vector<16xi32>, vector<16xi32>], vector<16xf32>,
        %mul3A_1987 = arith.mulf %gather3A_1958, %gather3A_1986 : vector<16xf32>
        %add3A_1988 = arith.addf %add3A_1954, %mul3A_1987 : vector<16xf32>
        %add3A_1989 = arith.constant 54 : i32
        %add3A_1990 = vector.broadcast %add3A_1989 : i32 to vector<16xi32>
        %add3A_1991 = arith.addi %broadcast_in_dim3A_143, %add3A_1990 : vector<16xi32>
        %gather3A_1992 = tpu.vector_load_idx %arg9[%add3A_112, %add3A_1991] : memref<64x128xf32, #tpu.memory_space<vmem>>[vector<16xi32>, vector<16xi32>], vector<16xf32>,
        %add3A_1993 = arith.constant 54 : i32
        %add3A_1994 = vector.broadcast %add3A_1993 : i32 to vector<16xi32>
        %add3A_1995 = arith.addi %broadcast_in_dim3A_143, %add3A_1994 : vector<16xi32>
        %gather3A_1996 = tpu.vector_load_idx %arg10[%add3A_118, %add3A_1995] : memref<320x128xf32, #tpu.memory_space<vmem>>[vector<16xi32>, vector<16xi32>], vector<16xf32>,
        %mul3A_1997 = arith.mulf %gather3A_1992, %gather3A_1996 : vector<16xf32>
        %add3A_1998 = arith.addf %add3A_1964, %mul3A_1997 : vector<16xf32>
        %add3A_1999 = arith.constant 54 : i32
        %add3A_2000 = vector.broadcast %add3A_1999 : i32 to vector<16xi32>
        %add3A_2001 = arith.addi %broadcast_in_dim3A_143, %add3A_2000 : vector<16xi32>
        %gather3A_2002 = tpu.vector_load_idx %arg10[%add3A_124, %add3A_2001] : memref<320x128xf32, #tpu.memory_space<vmem>>[vector<16xi32>, vector<16xi32>], vector<16xf32>,
        %mul3A_2003 = arith.mulf %gather3A_1992, %gather3A_2002 : vector<16xf32>
        %add3A_2004 = arith.addf %add3A_1970, %mul3A_2003 : vector<16xf32>
        %add3A_2005 = arith.constant 54 : i32
        %add3A_2006 = vector.broadcast %add3A_2005 : i32 to vector<16xi32>
        %add3A_2007 = arith.addi %broadcast_in_dim3A_143, %add3A_2006 : vector<16xi32>
        %gather3A_2008 = tpu.vector_load_idx %arg10[%add3A_130, %add3A_2007] : memref<320x128xf32, #tpu.memory_space<vmem>>[vector<16xi32>, vector<16xi32>], vector<16xf32>,
        %mul3A_2009 = arith.mulf %gather3A_1992, %gather3A_2008 : vector<16xf32>
        %add3A_2010 = arith.addf %add3A_1976, %mul3A_2009 : vector<16xf32>
        %add3A_2011 = arith.constant 54 : i32
        %add3A_2012 = vector.broadcast %add3A_2011 : i32 to vector<16xi32>
        %add3A_2013 = arith.addi %broadcast_in_dim3A_143, %add3A_2012 : vector<16xi32>
        %gather3A_2014 = tpu.vector_load_idx %arg10[%add3A_136, %add3A_2013] : memref<320x128xf32, #tpu.memory_space<vmem>>[vector<16xi32>, vector<16xi32>], vector<16xf32>,
        %mul3A_2015 = arith.mulf %gather3A_1992, %gather3A_2014 : vector<16xf32>
        %add3A_2016 = arith.addf %add3A_1982, %mul3A_2015 : vector<16xf32>
        %add3A_2017 = arith.constant 54 : i32
        %add3A_2018 = vector.broadcast %add3A_2017 : i32 to vector<16xi32>
        %add3A_2019 = arith.addi %broadcast_in_dim3A_143, %add3A_2018 : vector<16xi32>
        %gather3A_2020 = tpu.vector_load_idx %arg10[%add3A_142, %add3A_2019] : memref<320x128xf32, #tpu.memory_space<vmem>>[vector<16xi32>, vector<16xi32>], vector<16xf32>,
        %mul3A_2021 = arith.mulf %gather3A_1992, %gather3A_2020 : vector<16xf32>
        %add3A_2022 = arith.addf %add3A_1988, %mul3A_2021 : vector<16xf32>
        %add3A_2023 = arith.constant 55 : i32
        %add3A_2024 = vector.broadcast %add3A_2023 : i32 to vector<16xi32>
        %add3A_2025 = arith.addi %broadcast_in_dim3A_143, %add3A_2024 : vector<16xi32>
        %gather3A_2026 = tpu.vector_load_idx %arg9[%add3A_112, %add3A_2025] : memref<64x128xf32, #tpu.memory_space<vmem>>[vector<16xi32>, vector<16xi32>], vector<16xf32>,
        %add3A_2027 = arith.constant 55 : i32
        %add3A_2028 = vector.broadcast %add3A_2027 : i32 to vector<16xi32>
        %add3A_2029 = arith.addi %broadcast_in_dim3A_143, %add3A_2028 : vector<16xi32>
        %gather3A_2030 = tpu.vector_load_idx %arg10[%add3A_118, %add3A_2029] : memref<320x128xf32, #tpu.memory_space<vmem>>[vector<16xi32>, vector<16xi32>], vector<16xf32>,
        %mul3A_2031 = arith.mulf %gather3A_2026, %gather3A_2030 : vector<16xf32>
        %add3A_2032 = arith.addf %add3A_1998, %mul3A_2031 : vector<16xf32>
        %add3A_2033 = arith.constant 55 : i32
        %add3A_2034 = vector.broadcast %add3A_2033 : i32 to vector<16xi32>
        %add3A_2035 = arith.addi %broadcast_in_dim3A_143, %add3A_2034 : vector<16xi32>
        %gather3A_2036 = tpu.vector_load_idx %arg10[%add3A_124, %add3A_2035] : memref<320x128xf32, #tpu.memory_space<vmem>>[vector<16xi32>, vector<16xi32>], vector<16xf32>,
        %mul3A_2037 = arith.mulf %gather3A_2026, %gather3A_2036 : vector<16xf32>
        %add3A_2038 = arith.addf %add3A_2004, %mul3A_2037 : vector<16xf32>
        %add3A_2039 = arith.constant 55 : i32
        %add3A_2040 = vector.broadcast %add3A_2039 : i32 to vector<16xi32>
        %add3A_2041 = arith.addi %broadcast_in_dim3A_143, %add3A_2040 : vector<16xi32>
        %gather3A_2042 = tpu.vector_load_idx %arg10[%add3A_130, %add3A_2041] : memref<320x128xf32, #tpu.memory_space<vmem>>[vector<16xi32>, vector<16xi32>], vector<16xf32>,
        %mul3A_2043 = arith.mulf %gather3A_2026, %gather3A_2042 : vector<16xf32>
        %add3A_2044 = arith.addf %add3A_2010, %mul3A_2043 : vector<16xf32>
        %add3A_2045 = arith.constant 55 : i32
        %add3A_2046 = vector.broadcast %add3A_2045 : i32 to vector<16xi32>
        %add3A_2047 = arith.addi %broadcast_in_dim3A_143, %add3A_2046 : vector<16xi32>
        %gather3A_2048 = tpu.vector_load_idx %arg10[%add3A_136, %add3A_2047] : memref<320x128xf32, #tpu.memory_space<vmem>>[vector<16xi32>, vector<16xi32>], vector<16xf32>,
        %mul3A_2049 = arith.mulf %gather3A_2026, %gather3A_2048 : vector<16xf32>
        %add3A_2050 = arith.addf %add3A_2016, %mul3A_2049 : vector<16xf32>
        %add3A_2051 = arith.constant 55 : i32
        %add3A_2052 = vector.broadcast %add3A_2051 : i32 to vector<16xi32>
        %add3A_2053 = arith.addi %broadcast_in_dim3A_143, %add3A_2052 : vector<16xi32>
        %gather3A_2054 = tpu.vector_load_idx %arg10[%add3A_142, %add3A_2053] : memref<320x128xf32, #tpu.memory_space<vmem>>[vector<16xi32>, vector<16xi32>], vector<16xf32>,
        %mul3A_2055 = arith.mulf %gather3A_2026, %gather3A_2054 : vector<16xf32>
        %add3A_2056 = arith.addf %add3A_2022, %mul3A_2055 : vector<16xf32>
        %add3A_2057 = arith.constant 56 : i32
        %add3A_2058 = vector.broadcast %add3A_2057 : i32 to vector<16xi32>
        %add3A_2059 = arith.addi %broadcast_in_dim3A_143, %add3A_2058 : vector<16xi32>
        %gather3A_2060 = tpu.vector_load_idx %arg9[%add3A_112, %add3A_2059] : memref<64x128xf32, #tpu.memory_space<vmem>>[vector<16xi32>, vector<16xi32>], vector<16xf32>,
        %add3A_2061 = arith.constant 56 : i32
        %add3A_2062 = vector.broadcast %add3A_2061 : i32 to vector<16xi32>
        %add3A_2063 = arith.addi %broadcast_in_dim3A_143, %add3A_2062 : vector<16xi32>
        %gather3A_2064 = tpu.vector_load_idx %arg10[%add3A_118, %add3A_2063] : memref<320x128xf32, #tpu.memory_space<vmem>>[vector<16xi32>, vector<16xi32>], vector<16xf32>,
        %mul3A_2065 = arith.mulf %gather3A_2060, %gather3A_2064 : vector<16xf32>
        %add3A_2066 = arith.addf %add3A_2032, %mul3A_2065 : vector<16xf32>
        %add3A_2067 = arith.constant 56 : i32
        %add3A_2068 = vector.broadcast %add3A_2067 : i32 to vector<16xi32>
        %add3A_2069 = arith.addi %broadcast_in_dim3A_143, %add3A_2068 : vector<16xi32>
        %gather3A_2070 = tpu.vector_load_idx %arg10[%add3A_124, %add3A_2069] : memref<320x128xf32, #tpu.memory_space<vmem>>[vector<16xi32>, vector<16xi32>], vector<16xf32>,
        %mul3A_2071 = arith.mulf %gather3A_2060, %gather3A_2070 : vector<16xf32>
        %add3A_2072 = arith.addf %add3A_2038, %mul3A_2071 : vector<16xf32>
        %add3A_2073 = arith.constant 56 : i32
        %add3A_2074 = vector.broadcast %add3A_2073 : i32 to vector<16xi32>
        %add3A_2075 = arith.addi %broadcast_in_dim3A_143, %add3A_2074 : vector<16xi32>
        %gather3A_2076 = tpu.vector_load_idx %arg10[%add3A_130, %add3A_2075] : memref<320x128xf32, #tpu.memory_space<vmem>>[vector<16xi32>, vector<16xi32>], vector<16xf32>,
        %mul3A_2077 = arith.mulf %gather3A_2060, %gather3A_2076 : vector<16xf32>
        %add3A_2078 = arith.addf %add3A_2044, %mul3A_2077 : vector<16xf32>
        %add3A_2079 = arith.constant 56 : i32
        %add3A_2080 = vector.broadcast %add3A_2079 : i32 to vector<16xi32>
        %add3A_2081 = arith.addi %broadcast_in_dim3A_143, %add3A_2080 : vector<16xi32>
        %gather3A_2082 = tpu.vector_load_idx %arg10[%add3A_136, %add3A_2081] : memref<320x128xf32, #tpu.memory_space<vmem>>[vector<16xi32>, vector<16xi32>], vector<16xf32>,
        %mul3A_2083 = arith.mulf %gather3A_2060, %gather3A_2082 : vector<16xf32>
        %add3A_2084 = arith.addf %add3A_2050, %mul3A_2083 : vector<16xf32>
        %add3A_2085 = arith.constant 56 : i32
        %add3A_2086 = vector.broadcast %add3A_2085 : i32 to vector<16xi32>
        %add3A_2087 = arith.addi %broadcast_in_dim3A_143, %add3A_2086 : vector<16xi32>
        %gather3A_2088 = tpu.vector_load_idx %arg10[%add3A_142, %add3A_2087] : memref<320x128xf32, #tpu.memory_space<vmem>>[vector<16xi32>, vector<16xi32>], vector<16xf32>,
        %mul3A_2089 = arith.mulf %gather3A_2060, %gather3A_2088 : vector<16xf32>
        %add3A_2090 = arith.addf %add3A_2056, %mul3A_2089 : vector<16xf32>
        %add3A_2091 = arith.constant 57 : i32
        %add3A_2092 = vector.broadcast %add3A_2091 : i32 to vector<16xi32>
        %add3A_2093 = arith.addi %broadcast_in_dim3A_143, %add3A_2092 : vector<16xi32>
        %gather3A_2094 = tpu.vector_load_idx %arg9[%add3A_112, %add3A_2093] : memref<64x128xf32, #tpu.memory_space<vmem>>[vector<16xi32>, vector<16xi32>], vector<16xf32>,
        %add3A_2095 = arith.constant 57 : i32
        %add3A_2096 = vector.broadcast %add3A_2095 : i32 to vector<16xi32>
        %add3A_2097 = arith.addi %broadcast_in_dim3A_143, %add3A_2096 : vector<16xi32>
        %gather3A_2098 = tpu.vector_load_idx %arg10[%add3A_118, %add3A_2097] : memref<320x128xf32, #tpu.memory_space<vmem>>[vector<16xi32>, vector<16xi32>], vector<16xf32>,
        %mul3A_2099 = arith.mulf %gather3A_2094, %gather3A_2098 : vector<16xf32>
        %add3A_2100 = arith.addf %add3A_2066, %mul3A_2099 : vector<16xf32>
        %add3A_2101 = arith.constant 57 : i32
        %add3A_2102 = vector.broadcast %add3A_2101 : i32 to vector<16xi32>
        %add3A_2103 = arith.addi %broadcast_in_dim3A_143, %add3A_2102 : vector<16xi32>
        %gather3A_2104 = tpu.vector_load_idx %arg10[%add3A_124, %add3A_2103] : memref<320x128xf32, #tpu.memory_space<vmem>>[vector<16xi32>, vector<16xi32>], vector<16xf32>,
        %mul3A_2105 = arith.mulf %gather3A_2094, %gather3A_2104 : vector<16xf32>
        %add3A_2106 = arith.addf %add3A_2072, %mul3A_2105 : vector<16xf32>
        %add3A_2107 = arith.constant 57 : i32
        %add3A_2108 = vector.broadcast %add3A_2107 : i32 to vector<16xi32>
        %add3A_2109 = arith.addi %broadcast_in_dim3A_143, %add3A_2108 : vector<16xi32>
        %gather3A_2110 = tpu.vector_load_idx %arg10[%add3A_130, %add3A_2109] : memref<320x128xf32, #tpu.memory_space<vmem>>[vector<16xi32>, vector<16xi32>], vector<16xf32>,
        %mul3A_2111 = arith.mulf %gather3A_2094, %gather3A_2110 : vector<16xf32>
        %add3A_2112 = arith.addf %add3A_2078, %mul3A_2111 : vector<16xf32>
        %add3A_2113 = arith.constant 57 : i32
        %add3A_2114 = vector.broadcast %add3A_2113 : i32 to vector<16xi32>
        %add3A_2115 = arith.addi %broadcast_in_dim3A_143, %add3A_2114 : vector<16xi32>
        %gather3A_2116 = tpu.vector_load_idx %arg10[%add3A_136, %add3A_2115] : memref<320x128xf32, #tpu.memory_space<vmem>>[vector<16xi32>, vector<16xi32>], vector<16xf32>,
        %mul3A_2117 = arith.mulf %gather3A_2094, %gather3A_2116 : vector<16xf32>
        %add3A_2118 = arith.addf %add3A_2084, %mul3A_2117 : vector<16xf32>
        %add3A_2119 = arith.constant 57 : i32
        %add3A_2120 = vector.broadcast %add3A_2119 : i32 to vector<16xi32>
        %add3A_2121 = arith.addi %broadcast_in_dim3A_143, %add3A_2120 : vector<16xi32>
        %gather3A_2122 = tpu.vector_load_idx %arg10[%add3A_142, %add3A_2121] : memref<320x128xf32, #tpu.memory_space<vmem>>[vector<16xi32>, vector<16xi32>], vector<16xf32>,
        %mul3A_2123 = arith.mulf %gather3A_2094, %gather3A_2122 : vector<16xf32>
        %add3A_2124 = arith.addf %add3A_2090, %mul3A_2123 : vector<16xf32>
        %add3A_2125 = arith.constant 58 : i32
        %add3A_2126 = vector.broadcast %add3A_2125 : i32 to vector<16xi32>
        %add3A_2127 = arith.addi %broadcast_in_dim3A_143, %add3A_2126 : vector<16xi32>
        %gather3A_2128 = tpu.vector_load_idx %arg9[%add3A_112, %add3A_2127] : memref<64x128xf32, #tpu.memory_space<vmem>>[vector<16xi32>, vector<16xi32>], vector<16xf32>,
        %add3A_2129 = arith.constant 58 : i32
        %add3A_2130 = vector.broadcast %add3A_2129 : i32 to vector<16xi32>
        %add3A_2131 = arith.addi %broadcast_in_dim3A_143, %add3A_2130 : vector<16xi32>
        %gather3A_2132 = tpu.vector_load_idx %arg10[%add3A_118, %add3A_2131] : memref<320x128xf32, #tpu.memory_space<vmem>>[vector<16xi32>, vector<16xi32>], vector<16xf32>,
        %mul3A_2133 = arith.mulf %gather3A_2128, %gather3A_2132 : vector<16xf32>
        %add3A_2134 = arith.addf %add3A_2100, %mul3A_2133 : vector<16xf32>
        %add3A_2135 = arith.constant 58 : i32
        %add3A_2136 = vector.broadcast %add3A_2135 : i32 to vector<16xi32>
        %add3A_2137 = arith.addi %broadcast_in_dim3A_143, %add3A_2136 : vector<16xi32>
        %gather3A_2138 = tpu.vector_load_idx %arg10[%add3A_124, %add3A_2137] : memref<320x128xf32, #tpu.memory_space<vmem>>[vector<16xi32>, vector<16xi32>], vector<16xf32>,
        %mul3A_2139 = arith.mulf %gather3A_2128, %gather3A_2138 : vector<16xf32>
        %add3A_2140 = arith.addf %add3A_2106, %mul3A_2139 : vector<16xf32>
        %add3A_2141 = arith.constant 58 : i32
        %add3A_2142 = vector.broadcast %add3A_2141 : i32 to vector<16xi32>
        %add3A_2143 = arith.addi %broadcast_in_dim3A_143, %add3A_2142 : vector<16xi32>
        %gather3A_2144 = tpu.vector_load_idx %arg10[%add3A_130, %add3A_2143] : memref<320x128xf32, #tpu.memory_space<vmem>>[vector<16xi32>, vector<16xi32>], vector<16xf32>,
        %mul3A_2145 = arith.mulf %gather3A_2128, %gather3A_2144 : vector<16xf32>
        %add3A_2146 = arith.addf %add3A_2112, %mul3A_2145 : vector<16xf32>
        %add3A_2147 = arith.constant 58 : i32
        %add3A_2148 = vector.broadcast %add3A_2147 : i32 to vector<16xi32>
        %add3A_2149 = arith.addi %broadcast_in_dim3A_143, %add3A_2148 : vector<16xi32>
        %gather3A_2150 = tpu.vector_load_idx %arg10[%add3A_136, %add3A_2149] : memref<320x128xf32, #tpu.memory_space<vmem>>[vector<16xi32>, vector<16xi32>], vector<16xf32>,
        %mul3A_2151 = arith.mulf %gather3A_2128, %gather3A_2150 : vector<16xf32>
        %add3A_2152 = arith.addf %add3A_2118, %mul3A_2151 : vector<16xf32>
        %add3A_2153 = arith.constant 58 : i32
        %add3A_2154 = vector.broadcast %add3A_2153 : i32 to vector<16xi32>
        %add3A_2155 = arith.addi %broadcast_in_dim3A_143, %add3A_2154 : vector<16xi32>
        %gather3A_2156 = tpu.vector_load_idx %arg10[%add3A_142, %add3A_2155] : memref<320x128xf32, #tpu.memory_space<vmem>>[vector<16xi32>, vector<16xi32>], vector<16xf32>,
        %mul3A_2157 = arith.mulf %gather3A_2128, %gather3A_2156 : vector<16xf32>
        %add3A_2158 = arith.addf %add3A_2124, %mul3A_2157 : vector<16xf32>
        %add3A_2159 = arith.constant 59 : i32
        %add3A_2160 = vector.broadcast %add3A_2159 : i32 to vector<16xi32>
        %add3A_2161 = arith.addi %broadcast_in_dim3A_143, %add3A_2160 : vector<16xi32>
        %gather3A_2162 = tpu.vector_load_idx %arg9[%add3A_112, %add3A_2161] : memref<64x128xf32, #tpu.memory_space<vmem>>[vector<16xi32>, vector<16xi32>], vector<16xf32>,
        %add3A_2163 = arith.constant 59 : i32
        %add3A_2164 = vector.broadcast %add3A_2163 : i32 to vector<16xi32>
        %add3A_2165 = arith.addi %broadcast_in_dim3A_143, %add3A_2164 : vector<16xi32>
        %gather3A_2166 = tpu.vector_load_idx %arg10[%add3A_118, %add3A_2165] : memref<320x128xf32, #tpu.memory_space<vmem>>[vector<16xi32>, vector<16xi32>], vector<16xf32>,
        %mul3A_2167 = arith.mulf %gather3A_2162, %gather3A_2166 : vector<16xf32>
        %add3A_2168 = arith.addf %add3A_2134, %mul3A_2167 : vector<16xf32>
        %add3A_2169 = arith.constant 59 : i32
        %add3A_2170 = vector.broadcast %add3A_2169 : i32 to vector<16xi32>
        %add3A_2171 = arith.addi %broadcast_in_dim3A_143, %add3A_2170 : vector<16xi32>
        %gather3A_2172 = tpu.vector_load_idx %arg10[%add3A_124, %add3A_2171] : memref<320x128xf32, #tpu.memory_space<vmem>>[vector<16xi32>, vector<16xi32>], vector<16xf32>,
        %mul3A_2173 = arith.mulf %gather3A_2162, %gather3A_2172 : vector<16xf32>
        %add3A_2174 = arith.addf %add3A_2140, %mul3A_2173 : vector<16xf32>
        %add3A_2175 = arith.constant 59 : i32
        %add3A_2176 = vector.broadcast %add3A_2175 : i32 to vector<16xi32>
        %add3A_2177 = arith.addi %broadcast_in_dim3A_143, %add3A_2176 : vector<16xi32>
        %gather3A_2178 = tpu.vector_load_idx %arg10[%add3A_130, %add3A_2177] : memref<320x128xf32, #tpu.memory_space<vmem>>[vector<16xi32>, vector<16xi32>], vector<16xf32>,
        %mul3A_2179 = arith.mulf %gather3A_2162, %gather3A_2178 : vector<16xf32>
        %add3A_2180 = arith.addf %add3A_2146, %mul3A_2179 : vector<16xf32>
        %add3A_2181 = arith.constant 59 : i32
        %add3A_2182 = vector.broadcast %add3A_2181 : i32 to vector<16xi32>
        %add3A_2183 = arith.addi %broadcast_in_dim3A_143, %add3A_2182 : vector<16xi32>
        %gather3A_2184 = tpu.vector_load_idx %arg10[%add3A_136, %add3A_2183] : memref<320x128xf32, #tpu.memory_space<vmem>>[vector<16xi32>, vector<16xi32>], vector<16xf32>,
        %mul3A_2185 = arith.mulf %gather3A_2162, %gather3A_2184 : vector<16xf32>
        %add3A_2186 = arith.addf %add3A_2152, %mul3A_2185 : vector<16xf32>
        %add3A_2187 = arith.constant 59 : i32
        %add3A_2188 = vector.broadcast %add3A_2187 : i32 to vector<16xi32>
        %add3A_2189 = arith.addi %broadcast_in_dim3A_143, %add3A_2188 : vector<16xi32>
        %gather3A_2190 = tpu.vector_load_idx %arg10[%add3A_142, %add3A_2189] : memref<320x128xf32, #tpu.memory_space<vmem>>[vector<16xi32>, vector<16xi32>], vector<16xf32>,
        %mul3A_2191 = arith.mulf %gather3A_2162, %gather3A_2190 : vector<16xf32>
        %add3A_2192 = arith.addf %add3A_2158, %mul3A_2191 : vector<16xf32>
        %add3A_2193 = arith.constant 60 : i32
        %add3A_2194 = vector.broadcast %add3A_2193 : i32 to vector<16xi32>
        %add3A_2195 = arith.addi %broadcast_in_dim3A_143, %add3A_2194 : vector<16xi32>
        %gather3A_2196 = tpu.vector_load_idx %arg9[%add3A_112, %add3A_2195] : memref<64x128xf32, #tpu.memory_space<vmem>>[vector<16xi32>, vector<16xi32>], vector<16xf32>,
        %add3A_2197 = arith.constant 60 : i32
        %add3A_2198 = vector.broadcast %add3A_2197 : i32 to vector<16xi32>
        %add3A_2199 = arith.addi %broadcast_in_dim3A_143, %add3A_2198 : vector<16xi32>
        %gather3A_2200 = tpu.vector_load_idx %arg10[%add3A_118, %add3A_2199] : memref<320x128xf32, #tpu.memory_space<vmem>>[vector<16xi32>, vector<16xi32>], vector<16xf32>,
        %mul3A_2201 = arith.mulf %gather3A_2196, %gather3A_2200 : vector<16xf32>
        %add3A_2202 = arith.addf %add3A_2168, %mul3A_2201 : vector<16xf32>
        %add3A_2203 = arith.constant 60 : i32
        %add3A_2204 = vector.broadcast %add3A_2203 : i32 to vector<16xi32>
        %add3A_2205 = arith.addi %broadcast_in_dim3A_143, %add3A_2204 : vector<16xi32>
        %gather3A_2206 = tpu.vector_load_idx %arg10[%add3A_124, %add3A_2205] : memref<320x128xf32, #tpu.memory_space<vmem>>[vector<16xi32>, vector<16xi32>], vector<16xf32>,
        %mul3A_2207 = arith.mulf %gather3A_2196, %gather3A_2206 : vector<16xf32>
        %add3A_2208 = arith.addf %add3A_2174, %mul3A_2207 : vector<16xf32>
        %add3A_2209 = arith.constant 60 : i32
        %add3A_2210 = vector.broadcast %add3A_2209 : i32 to vector<16xi32>
        %add3A_2211 = arith.addi %broadcast_in_dim3A_143, %add3A_2210 : vector<16xi32>
        %gather3A_2212 = tpu.vector_load_idx %arg10[%add3A_130, %add3A_2211] : memref<320x128xf32, #tpu.memory_space<vmem>>[vector<16xi32>, vector<16xi32>], vector<16xf32>,
        %mul3A_2213 = arith.mulf %gather3A_2196, %gather3A_2212 : vector<16xf32>
        %add3A_2214 = arith.addf %add3A_2180, %mul3A_2213 : vector<16xf32>
        %add3A_2215 = arith.constant 60 : i32
        %add3A_2216 = vector.broadcast %add3A_2215 : i32 to vector<16xi32>
        %add3A_2217 = arith.addi %broadcast_in_dim3A_143, %add3A_2216 : vector<16xi32>
        %gather3A_2218 = tpu.vector_load_idx %arg10[%add3A_136, %add3A_2217] : memref<320x128xf32, #tpu.memory_space<vmem>>[vector<16xi32>, vector<16xi32>], vector<16xf32>,
        %mul3A_2219 = arith.mulf %gather3A_2196, %gather3A_2218 : vector<16xf32>
        %add3A_2220 = arith.addf %add3A_2186, %mul3A_2219 : vector<16xf32>
        %add3A_2221 = arith.constant 60 : i32
        %add3A_2222 = vector.broadcast %add3A_2221 : i32 to vector<16xi32>
        %add3A_2223 = arith.addi %broadcast_in_dim3A_143, %add3A_2222 : vector<16xi32>
        %gather3A_2224 = tpu.vector_load_idx %arg10[%add3A_142, %add3A_2223] : memref<320x128xf32, #tpu.memory_space<vmem>>[vector<16xi32>, vector<16xi32>], vector<16xf32>,
        %mul3A_2225 = arith.mulf %gather3A_2196, %gather3A_2224 : vector<16xf32>
        %add3A_2226 = arith.addf %add3A_2192, %mul3A_2225 : vector<16xf32>
        %add3A_2227 = arith.constant 61 : i32
        %add3A_2228 = vector.broadcast %add3A_2227 : i32 to vector<16xi32>
        %add3A_2229 = arith.addi %broadcast_in_dim3A_143, %add3A_2228 : vector<16xi32>
        %gather3A_2230 = tpu.vector_load_idx %arg9[%add3A_112, %add3A_2229] : memref<64x128xf32, #tpu.memory_space<vmem>>[vector<16xi32>, vector<16xi32>], vector<16xf32>,
        %add3A_2231 = arith.constant 61 : i32
        %add3A_2232 = vector.broadcast %add3A_2231 : i32 to vector<16xi32>
        %add3A_2233 = arith.addi %broadcast_in_dim3A_143, %add3A_2232 : vector<16xi32>
        %gather3A_2234 = tpu.vector_load_idx %arg10[%add3A_118, %add3A_2233] : memref<320x128xf32, #tpu.memory_space<vmem>>[vector<16xi32>, vector<16xi32>], vector<16xf32>,
        %mul3A_2235 = arith.mulf %gather3A_2230, %gather3A_2234 : vector<16xf32>
        %add3A_2236 = arith.addf %add3A_2202, %mul3A_2235 : vector<16xf32>
        %add3A_2237 = arith.constant 61 : i32
        %add3A_2238 = vector.broadcast %add3A_2237 : i32 to vector<16xi32>
        %add3A_2239 = arith.addi %broadcast_in_dim3A_143, %add3A_2238 : vector<16xi32>
        %gather3A_2240 = tpu.vector_load_idx %arg10[%add3A_124, %add3A_2239] : memref<320x128xf32, #tpu.memory_space<vmem>>[vector<16xi32>, vector<16xi32>], vector<16xf32>,
        %mul3A_2241 = arith.mulf %gather3A_2230, %gather3A_2240 : vector<16xf32>
        %add3A_2242 = arith.addf %add3A_2208, %mul3A_2241 : vector<16xf32>
        %add3A_2243 = arith.constant 61 : i32
        %add3A_2244 = vector.broadcast %add3A_2243 : i32 to vector<16xi32>
        %add3A_2245 = arith.addi %broadcast_in_dim3A_143, %add3A_2244 : vector<16xi32>
        %gather3A_2246 = tpu.vector_load_idx %arg10[%add3A_130, %add3A_2245] : memref<320x128xf32, #tpu.memory_space<vmem>>[vector<16xi32>, vector<16xi32>], vector<16xf32>,
        %mul3A_2247 = arith.mulf %gather3A_2230, %gather3A_2246 : vector<16xf32>
        %add3A_2248 = arith.addf %add3A_2214, %mul3A_2247 : vector<16xf32>
        %add3A_2249 = arith.constant 61 : i32
        %add3A_2250 = vector.broadcast %add3A_2249 : i32 to vector<16xi32>
        %add3A_2251 = arith.addi %broadcast_in_dim3A_143, %add3A_2250 : vector<16xi32>
        %gather3A_2252 = tpu.vector_load_idx %arg10[%add3A_136, %add3A_2251] : memref<320x128xf32, #tpu.memory_space<vmem>>[vector<16xi32>, vector<16xi32>], vector<16xf32>,
        %mul3A_2253 = arith.mulf %gather3A_2230, %gather3A_2252 : vector<16xf32>
        %add3A_2254 = arith.addf %add3A_2220, %mul3A_2253 : vector<16xf32>
        %add3A_2255 = arith.constant 61 : i32
        %add3A_2256 = vector.broadcast %add3A_2255 : i32 to vector<16xi32>
        %add3A_2257 = arith.addi %broadcast_in_dim3A_143, %add3A_2256 : vector<16xi32>
        %gather3A_2258 = tpu.vector_load_idx %arg10[%add3A_142, %add3A_2257] : memref<320x128xf32, #tpu.memory_space<vmem>>[vector<16xi32>, vector<16xi32>], vector<16xf32>,
        %mul3A_2259 = arith.mulf %gather3A_2230, %gather3A_2258 : vector<16xf32>
        %add3A_2260 = arith.addf %add3A_2226, %mul3A_2259 : vector<16xf32>
        %add3A_2261 = arith.constant 62 : i32
        %add3A_2262 = vector.broadcast %add3A_2261 : i32 to vector<16xi32>
        %add3A_2263 = arith.addi %broadcast_in_dim3A_143, %add3A_2262 : vector<16xi32>
        %gather3A_2264 = tpu.vector_load_idx %arg9[%add3A_112, %add3A_2263] : memref<64x128xf32, #tpu.memory_space<vmem>>[vector<16xi32>, vector<16xi32>], vector<16xf32>,
        %add3A_2265 = arith.constant 62 : i32
        %add3A_2266 = vector.broadcast %add3A_2265 : i32 to vector<16xi32>
        %add3A_2267 = arith.addi %broadcast_in_dim3A_143, %add3A_2266 : vector<16xi32>
        %gather3A_2268 = tpu.vector_load_idx %arg10[%add3A_118, %add3A_2267] : memref<320x128xf32, #tpu.memory_space<vmem>>[vector<16xi32>, vector<16xi32>], vector<16xf32>,
        %mul3A_2269 = arith.mulf %gather3A_2264, %gather3A_2268 : vector<16xf32>
        %add3A_2270 = arith.addf %add3A_2236, %mul3A_2269 : vector<16xf32>
        %add3A_2271 = arith.constant 62 : i32
        %add3A_2272 = vector.broadcast %add3A_2271 : i32 to vector<16xi32>
        %add3A_2273 = arith.addi %broadcast_in_dim3A_143, %add3A_2272 : vector<16xi32>
        %gather3A_2274 = tpu.vector_load_idx %arg10[%add3A_124, %add3A_2273] : memref<320x128xf32, #tpu.memory_space<vmem>>[vector<16xi32>, vector<16xi32>], vector<16xf32>,
        %mul3A_2275 = arith.mulf %gather3A_2264, %gather3A_2274 : vector<16xf32>
        %add3A_2276 = arith.addf %add3A_2242, %mul3A_2275 : vector<16xf32>
        %add3A_2277 = arith.constant 62 : i32
        %add3A_2278 = vector.broadcast %add3A_2277 : i32 to vector<16xi32>
        %add3A_2279 = arith.addi %broadcast_in_dim3A_143, %add3A_2278 : vector<16xi32>
        %gather3A_2280 = tpu.vector_load_idx %arg10[%add3A_130, %add3A_2279] : memref<320x128xf32, #tpu.memory_space<vmem>>[vector<16xi32>, vector<16xi32>], vector<16xf32>,
        %mul3A_2281 = arith.mulf %gather3A_2264, %gather3A_2280 : vector<16xf32>
        %add3A_2282 = arith.addf %add3A_2248, %mul3A_2281 : vector<16xf32>
        %add3A_2283 = arith.constant 62 : i32
        %add3A_2284 = vector.broadcast %add3A_2283 : i32 to vector<16xi32>
        %add3A_2285 = arith.addi %broadcast_in_dim3A_143, %add3A_2284 : vector<16xi32>
        %gather3A_2286 = tpu.vector_load_idx %arg10[%add3A_136, %add3A_2285] : memref<320x128xf32, #tpu.memory_space<vmem>>[vector<16xi32>, vector<16xi32>], vector<16xf32>,
        %mul3A_2287 = arith.mulf %gather3A_2264, %gather3A_2286 : vector<16xf32>
        %add3A_2288 = arith.addf %add3A_2254, %mul3A_2287 : vector<16xf32>
        %add3A_2289 = arith.constant 62 : i32
        %add3A_2290 = vector.broadcast %add3A_2289 : i32 to vector<16xi32>
        %add3A_2291 = arith.addi %broadcast_in_dim3A_143, %add3A_2290 : vector<16xi32>
        %gather3A_2292 = tpu.vector_load_idx %arg10[%add3A_142, %add3A_2291] : memref<320x128xf32, #tpu.memory_space<vmem>>[vector<16xi32>, vector<16xi32>], vector<16xf32>,
        %mul3A_2293 = arith.mulf %gather3A_2264, %gather3A_2292 : vector<16xf32>
        %add3A_2294 = arith.addf %add3A_2260, %mul3A_2293 : vector<16xf32>
        %add3A_2295 = arith.constant 63 : i32
        %add3A_2296 = vector.broadcast %add3A_2295 : i32 to vector<16xi32>
        %add3A_2297 = arith.addi %broadcast_in_dim3A_143, %add3A_2296 : vector<16xi32>
        %gather3A_2298 = tpu.vector_load_idx %arg9[%add3A_112, %add3A_2297] : memref<64x128xf32, #tpu.memory_space<vmem>>[vector<16xi32>, vector<16xi32>], vector<16xf32>,
        %add3A_2299 = arith.constant 63 : i32
        %add3A_2300 = vector.broadcast %add3A_2299 : i32 to vector<16xi32>
        %add3A_2301 = arith.addi %broadcast_in_dim3A_143, %add3A_2300 : vector<16xi32>
        %gather3A_2302 = tpu.vector_load_idx %arg10[%add3A_118, %add3A_2301] : memref<320x128xf32, #tpu.memory_space<vmem>>[vector<16xi32>, vector<16xi32>], vector<16xf32>,
        %mul3A_2303 = arith.mulf %gather3A_2298, %gather3A_2302 : vector<16xf32>
        %add3A_2304 = arith.addf %add3A_2270, %mul3A_2303 : vector<16xf32>
        %add3A_2305 = arith.constant 63 : i32
        %add3A_2306 = vector.broadcast %add3A_2305 : i32 to vector<16xi32>
        %add3A_2307 = arith.addi %broadcast_in_dim3A_143, %add3A_2306 : vector<16xi32>
        %gather3A_2308 = tpu.vector_load_idx %arg10[%add3A_124, %add3A_2307] : memref<320x128xf32, #tpu.memory_space<vmem>>[vector<16xi32>, vector<16xi32>], vector<16xf32>,
        %mul3A_2309 = arith.mulf %gather3A_2298, %gather3A_2308 : vector<16xf32>
        %add3A_2310 = arith.addf %add3A_2276, %mul3A_2309 : vector<16xf32>
        %add3A_2311 = arith.constant 63 : i32
        %add3A_2312 = vector.broadcast %add3A_2311 : i32 to vector<16xi32>
        %add3A_2313 = arith.addi %broadcast_in_dim3A_143, %add3A_2312 : vector<16xi32>
        %gather3A_2314 = tpu.vector_load_idx %arg10[%add3A_130, %add3A_2313] : memref<320x128xf32, #tpu.memory_space<vmem>>[vector<16xi32>, vector<16xi32>], vector<16xf32>,
        %mul3A_2315 = arith.mulf %gather3A_2298, %gather3A_2314 : vector<16xf32>
        %add3A_2316 = arith.addf %add3A_2282, %mul3A_2315 : vector<16xf32>
        %add3A_2317 = arith.constant 63 : i32
        %add3A_2318 = vector.broadcast %add3A_2317 : i32 to vector<16xi32>
        %add3A_2319 = arith.addi %broadcast_in_dim3A_143, %add3A_2318 : vector<16xi32>
        %gather3A_2320 = tpu.vector_load_idx %arg10[%add3A_136, %add3A_2319] : memref<320x128xf32, #tpu.memory_space<vmem>>[vector<16xi32>, vector<16xi32>], vector<16xf32>,
        %mul3A_2321 = arith.mulf %gather3A_2298, %gather3A_2320 : vector<16xf32>
        %add3A_2322 = arith.addf %add3A_2288, %mul3A_2321 : vector<16xf32>
        %add3A_2323 = arith.constant 63 : i32
        %add3A_2324 = vector.broadcast %add3A_2323 : i32 to vector<16xi32>
        %add3A_2325 = arith.addi %broadcast_in_dim3A_143, %add3A_2324 : vector<16xi32>
        %gather3A_2326 = tpu.vector_load_idx %arg10[%add3A_142, %add3A_2325] : memref<320x128xf32, #tpu.memory_space<vmem>>[vector<16xi32>, vector<16xi32>], vector<16xf32>,
        %mul3A_2327 = arith.mulf %gather3A_2298, %gather3A_2326 : vector<16xf32>
        %add3A_2328 = arith.addf %add3A_2294, %mul3A_2327 : vector<16xf32>
        tpu.vector_store_idx %arg11[%add3A_118], %add3A_2304 : memref<320xf32, #tpu.memory_space<vmem>>[vector<16xi32>], vector<16xf32>,
        tpu.vector_store_idx %arg11[%add3A_124], %add3A_2310 : memref<320xf32, #tpu.memory_space<vmem>>[vector<16xi32>], vector<16xf32>,
        tpu.vector_store_idx %arg11[%add3A_130], %add3A_2316 : memref<320xf32, #tpu.memory_space<vmem>>[vector<16xi32>], vector<16xf32>,
        tpu.vector_store_idx %arg11[%add3A_136], %add3A_2322 : memref<320xf32, #tpu.memory_space<vmem>>[vector<16xi32>], vector<16xf32>,
        tpu.vector_store_idx %arg11[%add3A_142], %add3A_2328 : memref<320xf32, #tpu.memory_space<vmem>>[vector<16xi32>], vector<16xf32>,
      }
      %scan3A_105 = arith.constant 4 : i32
      %mul3A_106 = arith.constant 5 : i32
      %mul3A_107 = arith.muli %add3A_10, %mul3A_106 : i32
      "tpu.region"() ({
        %run_scoped3A = tpu.sem_alloc : memref<!tpu.dma_semaphore, #tpu.memory_space<semaphore_mem>>
        %dma_start3A_108 = tpu.memref_slice %arg6[%mul3A_107] : memref<81920xf32, #tpu.memory_space<hbm>> -> memref<320xf32, #tpu.memory_space<hbm>>
        %dma_start3A_109 = tpu.memref_slice %arg6[%mul3A_107] : memref<81920xf32, #tpu.memory_space<hbm>> -> memref<320xf32, #tpu.memory_space<hbm>>
        tpu.enqueue_dma source(%arg11 : memref<320xf32, #tpu.memory_space<vmem>>) target(%dma_start3A_109 : memref<320xf32, #tpu.memory_space<hbm>>) target_semaphore(%run_scoped3A : memref<!tpu.dma_semaphore, #tpu.memory_space<semaphore_mem>>)
        %dma_wait3A_110 = tpu.memref_slice %arg6[%mul3A_107] : memref<81920xf32, #tpu.memory_space<hbm>> -> memref<320xf32, #tpu.memory_space<hbm>>
        %dma_wait3A_111 = tpu.memref_slice %arg6[%mul3A_107] : memref<81920xf32, #tpu.memory_space<hbm>> -> memref<320xf32, #tpu.memory_space<hbm>>
        tpu.wait_dma2 semaphore(%run_scoped3A : memref<!tpu.dma_semaphore, #tpu.memory_space<semaphore_mem>>) src(%arg11 : memref<320xf32, #tpu.memory_space<vmem>>) dst(%dma_wait3A_111 : memref<320xf32, #tpu.memory_space<hbm>>)
        tpu.yield
      }) : () -> ()
    }
    %scan3A_6 = arith.constant 8 : i32
    return
  }
}

</mosaic_0001>

<sc_bundles>
// kernel: _run.3.cloned.1.call-start
scs
__scs_entry_jumppad:
0x0: {  	(pc) =	sbr.rel $0x88, $3  }
0x1: {  	(tag) =	ssettag $0x0;
	lr =	simm.s32 $0x1  }
0x2: {  	[smem:$0x3F9D] =	sst lr;
	_ =	strace $0xD0000000  }
0x3: {  	_ = 	snop  }
0x4: {  	_ = 	snop  }
0x5: {  	_ = 	snop  }
0x6: {  	_ = 	snop  }
0x7: {  	_ = 	snop  }
__scs_overlays_trampoline_lowered:
0x8: {  	[smem:$0x3FAC] =	sst s0  }
0x9: {  	[smem:$0x3FAD] =	sst s1  }
0xa: {  	[smem:$0x3FAE] =	sst s2  }
0xb: {  	[smem:$0x3FAF] =	sst s3  }
0xc: {  	[smem:$0x3FB0] =	sst s4  }
0xd: {  	[smem:$0x3FB1] =	sst s5  }
0xe: {  	[smem:$0x3FB2] =	sst s6  }
0xf: {  	[smem:$0x3FB3] =	sst s7  }
0x10: {  	[smem:$0x3FB4] =	sst s8  }
0x11: {  	[smem:$0x3FB5] =	sst s9;
	s0 =	simm.s32 @!p0 $0x0  }
0x12: {  	s1 =	sld [smem:$0x3F9B];
	s0 =	simm.s32 @p0 $0x1  }
0x13: {  	[smem:$0x3FB6] =	sst s0;
	s0 =	simm.s32 @!p1 $0x0  }
0x14: {  	s2 =	sld [smem:$0x3F9A];
	s0 =	simm.s32 @p1 $0x1  }
0x15: {  	[smem:$0x3FB7] =	sst s0;
	s0 =	simm.s32 @!p2 $0x0  }
0x16: {  	s3 =	sld [smem:$0x3FDB];
	s0 =	simm.s32 @p2 $0x1  }
0x17: {  	s4 =	simm.s32 $0x1BF5;
	[smem:$0x3FB9] =	sst s0  }
0x18: {  	s0 =	sld [smem:$0x3F9C];
	_ =	swait.ge [sflag:s4], $0x0  }
0x19: {  	s7 =	sld [smem:$0x3F9D]  }
0x1a: {  	s8 =	sadd.s32 $0xFFFFE003, lr  }
0x1b: {  	s9 =	sadd.s32 $0xFFFFFEF7, lr;
	s5 =	simm.s32 $0xFFFFFFFF;
	p2 =	slt.u32 s8, $0xFFFFF086  }
0x1c: {  	p1 =	slt.u32 s9, $0xF7A;
	s5 =	simm.s32 @!p2 $0x0  }
0x1d: {  	s5 =	simm.s32 @p1 $0x1;
	p0 =	seq.s32 s7, s2  }
0x1e: {  	s7 =	smul.u32 @!p0 $0xF7A, s2;
	p2 =	seq.s32 @!p0 s5, $0x0  }
0x1f: {  	s9 =	smul.u32 $0xF7A, s1;
	s8 =	simm.s32 @!p0 $0x1BF5;
	p2 =	por !p2, p0  }
0x20: {  	[sflag:s8] =	ssyncset.s32 @!p0 $0xFFFFF086;
	s6 =	sadd.s32 @!p0 s3, s7;
	s7 =	simm.s32 @!p0 $0x108  }
0x21: {  	s3 =	sadd.s32 s3, s9;
	s6 =	sadd.s32 @!p0 $0x88, s6;
	s7 =	simm.s32 @p2 $0x1082  }
0x22: {  	[simem:s7], [sflag:s8] =	dma.local @!p0 [hbm:s6], $0xF7A  }
0x23: {  	s9 =	sor.u32 $0xD0000000, s2;
	s6 =	simm.s32 $0x108;
	_ =	swait.ge @!p0 [sflag:s8], $0x0  }
0x24: {  	s3 =	sadd.s32 $0x88, s3;
	s6 =	simm.s32 @!p1 $0x1082;
	[sflag:s4] =	ssyncset.s32 $0xFFFFF086  }
0x25: {  	[simem:s6], [sflag:s4] =	dma.local [hbm:s3], $0xF7A  }
0x26: {  	[smem:$0x3F9D] =	sst s1;
	(tag) =	ssettag s2;
	_ =	strace s9  }
0x27: {  	s1 =	sld [smem:$0x3FAD]  }
0x28: {  	s2 =	sld [smem:$0x3FAE]  }
0x29: {  	s4 =	sld [smem:$0x3FB0]  }
0x2a: {  	p0 =	seq.s32 s5, $0x0;
	s5 =	sld [smem:$0x3FB1]  }
0x2b: {  	s6 =	sld [smem:$0x3FB2]  }
0x2c: {  	s7 =	sld [smem:$0x3FB3]  }
0x2d: {  	s3 =	simm.s32 $0x108;
	s8 =	sld [smem:$0x3FB4]  }
0x2e: {  	s3 =	simm.s32 @!p0 $0x1082;
	s9 =	sld [smem:$0x3FB5]  }
0x2f: {  	lr =	sadd.s32 s0, s3;
	s0 =	sld [smem:$0x3FAC]  }
0x30: {  	s3 =	sld [smem:$0x3FAF]  }
0x31: {  	[smem:$0x3FB8] =	sst s10  }
0x32: {  	s10 =	sld [smem:$0x3FB6];
	_ =	sdelay $0x3  }
0x33: {  	p0 =	seq.s32 s10, $0x1;
	s10 =	sld [smem:$0x3FB8];
	_ =	sdelay $0x3  }
0x34: {  	[smem:$0x3FB8] =	sst s10  }
0x35: {  	s10 =	sld [smem:$0x3FB7];
	_ =	sdelay $0x3  }
0x36: {  	p1 =	seq.s32 s10, $0x1;
	s10 =	sld [smem:$0x3FB8];
	_ =	sdelay $0x3  }
0x37: {  	[smem:$0x3FB8] =	sst s10  }
0x38: {  	s10 =	sld [smem:$0x3FB9]  }
0x39: {  	_ = 	snop;
	(pc) =	sbr.ind lr, $3  }
0x3a: {  	_ = 	snop  }
0x3b: {  	_ = 	snop  }
0x3c: {  	p2 =	seq.s32 s10, $0x1;
	s10 =	sld [smem:$0x3FB8]  }
0x3d: {  	_ =	shalt  }
0x3e: {  	_ =	shalt  }
0x3f: {  	_ =	shalt  }
0x40: {  	_ =	shalt  }
0x41: {  	_ =	shalt  }
0x42: {  	_ =	shalt  }
0x43: {  	_ =	shalt  }
0x44: {  	_ =	shalt  }
0x45: {  	_ =	shalt  }
0x46: {  	_ =	shalt  }
0x47: {  	_ =	shalt  }
0x48: {  	_ =	shalt  }
0x49: {  	_ =	shalt  }
0x4a: {  	_ =	shalt  }
0x4b: {  	_ =	shalt  }
0x4c: {  	_ =	shalt  }
0x4d: {  	_ =	shalt  }
0x4e: {  	_ =	shalt  }
0x4f: {  	_ =	shalt  }
0x50: {  	_ =	shalt  }
0x51: {  	_ =	shalt  }
0x52: {  	_ =	shalt  }
0x53: {  	_ =	shalt  }
0x54: {  	_ =	shalt  }
0x55: {  	_ =	shalt  }
0x56: {  	_ =	shalt  }
0x57: {  	_ =	shalt  }
0x58: {  	_ =	shalt  }
0x59: {  	_ =	shalt  }
0x5a: {  	_ =	shalt  }
0x5b: {  	_ =	shalt  }
0x5c: {  	_ =	shalt  }
0x5d: {  	_ =	shalt  }
0x5e: {  	_ =	shalt  }
0x5f: {  	_ =	shalt  }
0x60: {  	_ =	shalt  }
0x61: {  	_ =	shalt  }
0x62: {  	_ =	shalt  }
0x63: {  	_ =	shalt  }
0x64: {  	_ =	shalt  }
0x65: {  	_ =	shalt  }
0x66: {  	_ =	shalt  }
0x67: {  	_ =	shalt  }
0x68: {  	_ =	shalt  }
0x69: {  	_ =	shalt  }
0x6a: {  	_ =	shalt  }
0x6b: {  	_ =	shalt  }
0x6c: {  	_ =	shalt  }
0x6d: {  	_ =	shalt  }
0x6e: {  	_ =	shalt  }
0x6f: {  	_ =	shalt  }
0x70: {  	_ =	shalt  }
0x71: {  	_ =	shalt  }
0x72: {  	_ =	shalt  }
0x73: {  	_ =	shalt  }
0x74: {  	_ =	shalt  }
0x75: {  	_ =	shalt  }
0x76: {  	_ =	shalt  }
0x77: {  	_ =	shalt  }
0x78: {  	_ =	shalt  }
0x79: {  	_ =	shalt  }
0x7a: {  	_ =	shalt  }
0x7b: {  	_ =	shalt  }
0x7c: {  	_ =	shalt  }
0x7d: {  	_ =	shalt  }
0x7e: {  	_ =	shalt  }
0x7f: {  	_ =	shalt  }
0x80: {  	_ =	shalt  }
0x81: {  	_ =	shalt  }
0x82: {  	_ =	shalt  }
0x83: {  	_ =	shalt  }
0x84: {  	_ =	shalt  }
0x85: {  	_ =	shalt  }
0x86: {  	_ =	shalt  }
0x87: {  	_ =	shalt  }
.Lfunc_end0:
.L_simem_size_0:
called_computation_lowered:
.L_overlay_start_0:
0x88: {  	s2 =	sld [smem:$0x3FD9]  }
0x89: {  	s3 =	sld [smem:$0x3FFE];
	_ =	sdelay $0x1  }
0x8a: {  	s1 =	srdreg.scid  }
0x8b: {  	s0 =	sand.u32 $0x1, s1  }
0x8c: {  	s17 =	sshll.u32 s0, $0xA;
	s2 =	sadd.s32 s3, s2  }
0x8d: {  	s2 =	sadd.s32 s2, s17  }
0x8e: {  	[smem:$0x3FC4] =	sst s2  }
0x8f: {  	_ = 	snop  }
0x90: {  	s2 =	sld [smem:$0x3FC9]  }
0x91: {  	s18 =	sld [smem:$0x3FD0];
	(tm) =	ssettm $0x1  }
0x92: {  	s4 =	sld [smem:$0x3FFB];
	_ =	sdelay $0x3  }
0x93: {  	_ =	strace s4  }
0x94: {  	s4 =	sld [smem:$0x3FFC];
	_ =	sdelay $0x3  }
0x95: {  	_ =	strace s4  }
0x96: {  	s4 =	sld [smem:$0x3FFD];
	_ =	sdelay $0x3  }
0x97: {  	_ =	strace s4  }
0x98: {  	_ =	strace $0x8FFFFFFF  }
0x99: {  	s19 =	sld [smem:$0x3FDB];
	_ =	sdelay $0x1  }
0x9a: {  	s5 =	simm.s32 $_scs_section_size  }
0x9b: {  	s6 =	simm.s32 $_size__tile_overlayer_lowered;
	s7 =	simm.s32 $_tile_overlayer_lowered  }
0x9c: {  	s22 =	simm.s32 $0x1BFF;
	s21 =	sshll.u32 s7, $0x1;
	s4 =	sadd.s32 s5, s19  }
0x9d: {  	s8 =	simm.s32 $0x0;
	s20 =	sshll.u32 s6, $0x1;
	s6 =	sadd.s32 s21, s4  }
0x9e: {  	[timem:s8], [sflag:s22] =	dma.local [hbm:s6], s20  }
0x9f: {  	_ =	swait.ge [sflag:s22], s20  }
0xa0: {  	s5 =	ssub.s32 $0x0, s20;
	[sflag:s22] =	ssyncset.done $0x0  }
0xa1: {  	[sflag:s22] =	ssyncadd.s32 s5;
	_ =	sdelay $0x1  }
0xa2: {  	s23 =	simm.s32 $0x1B8B  }
0xa3: {  	_ =	swait.ge [sflag:s23], $0x1  }
0xa4: {  	[sflag:s23] =	ssyncset.done $0x0  }
0xa5: {  	s25 =	simm.s32 $0x1B8E;
	s24 =	sld [smem:$0x3FFE];
	[sflag:s23] =	ssyncadd.s32 $0xFFFFFFFF  }
0xa6: {  	s26 =	simm.s32 $execute0_lowered;
	[smem:$0x3FD2] =	sst s25  }
0xa7: {  	s6 =	sshll.u32 s26, $0x1;
	_ =	strace $0x80000046;
	[dreg:$0x1] =	wrdreg $0xFFFFFFFF  }
0xa8: {  	s28 =	simm.s32 $_size_execute0_lowered;
	s4 =	sadd.s32 s4, s6;
	[dreg:$0x0] =	wrdreg $0x0  }
0xa9: {  	s6 =	sshll.u32 s28, $0x1;
	[dreg:$0x2] =	wrdreg s4  }
0xaa: {  	[dreg:$0x3] =	wrdreg s6  }
0xab: {  	[dreg:$0x4] =	wrdreg $0xC0  }
0xac: {  	_ =	task [dreg:s8], $0x5FFFF  }
0xad: {  	[dreg:$0x1] =	wrdreg $0xFFFFFFFF  }
0xae: {  	[dreg:$0x0] =	wrdreg $0x60  }
0xaf: {  	[dreg:$0x2] =	wrdreg s24  }
0xb0: {  	[dreg:$0x3] =	wrdreg s2  }
0xb1: {  	[dreg:$0x4] =	wrdreg s18  }
0xb2: {  	[dreg:$0x5] =	wrdreg $0x9  }
0xb3: {  	_ =	task.clear_ibuf [dreg:s8], $0x6FFFF;
	_ =	strace $0x90000046  }
0xb4: {  	s29 =	simm.s32 $0x9;
	_ =	strace $0x80000048  }
0xb5: {  	_ =	swait.ge [sflag:s29], $0x1  }
0xb6: {  	[sflag:s29] =	ssyncadd.s32 $0xFFFFFFFF  }
0xb7: {  	_ =	strace $0x90000048  }
0xb8: {  	_ =	sfence  }
0xb9: {  	s30 =	sld [smem:$0x0];
	_ =	sdelay $0x2  }
0xba: {  	s31 =	sshll.u32 s1, $0xD;
	s1 =	sshrl.u32 s1, $0x2  }
0xbb: {  	s3 =	sand.u32 $0x4000, s31;
	s1 =	sadd.s32 s1, s30  }
0xbc: {  	s0 =	sor.u32 s3, s0;
	s1 =	sshll.u32 s1, $0x11  }
0xbd: {  	s0 =	sor.u32 s1, s0  }
0xbe: {  	s0 =	sadd.s32 $0x8F2B, s0  }
0xbf: {  	[sflag:s0] =	ssyncadd.remote.s32 $0x1  }
0xc0: {  	_ =	sfence.sel $0xFFFF  }
0xc1: {  	[dreg:$0x0] =	wrdreg $0xFFFFFFFF;
	(pc) =	sbr.abs _section_cstart, $3  }
0xc2: {  	[dreg:$0x1] =	wrdreg $0xFFFFFFFF  }
0xc3: {  	_ =	task.clear_ibuf [dreg:s8], $0x2FFFF;
	_ =	strace $0x9FFFFFFF  }
0xc4: {  	(tm) =	ssettm $0x7FFFFFFF  }
0xc5: {  	_ =	shalt  }
tec
execute0_lowered:
.L_overlay_start_1:
0x0: {  	(tag) =	ssettag $0x1  }
0x1: {  	s4 =	rddreg [dreg:$0x0]  }
0x2: {  	s1 =	rddreg [dreg:$0x1]  }
0x3: {  	s2 =	rddreg [dreg:$0x2]  }
0x4: {  	s0 =	rddreg [dreg:$0x3];
	s3 =	simm.s32 $0x0;
	s5 =	srdreg.scid  }
0x5: {  	s11 =	simm.s32 $0x80;
	s12 =	simm.s32 $0x40;
	s13 =	simm.s32 $0x200  }
0x6: {  	s14 =	simm.s32 $0x2200;
	s15 =	simm.s32 $0xC0;
	s16 =	simm.s32 $0x4200  }
0x7: {  	s17 =	simm.s32 $0x100;
	s18 =	simm.s32 $0x6200;
	s19 =	simm.s32 $0x140  }
0x8: {  	s20 =	simm.s32 $0x8200;
	s21 =	simm.s32 $0x180;
	s22 =	simm.s32 $0xA200  }
0x9: {  	s23 =	simm.s32 $0x1;
	s24 =	simm.s32 $0xC200;
	s25 =	simm.s32 $0x0  }
0xa: {  	[smem:$0x7FF] =	sst s3;
	s8 =	sand.u32 $0x1, s5;
	s5 =	sadd.s32 $0xF42E00, s4  }
0xb: {  	s6 =	sadd.s32 $0x800, s4;
	s7 =	sadd.s32 $0x1E85200, s4;
	s9 =	ssub.s32 $0x2, s8  }
0xc: {  	s4 =	stileid.u32;
	_ =	strace $0x80000047;
	s10 =	sshrl.u32 s9, $0x1  }
0xd: {  	s31 =	sshll.u32 s4, $0xA;
	s8 =	sshll.u32 s8, $0x9;
	s9 =	ssub.s32 s9, s10  }
0xe: {  	s8 =	sor.u32 s8, s31;
	s10 =	simm.s32 $0x2;
	s9 =	smax.u32 s9, $0x1  }
.LBB2_1:
0xf: {  	s26 =	simm.s32 $0x0  }
.LBB2_2:
0x10: {  	s28 =	sshll.u32 s26, $0x6  }
0x11: {  	s29 =	sadd.s32 s8, s28  }
0x12: {  	s28 =	sshrl.u32 s29, $0x3  }
0x13: {  	s29 =	smul.u32 $0x5, s29;
	s30 =	sadd.s32 s1, s28;
	s28 =	simm.s32 $0x0  }
0x14: {  	[tilespmem:s28], [sflag:$0x2] =	stream.linear.gather [hbm4b:s30+s28], $0x40, $0x38;
	[tilespmem:$0xC380] =	vst v63  }
0x15: {  	_ =	swait.ge [sflag:s10], $0x40  }
0x16: {  	s29 =	sshrl.u32 s29, $0x3;
	[sflag:s10] =	ssyncset.done $0x0  }
0x17: {  	s31 =	sadd.s32 s2, s29;
	[sflag:s10] =	ssyncadd.s32 $0xFFFFFFC0  }
0x18: {  	[tilespmem:s11], [sflag:$0x2] =	stream.linear.gather [hbm4b:s31+s28], $0x140, $0x38;
	[tilespmem:$0xC380] =	vst v63  }
0x19: {  	_ =	swait.ge [sflag:s10], $0x140  }
0x1a: {  	[sflag:s10] =	ssyncset.done $0x0  }
0x1b: {  	[sflag:s10] =	ssyncadd.s32 $0xFFFFFEC0  }
0x1c: {  	[tilespmem:s13], [sflag:$0x1] =	stream.indirect.gather [hbm4b:s5+s12], $0x80, s28, s12, $0xb8;
	[tilespmem:$0xC380] =	vst v63  }
0x1d: {  	_ = 	snop  }
0x1e: {  	[tilespmem:s14], [sflag:$0x1] =	stream.indirect.gather [hbm4b:s6+s12], $0x80, s11, s12, $0xb8;
	[tilespmem:$0xC380] =	vst v63  }
0x1f: {  	_ = 	snop  }
0x20: {  	[tilespmem:s16], [sflag:$0x1] =	stream.indirect.gather [hbm4b:s6+s12], $0x80, s15, s12, $0xb8;
	[tilespmem:$0xC380] =	vst v63  }
0x21: {  	_ = 	snop  }
0x22: {  	[tilespmem:s18], [sflag:$0x1] =	stream.indirect.gather [hbm4b:s6+s12], $0x80, s17, s12, $0xb8;
	[tilespmem:$0xC380] =	vst v63  }
0x23: {  	_ = 	snop  }
0x24: {  	[tilespmem:s20], [sflag:$0x1] =	stream.indirect.gather [hbm4b:s6+s12], $0x80, s19, s12, $0xb8;
	[tilespmem:$0xC380] =	vst v63  }
0x25: {  	_ = 	snop  }
0x26: {  	[tilespmem:s22], [sflag:$0x1] =	stream.indirect.gather [hbm4b:s6+s12], $0x80, s21, s12, $0xb8;
	[tilespmem:$0xC380] =	vst v63  }
0x27: {  	_ =	swait.ge [sflag:s23], $0x2000  }
0x28: {  	[sflag:s23] =	ssyncset.done $0x0  }
0x29: {  	[sflag:s23] =	ssyncadd.s32 $0xFFFFE000  }
0x2a: {  	_ =	swait.ge [sflag:s23], $0x2000  }
0x2b: {  	[sflag:s23] =	ssyncset.done $0x0  }
0x2c: {  	[sflag:s23] =	ssyncadd.s32 $0xFFFFE000  }
0x2d: {  	_ =	swait.ge [sflag:s23], $0x2000  }
0x2e: {  	[sflag:s23] =	ssyncset.done $0x0  }
0x2f: {  	[sflag:s23] =	ssyncadd.s32 $0xFFFFE000  }
0x30: {  	_ =	swait.ge [sflag:s23], $0x2000  }
0x31: {  	[sflag:s23] =	ssyncset.done $0x0  }
0x32: {  	[sflag:s23] =	ssyncadd.s32 $0xFFFFE000  }
0x33: {  	_ =	swait.ge [sflag:s23], $0x2000  }
0x34: {  	[sflag:s23] =	ssyncset.done $0x0  }
0x35: {  	[sflag:s23] =	ssyncadd.s32 $0xFFFFE000  }
0x36: {  	_ =	swait.ge [sflag:s23], $0x2000  }
0x37: {  	[sflag:s23] =	ssyncset.done $0x0  }
0x38: {  	[sflag:s23] =	ssyncadd.s32 $0xFFFFE000  }
.LBB2_3:
0x39: {  	v0 =	vlaneseq.u32  }
0x3a: {  	v0 =	vor.u32 s28, v0  }
0x3b: {  	v11 =	vshll.u32 v0, $0x7  }
0x3c: {  	v9 =	vmul.u32 $0x280, v0;
	v20 =	vor.u32 $0x1, v11  }
0x3d: {  	v39 =	vor.u32 $0x4, v11  }
0x3e: {  	v21 =	vor.u32 $0x1, v9  }
0x3f: {  	v3 =	vmul.u32 $0x5, v0;
	v12 =	vor.u32 $0x2, v11  }
0x40: {  	v13 =	vor.u32 $0x2, v9  }
0x41: {  	v1 =	vadd.s32 $0x1, v3;
	v34 =	vor.u32 $0x3, v9;
	v18 =	vld.idx.msk [tilespmem:v20+s13+$0x0], $0xffff  }
0x42: {  	v2 =	vadd.s32 $0x2, v3;
	v40 =	vor.u32 $0x4, v9;
	v10 =	vshll.u32 v1, $0x7;
	v24 =	vld.idx.msk [tilespmem:v39+s13+$0x0], $0xffff  }
0x43: {  	v4 =	vadd.s32 $0x3, v3;
	v14 =	vshll.u32 v2, $0x7;
	v22 =	vor.u32 $0x1, v10;
	v28 =	vld.idx.msk [tilespmem:v21+s14+$0x0], $0xffff  }
0x44: {  	v5 =	vadd.s32 $0x4, v3;
	v15 =	vshll.u32 v4, $0x7;
	v23 =	vor.u32 $0x1, v14;
	v21 =	vld.idx.msk [tilespmem:v12+s13+$0x0], $0xffff  }
0x45: {  	[tilespmem:$0x1FFE0] =	vst v4;
	v17 =	vshll.u32 v5, $0x7;
	v4 =	vor.u32 $0x1, v15;
	v61 =	vld.idx.msk [tilespmem:v13+s14+$0x0], $0xffff  }
0x46: {  	[tilespmem:$0x1FFF0] =	vst v5;
	v5 =	vor.u32 $0x1, v17;
	v55 =	vld.idx.msk [tilespmem:v34+s14+$0x0], $0xffff  }
0x47: {  	v25 =	vor.u32 $0x2, v10;
	v51 =	vld.idx.msk [tilespmem:v40+s14+$0x0], $0xffff  }
0x48: {  	v26 =	vor.u32 $0x2, v14;
	v27 =	vld.idx.msk [tilespmem:v22+s14+$0x0], $0xffff  }
0x49: {  	v31 =	vor.u32 $0x2, v15;
	v63 =	vld.idx.msk [tilespmem:v23+s14+$0x0], $0xffff  }
0x4a: {  	v32 =	vor.u32 $0x2, v17;
	v29 =	vld.idx.msk [tilespmem:v4+s14+$0x0], $0xffff  }
0x4b: {  	v33 =	vor.u32 $0x3, v11;
	v30 =	vld.idx.msk [tilespmem:v5+s14+$0x0], $0xffff  }
0x4c: {  	v35 =	vor.u32 $0x3, v10;
	v60 =	vld.idx.msk [tilespmem:v25+s14+$0x0], $0xffff  }
0x4d: {  	v36 =	vor.u32 $0x3, v14;
	v62 =	vld.idx.msk [tilespmem:v26+s14+$0x0], $0xffff  }
0x4e: {  	v37 =	vor.u32 $0x3, v15;
	v59 =	vld.idx.msk [tilespmem:v31+s14+$0x0], $0xffff  }
0x4f: {  	v38 =	vor.u32 $0x3, v17;
	v47 =	vld.idx.msk [tilespmem:v32+s14+$0x0], $0xffff  }
0x50: {  	v41 =	vor.u32 $0x4, v10;
	v22 =	vld.idx.msk [tilespmem:v33+s13+$0x0], $0xffff  }
0x51: {  	v42 =	vor.u32 $0x4, v14;
	v56 =	vld.idx.msk [tilespmem:v35+s14+$0x0], $0xffff  }
0x52: {  	v43 =	vor.u32 $0x4, v15;
	v54 =	vld.idx.msk [tilespmem:v36+s14+$0x0], $0xffff  }
0x53: {  	v44 =	vor.u32 $0x4, v17;
	v48 =	vld.idx.msk [tilespmem:v37+s14+$0x0], $0xffff  }
0x54: {  	v45 =	vor.u32 $0x5, v11;
	v46 =	vld.idx.msk [tilespmem:v38+s14+$0x0], $0xffff  }
0x55: {  	v52 =	vor.u32 $0x5, v9;
	v50 =	vld.idx.msk [tilespmem:v41+s14+$0x0], $0xffff  }
0x56: {  	v53 =	vor.u32 $0x5, v10;
	v38 =	vld.idx.msk [tilespmem:v42+s14+$0x0], $0xffff  }
0x57: {  	v57 =	vor.u32 $0x5, v14;
	v35 =	vld.idx.msk [tilespmem:v43+s14+$0x0], $0xffff  }
0x58: {  	[tilespmem:$0x1FFB0] =	vst v3;
	v58 =	vor.u32 $0x5, v15;
	v39 =	vld.idx.msk [tilespmem:v44+s14+$0x0], $0xffff  }
0x59: {  	[tilespmem:$0x1FFC0] =	vst v1;
	v20 =	vor.u32 $0x6, v10;
	v23 =	vld.idx.msk [tilespmem:v45+s13+$0x0], $0xffff  }
0x5a: {  	v8 =	vor.u32 $0x6, v9;
	[tilespmem:$0x1FFD0] =	vst v2;
	v41 =	vld.idx.msk [tilespmem:v52+s14+$0x0], $0xffff  }
0x5b: {  	v34 =	vor.u32 $0x7, v9;
	v37 =	vld.idx.msk [tilespmem:v53+s14+$0x0], $0xffff  }
0x5c: {  	v43 =	vld.idx.msk [tilespmem:v57+s14+$0x0], $0xffff;
	v31 =	vor.u32 $0x6, v15  }
0x5d: {  	v36 =	vld.idx.msk [tilespmem:v58+s14+$0x0], $0xffff;
	v32 =	vor.u32 $0x6, v17  }
0x5e: {  	v57 =	vld.idx.msk [tilespmem:v20+s14+$0x0], $0xffff;
	v20 =	vor.u32 $0x7, v15  }
0x5f: {  	v53 =	vld.idx.msk [tilespmem:v8+s14+$0x0], $0xffff;
	v33 =	vor.u32 $0x7, v11  }
0x60: {  	v45 =	vor.u32 $0x7, v10;
	v5 =	vld.idx.msk [tilespmem:v34+s14+$0x0], $0xffff  }
0x61: {  	v4 =	vor.u32 $0x7, v17;
	v58 =	vld.idx.msk [tilespmem:v31+s14+$0x0], $0xffff  }
0x62: {  	v8 =	vor.u32 $0x8, v9;
	v49 =	vld.idx.msk [tilespmem:v32+s14+$0x0], $0xffff  }
0x63: {  	v19 =	vor.u32 $0x7, v14;
	v31 =	vld.idx.msk [tilespmem:v20+s14+$0x0], $0xffff  }
0x64: {  	v34 =	vor.u32 $0x8, v17;
	v42 =	vld.idx.msk [tilespmem:v33+s13+$0x0], $0xffff  }
0x65: {  	v6 =	vor.u32 $0x8, v11;
	v7 =	vld.idx.msk [tilespmem:v45+s14+$0x0], $0xffff  }
0x66: {  	v32 =	vld.idx.msk [tilespmem:v4+s14+$0x0], $0xffff;
	v33 =	vor.u32 $0x8, v15  }
0x67: {  	v4 =	vld.idx.msk [tilespmem:v8+s14+$0x0], $0xffff;
	v8 =	vor.u32 $0x9, v14  }
0x68: {  	v25 =	vld.idx.msk [tilespmem:v19+s14+$0x0], $0xffff;
	[tilespmem:$0x1FBD0] =	vst v31;
	v31 =	vor.u32 $0x8, v14  }
0x69: {  	v19 =	vld.idx.msk [tilespmem:v34+s14+$0x0], $0xffff  }
0x6a: {  	[tilespmem:$0x1FB90] =	vst v49;
	v49 =	vld.idx.msk [tilespmem:v6+s13+$0x0], $0xffff  }
0x6b: {  	v1 =	vor.u32 $0x5, v17;
	[tilespmem:$0x1FBB0] =	vst v7;
	v7 =	vld.idx.msk [tilespmem:v33+s14+$0x0], $0xffff  }
0x6c: {  	[tilespmem:$0x1FBF0] =	vst v4;
	v4 =	vor.u32 $0x9, v17;
	v33 =	vld.idx.msk [tilespmem:v8+s14+$0x0], $0xffff  }
0x6d: {  	v2 =	vor.u32 $0x6, v11;
	v6 =	vld.idx.msk [tilespmem:v31+s14+$0x0], $0xffff  }
0x6e: {  	v16 =	vor.u32 $0x6, v14  }
0x6f: {  	v3 =	vor.u32 $0xC, v10;
	[tilespmem:$0x1FBE0] =	vst v32  }
0x70: {  	v44 =	vld.idx.msk [tilespmem:v1+s14+$0x0], $0xffff;
	v32 =	vor.u32 $0xA, v17;
	[tilespmem:$0x1FC20] =	vst v19  }
0x71: {  	[tilespmem:$0x1FC30] =	vst v33;
	v19 =	vld.idx.msk [tilespmem:v4+s14+$0x0], $0xffff;
	v33 =	vor.u32 $0xB, v11  }
0x72: {  	v26 =	vld.idx.msk [tilespmem:v2+s13+$0x0], $0xffff;
	[tilespmem:$0x1FC00] =	vst v6;
	v6 =	vor.u32 $0xA, v9  }
0x73: {  	v52 =	vld.idx.msk [tilespmem:v16+s14+$0x0], $0xffff;
	v8 =	vor.u32 $0xA, v14  }
0x74: {  	v3 =	vld.idx.msk [tilespmem:v3+s14+$0x0], $0xffff;
	[tilespmem:$0x1FBA0] =	vst v5;
	v5 =	vor.u32 $0x9, v11  }
0x75: {  	v34 =	vor.u32 $0xA, v10;
	v0 =	vld.idx.msk [tilespmem:v32+s14+$0x0], $0xffff  }
0x76: {  	v20 =	vor.u32 $0x9, v15;
	[tilespmem:$0x1FC50] =	vst v19;
	v19 =	vld.idx.msk [tilespmem:v33+s13+$0x0], $0xffff  }
0x77: {  	v33 =	vor.u32 $0xB, v17;
	v1 =	vld.idx.msk [tilespmem:v6+s14+$0x0], $0xffff  }
0x78: {  	v6 =	vld.idx.msk [tilespmem:v8+s14+$0x0], $0xffff;
	v8 =	vor.u32 $0xB, v14  }
0x79: {  	v31 =	vld.idx.msk [tilespmem:v5+s13+$0x0], $0xffff;
	v5 =	vor.u32 $0xA, v11  }
0x7a: {  	[tilespmem:$0x1FD10] =	vst v3;
	v34 =	vld.idx.msk [tilespmem:v34+s14+$0x0], $0xffff  }
0x7b: {  	v3 =	vor.u32 $0xD, v9;
	[tilespmem:$0x1FC10] =	vst v7;
	v7 =	vld.idx.msk [tilespmem:v20+s14+$0x0], $0xffff  }
0x7c: {  	v20 =	vor.u32 $0xA, v15;
	[tilespmem:$0x1FCA0] =	vst v0;
	v0 =	vld.idx.msk [tilespmem:v33+s14+$0x0], $0xffff  }
0x7d: {  	v2 =	vld.idx.msk [tilespmem:v8+s14+$0x0], $0xffff;
	v8 =	vor.u32 $0xC, v9  }
0x7e: {  	v16 =	vld.idx.msk [tilespmem:v5+s13+$0x0], $0xffff;
	v5 =	vor.u32 $0xB, v9  }
0x7f: {  	v33 =	vor.u32 $0xC, v15  }
0x80: {  	v3 =	vld.idx.msk [tilespmem:v3+s14+$0x0], $0xffff;
	v32 =	vor.u32 $0xB, v15  }
0x81: {  	v13 =	vor.u32 $0xB, v10;
	[tilespmem:$0x1FC40] =	vst v7;
	v7 =	vld.idx.msk [tilespmem:v20+s14+$0x0], $0xffff  }
0x82: {  	[tilespmem:$0x1FCF0] =	vst v0;
	v0 =	vld.idx.msk [tilespmem:v8+s14+$0x0], $0xffff  }
0x83: {  	[tilespmem:$0x1FC70] =	vst v34;
	v34 =	vld.idx.msk [tilespmem:v5+s14+$0x0], $0xffff  }
0x84: {  	v5 =	vld.idx.msk [tilespmem:v33+s14+$0x0], $0xffff;
	[tilespmem:$0x1FC80] =	vst v6;
	v6 =	vor.u32 $0xC, v11  }
0x85: {  	[tilespmem:$0x1FC60] =	vst v1;
	v1 =	vld.idx.msk [tilespmem:v32+s14+$0x0], $0xffff  }
0x86: {  	[tilespmem:$0x1FC90] =	vst v7;
	v7 =	vld.idx.msk [tilespmem:v13+s14+$0x0], $0xffff  }
0x87: {  	v13 =	vld.idx.msk [tilespmem:v10+s14+$0x0], $0xffff;
	[tilespmem:$0x1FD00] =	vst v0;
	v0 =	vor.u32 $0xC, v14  }
0x88: {  	[tilespmem:$0x1FCB0] =	vst v34;
	v34 =	vld.idx.msk [tilespmem:v15+s14+$0x0], $0xffff  }
0x89: {  	[tilespmem:$0x1FD30] =	vst v5;
	v20 =	vld.idx.msk [tilespmem:v6+s13+$0x0], $0xffff  }
0x8a: {  	v5 =	vor.u32 $0xD, v14;
	[tilespmem:$0x1FCE0] =	vst v1;
	v1 =	vld.idx.msk [tilespmem:v11+s13+$0x0], $0xffff  }
0x8b: {  	[tilespmem:$0x1FCD0] =	vst v2;
	v2 =	vld.idx.msk [tilespmem:v9+s14+$0x0], $0xffff;
	v8 =	vor.u32 $0xD, v11  }
0x8c: {  	v6 =	vor.u32 $0xC, v17;
	v0 =	vld.idx.msk [tilespmem:v0+s14+$0x0], $0xffff  }
0x8d: {  	[tilespmem:$0x1FBC0] =	vst v25;
	v32 =	vld.idx.msk [tilespmem:v14+s14+$0x0], $0xffff  }
0x8e: {  	v40 =	vor.u32 $0x9, v9;
	[tilespmem:$0x1FCC0] =	vst v7;
	v7 =	vld.idx.msk [tilespmem:v17+s14+$0x0], $0xffff  }
0x8f: {  	v28 =	vmul.f32 v28, v18;
	v25 =	vor.u32 $0x8, v10;
	[tilespmem:$0x1FD50] =	vst v3;
	v3 =	vor.u32 $0xE, v11;
	v5 =	vld.idx.msk [tilespmem:v5+s14+$0x0], $0xffff  }
0x90: {  	v27 =	vmul.f32 v27, v18;
	v12 =	vmul.f32 v34, v1;
	v33 =	vld.idx.msk [tilespmem:v8+s13+$0x0], $0xffff;
	v8 =	vor.u32 $0xD, v17  }
0x91: {  	v2 =	vmul.f32 v2, v1;
	v13 =	vmul.f32 v13, v1;
	v6 =	vld.idx.msk [tilespmem:v6+s14+$0x0], $0xffff;
	[tilespmem:$0x1FD20] =	vst v0;
	v0 =	vor.u32 $0xD, v10  }
0x92: {  	v4 =	vmul.f32 v32, v1;
	v34 =	vmul.f32 v29, v18;
	v12 =	vadd.f32 $0.0e+00, v12  }
0x93: {  	v40 =	vld.idx.msk [tilespmem:v40+s14+$0x0], $0xffff;
	v45 =	vor.u32 $0x9, v10;
	v1 =	vmul.f32 v7, v1;
	v32 =	vmul.f32 v63, v18  }
0x94: {  	v18 =	vmul.f32 v30, v18;
	[tilespmem:$0x1FD70] =	vst v5;
	v5 =	vor.u32 $0xE, v10;
	v12 =	vadd.f32 v34, v12;
	v34 =	vld.idx.msk [tilespmem:v3+s13+$0x0], $0xffff  }
0x95: {  	v7 =	vmul.f32 v61, v21;
	v61 =	vmul.f32 v60, v21;
	v3 =	vor.u32 $0xE, v17;
	v63 =	vld.idx.msk [tilespmem:v8+s14+$0x0], $0xffff  }
0x96: {  	v2 =	vadd.f32 $0.0e+00, v2;
	v13 =	vadd.f32 $0.0e+00, v13;
	[tilespmem:$0x1FD40] =	vst v6;
	v6 =	vor.u32 $0xD, v15;
	v0 =	vld.idx.msk [tilespmem:v0+s14+$0x0], $0xffff  }
0x97: {  	v25 =	vld.idx.msk [tilespmem:v25+s14+$0x0], $0xffff;
	v4 =	vadd.f32 $0.0e+00, v4;
	v1 =	vadd.f32 $0.0e+00, v1;
	v8 =	vor.u32 $0xE, v15  }
0x98: {  	v45 =	vld.idx.msk [tilespmem:v45+s14+$0x0], $0xffff;
	v60 =	vor.u32 $0xF, v9;
	v2 =	vadd.f32 v28, v2;
	v13 =	vadd.f32 v27, v13  }
0x99: {  	v4 =	vadd.f32 v32, v4;
	v18 =	vadd.f32 v18, v1;
	v32 =	vmul.f32 v59, v21;
	v59 =	vld.idx.msk [tilespmem:v5+s14+$0x0], $0xffff  }
0x9a: {  	v2 =	vadd.f32 v7, v2;
	v7 =	vmul.f32 v56, v22;
	v56 =	vld.idx.msk [tilespmem:v3+s14+$0x0], $0xffff;
	v3 =	vor.u32 $0xF, v15;
	[tilespmem:$0x1FD90] =	vst v63  }
0x9b: {  	v13 =	vadd.f32 v61, v13;
	v6 =	vld.idx.msk [tilespmem:v6+s14+$0x0], $0xffff;
	v63 =	vmul.f32 v62, v21;
	[tilespmem:$0x1FD60] =	vst v0;
	v0 =	vor.u32 $0xE, v9  }
0x9c: {  	v62 =	vor.u32 $0xF, v10;
	v21 =	vmul.f32 v47, v21;
	v47 =	vld.idx.msk [tilespmem:v8+s14+$0x0], $0xffff;
	v8 =	vor.u32 $0xF, v14  }
0x9d: {  	v27 =	vld [tilespmem:$0x1FCB0];
	v4 =	vadd.f32 v63, v4;
	v63 =	vmul.f32 v55, v22;
	v55 =	vmul.f32 v54, v22  }
0x9e: {  	v38 =	vmul.f32 v38, v24;
	v13 =	vadd.f32 v7, v13;
	[tilespmem:$0x1FDB0] =	vst v59;
	v59 =	vld.idx.msk [tilespmem:v60+s14+$0x0], $0xffff  }
0x9f: {  	v21 =	vadd.f32 v21, v18;
	v18 =	vor.u32 $0x10, v14;
	v4 =	vadd.f32 v55, v4;
	v7 =	vld.idx.msk [tilespmem:v3+s14+$0x0], $0xffff  }
0xa0: {  	v2 =	vadd.f32 v63, v2;
	v63 =	vmul.f32 v50, v24;
	[tilespmem:$0x1FD80] =	vst v6;
	v6 =	vor.u32 $0xE, v14;
	v0 =	vld.idx.msk [tilespmem:v0+s14+$0x0], $0xffff  }
0xa1: {  	v50 =	vor.u32 $0x11, v11;
	v54 =	vld.idx.msk [tilespmem:v62+s14+$0x0], $0xffff;
	v4 =	vadd.f32 v38, v4;
	v38 =	vmul.f32 v43, v23  }
0xa2: {  	v55 =	vld.idx.msk [tilespmem:v8+s14+$0x0], $0xffff  }
0xa3: {  	v8 =	vor.u32 $0x12, v17;
	v4 =	vadd.f32 v38, v4;
	v38 =	vld [tilespmem:$0x1FBA0]  }
0xa4: {  	v43 =	vor.u32 $0x11, v17;
	[tilespmem:$0x1FDE0] =	vst v7;
	v7 =	vld.idx.msk [tilespmem:v18+s14+$0x0], $0xffff  }
0xa5: {  	v61 =	vld.idx.msk [tilespmem:v6+s14+$0x0], $0xffff;
	[tilespmem:$0x1FDA0] =	vst v0;
	v0 =	vor.u32 $0xF, v11  }
0xa6: {  	v13 =	vadd.f32 v63, v13;
	v63 =	vmul.f32 v52, v26;
	v18 =	vor.u32 $0x11, v10;
	v29 =	vld.idx.msk [tilespmem:v50+s13+$0x0], $0xffff  }
0xa7: {  	[tilespmem:$0x1FDD0] =	vst v59;
	v59 =	vor.u32 $0x10, v10;
	v50 =	vmul.f32 v53, v26;
	v53 =	vmul.f32 v57, v26;
	v57 =	vld [tilespmem:$0x1FBC0]  }
0xa8: {  	v60 =	vor.u32 $0x10, v11;
	v52 =	vld.idx.msk [tilespmem:v8+s14+$0x0], $0xffff  }
0xa9: {  	v51 =	vmul.f32 v51, v24;
	v62 =	vor.u32 $0x10, v9;
	v4 =	vadd.f32 v63, v4;
	v63 =	vld.idx.msk [tilespmem:v43+s14+$0x0], $0xffff  }
0xaa: {  	v12 =	vadd.f32 v32, v12;
	[tilespmem:$0x1FDC0] =	vst v61;
	v61 =	vmul.f32 v48, v22;
	v32 =	vld.idx.msk [tilespmem:v0+s13+$0x0], $0xffff;
	v0 =	vor.u32 $0xF, v17  }
0xab: {  	v28 =	vld.idx.msk [tilespmem:v18+s14+$0x0], $0xffff;
	v22 =	vmul.f32 v46, v22;
	v46 =	vor.u32 $0x10, v17  }
0xac: {  	v2 =	vadd.f32 v51, v2;
	v12 =	vadd.f32 v61, v12;
	v61 =	vld.idx.msk [tilespmem:v59+s14+$0x0], $0xffff;
	v59 =	vor.u32 $0x11, v9  }
0xad: {  	v51 =	vmul.f32 v41, v23;
	v41 =	vor.u32 $0x11, v15;
	v21 =	vadd.f32 v22, v21;
	v22 =	vld.idx.msk [tilespmem:v60+s13+$0x0], $0xffff  }
0xae: {  	v60 =	vld.idx.msk [tilespmem:v62+s14+$0x0], $0xffff  }
0xaf: {  	v48 =	vmul.f32 v35, v24;
	v0 =	vld.idx.msk [tilespmem:v0+s14+$0x0], $0xffff  }
0xb0: {  	v62 =	vld.idx.msk [tilespmem:v46+s14+$0x0], $0xffff  }
0xb1: {  	v12 =	vadd.f32 v48, v12;
	v48 =	vor.u32 $0x12, v11;
	v46 =	vld.idx.msk [tilespmem:v59+s14+$0x0], $0xffff  }
0xb2: {  	v59 =	vld.idx.msk [tilespmem:v41+s14+$0x0], $0xffff  }
0xb3: {  	[tilespmem:$0x1FE00] =	vst v7;
	v18 =	vor.u32 $0x12, v14;
	v41 =	vld [tilespmem:$0x1FBB0]  }
0xb4: {  	v7 =	vld [tilespmem:$0x1FBD0];
	v35 =	vmul.f32 v37, v23;
	[tilespmem:$0x1FDF0] =	vst v0;
	v0 =	vor.u32 $0x10, v15  }
0xb5: {  	v24 =	vmul.f32 v39, v24;
	v39 =	vmul.f32 v36, v23;
	v36 =	vld [tilespmem:$0x1FB90]  }
0xb6: {  	v2 =	vadd.f32 v51, v2;
	v51 =	vor.u32 $0x12, v9;
	v13 =	vadd.f32 v35, v13;
	v30 =	vld.idx.msk [tilespmem:v48+s13+$0x0], $0xffff  }
0xb7: {  	v35 =	vor.u32 $0x12, v15;
	v48 =	vld [tilespmem:$0x1FBF0]  }
0xb8: {  	v13 =	vadd.f32 v53, v13;
	v53 =	vor.u32 $0x13, v15;
	v43 =	vmul.f32 v41, v42;
	v41 =	vld.idx.msk [tilespmem:v18+s14+$0x0], $0xffff  }
0xb9: {  	v1 =	vmul.f32 v58, v26;
	v2 =	vadd.f32 v50, v2;
	v37 =	vor.u32 $0x11, v14;
	v0 =	vld.idx.msk [tilespmem:v0+s14+$0x0], $0xffff  }
0xba: {  	v12 =	vadd.f32 v39, v12;
	v39 =	vmul.f32 v38, v42;
	v18 =	vmul.f32 v7, v42;
	v7 =	vld [tilespmem:$0x1FC00]  }
0xbb: {  	v51 =	vld.idx.msk [tilespmem:v51+s14+$0x0], $0xffff;
	v23 =	vmul.f32 v44, v23;
	v21 =	vadd.f32 v24, v21  }
0xbc: {  	v12 =	vadd.f32 v1, v12;
	v2 =	vadd.f32 v39, v2;
	v39 =	vld.idx.msk [tilespmem:v35+s14+$0x0], $0xffff  }
0xbd: {  	v6 =	vor.u32 $0x14, v10;
	[tilespmem:$0x1FE40] =	vst v52;
	v21 =	vadd.f32 v23, v21;
	v52 =	vld.idx.msk [tilespmem:v53+s14+$0x0], $0xffff;
	v50 =	vmul.f32 v48, v49  }
0xbe: {  	v35 =	vor.u32 $0x13, v14;
	v12 =	vadd.f32 v18, v12;
	[tilespmem:$0x1FE10] =	vst v0;
	v0 =	vld.idx.msk [tilespmem:v37+s14+$0x0], $0xffff;
	v37 =	vmul.f32 v36, v26  }
0xbf: {  	v2 =	vadd.f32 v50, v2;
	v50 =	vmul.f32 v40, v31;
	v18 =	vmul.f32 v7, v49;
	v7 =	vld [tilespmem:$0x1FC30]  }
0xc0: {  	v21 =	vadd.f32 v37, v21;
	v37 =	vld [tilespmem:$0x1FBE0]  }
0xc1: {  	v58 =	vmul.f32 v57, v42;
	v2 =	vadd.f32 v50, v2;
	v50 =	vld [tilespmem:$0x1FC60]  }
0xc2: {  	v57 =	vmul.f32 v25, v49;
	v25 =	vld [tilespmem:$0x1FCA0]  }
0xc3: {  	v5 =	vor.u32 $0x13, v10;
	v4 =	vadd.f32 v58, v4;
	v24 =	vld.idx.msk [tilespmem:v6+s14+$0x0], $0xffff  }
0xc4: {  	v44 =	vor.u32 $0x13, v11;
	v35 =	vld.idx.msk [tilespmem:v35+s14+$0x0], $0xffff  }
0xc5: {  	[tilespmem:$0x1FE50] =	vst v52;
	v4 =	vadd.f32 v18, v4;
	v18 =	vmul.f32 v7, v31;
	v7 =	vld [tilespmem:$0x1FC90];
	v38 =	vmul.f32 v37, v42  }
0xc6: {  	v52 =	vmul.f32 v50, v16;
	v50 =	vld [tilespmem:$0x1FCC0];
	[tilespmem:$0x1FE20] =	vst v0;
	v0 =	vor.u32 $0x12, v10  }
0xc7: {  	v58 =	vor.u32 $0x13, v17;
	v21 =	vadd.f32 v38, v21;
	v38 =	vld [tilespmem:$0x1FC10]  }
0xc8: {  	v53 =	vor.u32 $0x14, v14;
	v36 =	vld.idx.msk [tilespmem:v5+s14+$0x0], $0xffff  }
0xc9: {  	v42 =	vld.idx.msk [tilespmem:v44+s13+$0x0], $0xffff  }
0xca: {  	v44 =	vld [tilespmem:$0x1FC20]  }
0xcb: {  	v0 =	vld.idx.msk [tilespmem:v0+s14+$0x0], $0xffff  }
0xcc: {  	v8 =	vor.u32 $0x15, v10;
	v13 =	vadd.f32 v43, v13;
	v43 =	vmul.f32 v38, v49;
	v38 =	vld.idx.msk [tilespmem:v58+s14+$0x0], $0xffff  }
0xcd: {  	v5 =	vor.u32 $0x14, v9;
	v58 =	vmul.f32 v45, v31;
	v45 =	vld.idx.msk [tilespmem:v53+s14+$0x0], $0xffff  }
0xce: {  	v6 =	vor.u32 $0x15, v9;
	v12 =	vadd.f32 v43, v12;
	v43 =	vld [tilespmem:$0x1FC50]  }
0xcf: {  	v13 =	vadd.f32 v57, v13;
	v37 =	vld [tilespmem:$0x1FC40]  }
0xd0: {  	v57 =	vor.u32 $0x14, v15;
	v2 =	vadd.f32 v52, v2;
	v52 =	vmul.f32 v50, v19;
	v50 =	vld [tilespmem:$0x1FCF0]  }
0xd1: {  	v26 =	vld.idx.msk [tilespmem:v8+s14+$0x0], $0xffff;
	v49 =	vmul.f32 v44, v49  }
0xd2: {  	v23 =	vld.idx.msk [tilespmem:v5+s14+$0x0], $0xffff;
	v53 =	vor.u32 $0x15, v14;
	[tilespmem:$0x1FE30] =	vst v0  }
0xd3: {  	v0 =	vor.u32 $0x13, v9;
	v21 =	vadd.f32 v49, v21;
	[tilespmem:$0x1FE60] =	vst v45;
	v45 =	vld.idx.msk [tilespmem:v6+s14+$0x0], $0xffff;
	v44 =	vmul.f32 v43, v31  }
0xd4: {  	v40 =	vmul.f32 v37, v31;
	v31 =	vld [tilespmem:$0x1FC80]  }
0xd5: {  	v5 =	vor.u32 $0x15, v11;
	v21 =	vadd.f32 v44, v21;
	v44 =	vld.idx.msk [tilespmem:v57+s14+$0x0], $0xffff  }
0xd6: {  	v4 =	vadd.f32 v18, v4;
	v57 =	vld [tilespmem:$0x1FC70]  }
0xd7: {  	v18 =	vmul.f32 v7, v16;
	v12 =	vadd.f32 v40, v12;
	v40 =	vor.u32 $0x15, v15;
	v53 =	vld.idx.msk [tilespmem:v53+s14+$0x0], $0xffff  }
0xd8: {  	v48 =	vld.idx.msk [tilespmem:v0+s14+$0x0], $0xffff;
	v0 =	vor.u32 $0x14, v11  }
0xd9: {  	v12 =	vadd.f32 v18, v12;
	v18 =	vld [tilespmem:$0x1FD50]  }
0xda: {  	v3 =	vor.u32 $0x16, v10;
	v37 =	vmul.f32 v31, v16;
	v31 =	vld.idx.msk [tilespmem:v5+s13+$0x0], $0xffff  }
0xdb: {  	v13 =	vadd.f32 v58, v13;
	v5 =	vor.u32 $0x15, v17;
	v58 =	vmul.f32 v57, v16;
	v57 =	vld [tilespmem:$0x1FCD0]  }
0xdc: {  	v8 =	vor.u32 $0x16, v9;
	v40 =	vld.idx.msk [tilespmem:v40+s14+$0x0], $0xffff  }
0xdd: {  	v49 =	vld.idx.msk [tilespmem:v0+s13+$0x0], $0xffff  }
0xde: {  	v0 =	vor.u32 $0x14, v17;
	v4 =	vadd.f32 v37, v4;
	v37 =	vmul.f32 v27, v19;
	v27 =	vld [tilespmem:$0x1FCE0]  }
0xdf: {  	v16 =	vmul.f32 v25, v16;
	v25 =	vld.idx.msk [tilespmem:v3+s14+$0x0], $0xffff  }
0xe0: {  	[tilespmem:$0x1FE70] =	vst v26;
	v13 =	vadd.f32 v58, v13;
	v26 =	vld.idx.msk [tilespmem:v5+s14+$0x0], $0xffff;
	v58 =	vmul.f32 v57, v19  }
0xe1: {  	v57 =	vld.idx.msk [tilespmem:v8+s14+$0x0], $0xffff  }
0xe2: {  	v6 =	vor.u32 $0x16, v11;
	v4 =	vadd.f32 v58, v4;
	v58 =	vld [tilespmem:$0x1FD10]  }
0xe3: {  	v3 =	vor.u32 $0x17, v9;
	v43 =	vld.idx.msk [tilespmem:v0+s14+$0x0], $0xffff  }
0xe4: {  	v13 =	vadd.f32 v52, v13;
	v52 =	vld [tilespmem:$0x1FD00]  }
0xe5: {  	v0 =	vor.u32 $0x16, v14;
	[tilespmem:$0x1FE90] =	vst v26;
	v26 =	vld [tilespmem:$0x1FD20]  }
0xe6: {  	v5 =	vor.u32 $0x16, v15;
	[tilespmem:$0x1FEA0] =	vst v57;
	v57 =	vld [tilespmem:$0x1FD30]  }
0xe7: {  	v2 =	vadd.f32 v37, v2;
	v37 =	vmul.f32 v27, v19;
	v27 =	vld.idx.msk [tilespmem:v6+s13+$0x0], $0xffff;
	v7 =	vmul.f32 v58, v20  }
0xe8: {  	v6 =	vor.u32 $0x16, v17;
	v3 =	vld.idx.msk [tilespmem:v3+s14+$0x0], $0xffff  }
0xe9: {  	[tilespmem:$0x1FE80] =	vst v53;
	v19 =	vmul.f32 v50, v19;
	v53 =	vmul.f32 v52, v20;
	v50 =	vadd.f32 v7, v13;
	v13 =	vld [tilespmem:$0x1FD40]  }
0xea: {  	v21 =	vadd.f32 v16, v21;
	v8 =	vor.u32 $0x17, v11;
	[tilespmem:$0x1FEB0] =	vst v25;
	v25 =	vld.idx.msk [tilespmem:v0+s14+$0x0], $0xffff;
	v52 =	vmul.f32 v26, v20  }
0xeb: {  	v37 =	vadd.f32 v37, v12;
	v2 =	vadd.f32 v53, v2;
	v53 =	vld.idx.msk [tilespmem:v5+s14+$0x0], $0xffff;
	v58 =	vmul.f32 v57, v20  }
0xec: {  	v1 =	vor.u32 $0x17, v10;
	v7 =	vadd.f32 v52, v4;
	v52 =	vld [tilespmem:$0x1FD80]  }
0xed: {  	v19 =	vadd.f32 v19, v21;
	v5 =	vor.u32 $0x17, v14;
	v21 =	vadd.f32 v58, v37;
	v37 =	vld [tilespmem:$0x1FD70]  }
0xee: {  	v16 =	vld.idx.msk [tilespmem:v6+s14+$0x0], $0xffff;
	v20 =	vmul.f32 v13, v20  }
0xef: {  	v0 =	vmul.f32 v18, v33;
	v26 =	vld.idx.msk [tilespmem:v8+s13+$0x0], $0xffff;
	v8 =	vor.u32 $0x17, v17  }
0xf0: {  	v4 =	vadd.f32 v20, v19;
	v19 =	vld [tilespmem:$0x1FD60]  }
0xf1: {  	v18 =	vadd.f32 v0, v2;
	v57 =	vld.idx.msk [tilespmem:v1+s14+$0x0], $0xffff  }
0xf2: {  	v6 =	vor.u32 $0x17, v15;
	[tilespmem:$0x1FEC0] =	vst v53;
	v58 =	vld.idx.msk [tilespmem:v5+s14+$0x0], $0xffff;
	v53 =	vmul.f32 v52, v33;
	v0 =	vmul.f32 v37, v33  }
0xf3: {  	v52 =	vld [tilespmem:$0x1FDC0]  }
0xf4: {  	[tilespmem:$0x1FEE0] =	vst v3;
	v3 =	vor.u32 $0x18, v11;
	v1 =	vadd.f32 v0, v7;
	v7 =	vadd.f32 v53, v21;
	v21 =	vld.idx.msk [tilespmem:v8+s14+$0x0], $0xffff  }
0xf5: {  	v37 =	vld [tilespmem:$0x1FDA0];
	v8 =	vor.u32 $0x18, v15;
	v20 =	vmul.f32 v19, v33  }
0xf6: {  	v19 =	vld [tilespmem:$0x1FD90]  }
0xf7: {  	v12 =	vor.u32 $0x18, v9;
	[tilespmem:$0x1FED0] =	vst v16;
	v16 =	vadd.f32 v20, v50;
	v20 =	vld.idx.msk [tilespmem:v6+s14+$0x0], $0xffff  }
0xf8: {  	v5 =	vor.u32 $0x18, v10;
	v53 =	vmul.f32 v52, v34;
	v50 =	vld [tilespmem:$0x1FDB0]  }
0xf9: {  	v6 =	vor.u32 $0x18, v14;
	[tilespmem:$0x1FF00] =	vst v21;
	v21 =	vld.idx.msk [tilespmem:v3+s13+$0x0], $0xffff  }
0xfa: {  	v1 =	vadd.f32 v53, v1;
	v53 =	vmul.f32 v56, v34;
	v3 =	vor.u32 $0x18, v17;
	v56 =	vld.idx.msk [tilespmem:v8+s14+$0x0], $0xffff  }
0xfb: {  	v0 =	vmul.f32 v37, v34;
	v8 =	vld [tilespmem:$0x1FDD0]  }
0xfc: {  	v2 =	vor.u32 $0x19, v11;
	v37 =	vmul.f32 v47, v34;
	v33 =	vmul.f32 v19, v33;
	[tilespmem:$0x1FEF0] =	vst v20;
	v20 =	vld.idx.msk [tilespmem:v12+s14+$0x0], $0xffff  }
0xfd: {  	v55 =	vmul.f32 v55, v32;
	v47 =	vld.idx.msk [tilespmem:v5+s14+$0x0], $0xffff;
	v19 =	vmul.f32 v50, v34;
	v50 =	vor.u32 $0x19, v9  }
0xfe: {  	v7 =	vadd.f32 v37, v7;
	v37 =	vmul.f32 v54, v32;
	v33 =	vadd.f32 v33, v4;
	v52 =	vld.idx.msk [tilespmem:v6+s14+$0x0], $0xffff  }
0xff: {  	v12 =	vadd.f32 v0, v18;
	v18 =	vor.u32 $0x19, v14;
	v3 =	vld.idx.msk [tilespmem:v3+s14+$0x0], $0xffff;
	v16 =	vadd.f32 v19, v16  }
0x100: {  	v4 =	vor.u32 $0x19, v10;
	v33 =	vadd.f32 v53, v33;
	v53 =	vadd.f32 v55, v1;
	v55 =	vld [tilespmem:$0x1FDF0]  }
0x101: {  	v0 =	vor.u32 $0x1A, v11;
	v13 =	vmul.f32 v8, v32;
	[tilespmem:$0x1FF10] =	vst v20;
	v20 =	vld.idx.msk [tilespmem:v2+s13+$0x0], $0xffff  }
0x102: {  	v16 =	vadd.f32 v37, v16;
	v37 =	vld.idx.msk [tilespmem:v50+s14+$0x0], $0xffff  }
0x103: {  	[tilespmem:$0x1FF30] =	vst v56;
	v56 =	vmul.f32 v60, v22;
	v12 =	vadd.f32 v13, v12;
	v50 =	vld [tilespmem:$0x1FDE0]  }
0x104: {  	v60 =	vld.idx.msk [tilespmem:v18+s14+$0x0], $0xffff  }
0x105: {  	v46 =	vmul.f32 v46, v29;
	v54 =	vld.idx.msk [tilespmem:v4+s14+$0x0], $0xffff;
	v4 =	vor.u32 $0x1A, v9;
	v12 =	vadd.f32 v56, v12  }
0x106: {  	v8 =	vor.u32 $0x1A, v14;
	v13 =	vld.idx.msk [tilespmem:v0+s13+$0x0], $0xffff  }
0x107: {  	v61 =	vmul.f32 v61, v22;
	[tilespmem:$0x1FF20] =	vst v52;
	v2 =	vor.u32 $0x19, v17;
	v12 =	vadd.f32 v46, v12;
	v46 =	vld [tilespmem:$0x1FE20]  }
0x108: {  	[tilespmem:$0x1FF40] =	vst v3;
	v3 =	vor.u32 $0x19, v15;
	v52 =	vmul.f32 v50, v32;
	v32 =	vmul.f32 v55, v32;
	v55 =	vld [tilespmem:$0x1FE00]  }
0x109: {  	v18 =	vor.u32 $0x1A, v10;
	[tilespmem:$0x1FF60] =	vst v60;
	v60 =	vld [tilespmem:$0x1FE10]  }
0x10a: {  	v34 =	vor.u32 $0x1A, v17;
	v16 =	vadd.f32 v61, v16;
	v61 =	vld.idx.msk [tilespmem:v4+s14+$0x0], $0xffff  }
0x10b: {  	[tilespmem:$0x1FF50] =	vst v54;
	v54 =	vld.idx.msk [tilespmem:v8+s14+$0x0], $0xffff;
	v8 =	vor.u32 $0x1B, v10  }
0x10c: {  	v50 =	vld.idx.msk [tilespmem:v2+s14+$0x0], $0xffff  }
0x10d: {  	v2 =	vor.u32 $0x1A, v15;
	v19 =	vadd.f32 v52, v7;
	v52 =	vld.idx.msk [tilespmem:v3+s14+$0x0], $0xffff  }
0x10e: {  	v3 =	vor.u32 $0x1B, v9;
	v56 =	vmul.f32 v55, v22;
	v55 =	vld.idx.msk [tilespmem:v18+s14+$0x0], $0xffff  }
0x10f: {  	v0 =	vmul.f32 v60, v22;
	v22 =	vmul.f32 v62, v22;
	v62 =	vor.u32 $0x1B, v11;
	v60 =	vld.idx.msk [tilespmem:v34+s14+$0x0], $0xffff  }
0x110: {  	v28 =	vmul.f32 v28, v29;
	v7 =	vmul.f32 v51, v30;
	[tilespmem:$0x1FF70] =	vst v61;
	v61 =	vor.u32 $0x1B, v15;
	v51 =	vld.idx.msk [tilespmem:v8+s14+$0x0], $0xffff  }
0x111: {  	v32 =	vadd.f32 v32, v33;
	v8 =	vld [tilespmem:$0x1FE30];
	v33 =	vadd.f32 v56, v53;
	v56 =	vmul.f32 v46, v29  }
0x112: {  	v59 =	vmul.f32 v59, v29;
	v16 =	vadd.f32 v28, v16;
	v53 =	vld.idx.msk [tilespmem:v2+s14+$0x0], $0xffff  }
0x113: {  	v19 =	vadd.f32 v0, v19;
	v2 =	vor.u32 $0x1B, v14;
	v33 =	vadd.f32 v56, v33;
	v56 =	vld.idx.msk [tilespmem:v3+s14+$0x0], $0xffff  }
0x114: {  	v22 =	vadd.f32 v22, v32;
	v29 =	vmul.f32 v63, v29;
	v32 =	vor.u32 $0x1C, v9;
	v18 =	vld.idx.msk [tilespmem:v62+s13+$0x0], $0xffff  }
0x115: {  	v63 =	vadd.f32 v59, v19;
	v3 =	vor.u32 $0x1C, v11;
	v59 =	vmul.f32 v39, v30;
	[tilespmem:$0x1FF80] =	vst v60;
	v60 =	vld.idx.msk [tilespmem:v61+s14+$0x0], $0xffff  }
0x116: {  	v62 =	vor.u32 $0x1B, v17;
	v28 =	vmul.f32 v8, v30;
	v8 =	vmul.f32 v48, v42;
	v48 =	vld [tilespmem:$0x1FE50]  }
0x117: {  	v61 =	vor.u32 $0x1C, v14;
	v1 =	vadd.f32 v59, v63;
	v63 =	vld [tilespmem:$0x1FE40]  }
0x118: {  	v19 =	vadd.f32 v29, v22;
	v29 =	vmul.f32 v41, v30;
	v41 =	vld.idx.msk [tilespmem:v2+s14+$0x0], $0xffff  }
0x119: {  	v16 =	vadd.f32 v28, v16;
	v28 =	vmul.f32 v36, v42;
	v36 =	vld.idx.msk [tilespmem:v32+s14+$0x0], $0xffff  }
0x11a: {  	v12 =	vadd.f32 v7, v12;
	v32 =	vor.u32 $0x1D, v11;
	v22 =	vld.idx.msk [tilespmem:v3+s13+$0x0], $0xffff  }
0x11b: {  	v0 =	vadd.f32 v29, v33;
	v2 =	vor.u32 $0x1C, v10;
	v29 =	vld.idx.msk [tilespmem:v62+s14+$0x0], $0xffff  }
0x11c: {  	v12 =	vadd.f32 v8, v12;
	v16 =	vadd.f32 v28, v16;
	v28 =	vmul.f32 v23, v49;
	v46 =	vld.idx.msk [tilespmem:v61+s14+$0x0], $0xffff  }
0x11d: {  	v3 =	vor.u32 $0x1C, v17;
	v59 =	vmul.f32 v48, v42;
	v48 =	vld [tilespmem:$0x1FE80]  }
0x11e: {  	v30 =	vmul.f32 v63, v30;
	v12 =	vadd.f32 v28, v12;
	v28 =	vld [tilespmem:$0x1FE70]  }
0x11f: {  	v44 =	vmul.f32 v44, v49;
	v62 =	vor.u32 $0x1C, v15;
	v23 =	vld.idx.msk [tilespmem:v32+s13+$0x0], $0xffff  }
0x120: {  	v39 =	vor.u32 $0x1D, v9;
	v19 =	vadd.f32 v30, v19;
	v30 =	vmul.f32 v35, v42;
	v35 =	vld.idx.msk [tilespmem:v2+s14+$0x0], $0xffff  }
0x121: {  	v33 =	vor.u32 $0x1D, v10;
	v1 =	vadd.f32 v59, v1;
	v42 =	vmul.f32 v38, v42;
	v38 =	vld [tilespmem:$0x1FE60]  }
0x122: {  	v8 =	vor.u32 $0x1D, v14;
	v34 =	vld.idx.msk [tilespmem:v3+s14+$0x0], $0xffff  }
0x123: {  	v1 =	vadd.f32 v44, v1;
	v44 =	vld [tilespmem:$0x1FEB0]  }
0x124: {  	v32 =	vor.u32 $0x1D, v17;
	v63 =	vld.idx.msk [tilespmem:v62+s14+$0x0], $0xffff  }
0x125: {  	v59 =	vor.u32 $0x1E, v9;
	v0 =	vadd.f32 v30, v0;
	v30 =	vld.idx.msk [tilespmem:v39+s14+$0x0], $0xffff  }
0x126: {  	v2 =	vor.u32 $0x1E, v11;
	v62 =	vld.idx.msk [tilespmem:v33+s14+$0x0], $0xffff  }
0x127: {  	v33 =	vld.idx.msk [tilespmem:v8+s14+$0x0], $0xffff  }
0x128: {  	v19 =	vadd.f32 v42, v19;
	v8 =	vmul.f32 v45, v31;
	v45 =	vor.u32 $0x1E, v15;
	v42 =	vld [tilespmem:$0x1FEA0]  }
0x129: {  	v24 =	vmul.f32 v24, v49;
	[tilespmem:$0x1FF90] =	vst v60;
	v60 =	vld.idx.msk [tilespmem:v32+s14+$0x0], $0xffff  }
0x12a: {  	[tilespmem:$0x1FFA0] =	vst v46;
	v46 =	vor.u32 $0x1F, v11;
	v61 =	vld.idx.msk [tilespmem:v59+s14+$0x0], $0xffff;
	v39 =	vmul.f32 v38, v49;
	v49 =	vmul.f32 v43, v49  }
0x12b: {  	v16 =	vadd.f32 v24, v16;
	v32 =	vmul.f32 v28, v31;
	v24 =	vld.idx.msk [tilespmem:v2+s13+$0x0], $0xffff  }
0x12c: {  	v3 =	vor.u32 $0x1D, v15;
	v19 =	vadd.f32 v49, v19;
	v49 =	vld [tilespmem:$0x1FE90]  }
0x12d: {  	v16 =	vadd.f32 v32, v16;
	v6 =	vadd.f32 v39, v0;
	v0 =	vmul.f32 v48, v31;
	v32 =	vld.idx.msk [tilespmem:v45+s14+$0x0], $0xffff  }
0x12e: {  	v48 =	vld [tilespmem:$0x1FEC0]  }
0x12f: {  	v40 =	vmul.f32 v40, v31;
	v45 =	vmul.f32 v25, v27;
	v25 =	vld.idx.msk [tilespmem:v46+s13+$0x0], $0xffff;
	v2 =	vadd.f32 v0, v6  }
0x130: {  	v5 =	vor.u32 $0x1E, v17;
	v46 =	vld [tilespmem:$0x1FEE0]  }
0x131: {  	v6 =	vadd.f32 v40, v1;
	v1 =	vadd.f32 v45, v2;
	v45 =	vld [tilespmem:$0x1FED0]  }
0x132: {  	v38 =	vld.idx.msk [tilespmem:v3+s14+$0x0], $0xffff;
	v59 =	vmul.f32 v49, v31;
	v49 =	vor.u32 $0x1F, v14  }
0x133: {  	v12 =	vadd.f32 v8, v12;
	v43 =	vmul.f32 v42, v27;
	v0 =	vmul.f32 v44, v27;
	v44 =	vld [tilespmem:$0x1FEF0]  }
0x134: {  	v4 =	vor.u32 $0x1E, v10;
	v40 =	vld [tilespmem:$0x1FF20];
	v7 =	vadd.f32 v59, v19;
	v19 =	vmul.f32 v48, v27  }
0x135: {  	v42 =	vmul.f32 v58, v26;
	v12 =	vadd.f32 v43, v12;
	v59 =	vld.idx.msk [tilespmem:v5+s14+$0x0], $0xffff;
	v5 =	vor.u32 $0x1F, v15  }
0x136: {  	v48 =	vmul.f32 v46, v26;
	v8 =	vadd.f32 v19, v6;
	v6 =	vmul.f32 v45, v27;
	v45 =	vld [tilespmem:$0x1FF00]  }
0x137: {  	v3 =	vor.u32 $0x1E, v14;
	v0 =	vadd.f32 v0, v16;
	v19 =	vmul.f32 v57, v26;
	v57 =	vld.idx.msk [tilespmem:v49+s14+$0x0], $0xffff  }
0x138: {  	v43 =	vor.u32 $0x1F, v17;
	v49 =	vadd.f32 v48, v12;
	v12 =	vadd.f32 v42, v1;
	v42 =	vld [tilespmem:$0x1FF30]  }
0x139: {  	v6 =	vadd.f32 v6, v7;
	v0 =	vadd.f32 v19, v0;
	v7 =	vmul.f32 v44, v26;
	v19 =	vld [tilespmem:$0x1FF10]  }
0x13a: {  	v58 =	vld.idx.msk [tilespmem:v5+s14+$0x0], $0xffff;
	v5 =	vor.u32 $0x20, v14  }
0x13b: {  	v7 =	vadd.f32 v7, v8;
	v8 =	vld [tilespmem:$0x1FF40]  }
0x13c: {  	v47 =	vmul.f32 v47, v21;
	v39 =	vld.idx.msk [tilespmem:v4+s14+$0x0], $0xffff  }
0x13d: {  	v37 =	vmul.f32 v37, v20;
	v31 =	vld.idx.msk [tilespmem:v3+s14+$0x0], $0xffff;
	v26 =	vmul.f32 v45, v26  }
0x13e: {  	v4 =	vor.u32 $0x1F, v9;
	v3 =	vor.u32 $0x1F, v10;
	v48 =	vld.idx.msk [tilespmem:v43+s14+$0x0], $0xffff;
	v43 =	vmul.f32 v19, v21  }
0x13f: {  	v6 =	vadd.f32 v26, v6;
	v45 =	vld.idx.msk [tilespmem:v5+s14+$0x0], $0xffff;
	v5 =	vadd.f32 v47, v0;
	v47 =	vmul.f32 v40, v21  }
0x140: {  	v0 =	vmul.f32 v42, v21;
	v26 =	vadd.f32 v43, v49;
	v21 =	vmul.f32 v8, v21;
	_ =	sdelay $0x1  }
0x141: {  	v6 =	vadd.f32 v21, v6;
	v21 =	vadd.f32 v37, v26;
	v26 =	vld [tilespmem:$0x1FF50]  }
0x142: {  	v2 =	vor.u32 $0x20, v11  }
0x143: {  	v28 =	vld.idx.msk [tilespmem:v4+s14+$0x0], $0xffff;
	v46 =	vor.u32 $0x20, v10  }
0x144: {  	v27 =	vld.idx.msk [tilespmem:v3+s14+$0x0], $0xffff;
	v3 =	vor.u32 $0x20, v9  }
0x145: {  	v4 =	vor.u32 $0x20, v15;
	v40 =	vld [tilespmem:$0x1FF60]  }
0x146: {  	v37 =	vmul.f32 v26, v20;
	v26 =	vld [tilespmem:$0x1FF70]  }
0x147: {  	v16 =	vld.idx.msk [tilespmem:v2+s13+$0x0], $0xffff;
	v2 =	vor.u32 $0x20, v17  }
0x148: {  	v44 =	vld.idx.msk [tilespmem:v46+s14+$0x0], $0xffff  }
0x149: {  	v52 =	vmul.f32 v52, v20;
	v46 =	vor.u32 $0x21, v9;
	v19 =	vld.idx.msk [tilespmem:v3+s14+$0x0], $0xffff;
	v3 =	vor.u32 $0x21, v11  }
0x14a: {  	v43 =	vld.idx.msk [tilespmem:v4+s14+$0x0], $0xffff;
	v4 =	vor.u32 $0x21, v14;
	v1 =	vadd.f32 v0, v7;
	v0 =	vmul.f32 v40, v20  }
0x14b: {  	v20 =	vmul.f32 v50, v20;
	v5 =	vadd.f32 v37, v5;
	v37 =	vmul.f32 v26, v13  }
0x14c: {  	v42 =	vld.idx.msk [tilespmem:v2+s14+$0x0], $0xffff;
	v49 =	vor.u32 $0x21, v10  }
0x14d: {  	v2 =	vor.u32 $0x21, v15;
	v6 =	vadd.f32 v20, v6;
	v20 =	vadd.f32 v37, v21;
	v21 =	vld [tilespmem:$0x1FF80]  }
0x14e: {  	v8 =	vld.idx.msk [tilespmem:v3+s13+$0x0], $0xffff;
	v3 =	vor.u32 $0x21, v17  }
0x14f: {  	v12 =	vadd.f32 v47, v12;
	v47 =	vld.idx.msk [tilespmem:v46+s14+$0x0], $0xffff;
	v7 =	vor.u32 $0x22, v11  }
0x150: {  	v54 =	vmul.f32 v54, v13;
	v40 =	vld.idx.msk [tilespmem:v4+s14+$0x0], $0xffff;
	v4 =	vor.u32 $0x22, v10  }
0x151: {  	v46 =	vor.u32 $0x22, v9;
	v1 =	vadd.f32 v52, v1;
	v49 =	vld.idx.msk [tilespmem:v49+s14+$0x0], $0xffff;
	v26 =	vmul.f32 v55, v13  }
0x152: {  	v0 =	vadd.f32 v0, v12;
	v50 =	vld.idx.msk [tilespmem:v2+s14+$0x0], $0xffff;
	v37 =	vmul.f32 v53, v13;
	v13 =	vmul.f32 v21, v13  }
0x153: {  	v12 =	vor.u32 $0x22, v15;
	v2 =	vor.u32 $0x22, v14;
	v52 =	vld.idx.msk [tilespmem:v3+s14+$0x0], $0xffff;
	v5 =	vadd.f32 v26, v5  }
0x154: {  	v3 =	vld.idx.msk [tilespmem:v7+s13+$0x0], $0xffff;
	v26 =	vadd.f32 v54, v0;
	v6 =	vadd.f32 v13, v6;
	v13 =	vmul.f32 v41, v18  }
0x155: {  	v7 =	vor.u32 $0x22, v17;
	v53 =	vld.idx.msk [tilespmem:v4+s14+$0x0], $0xffff  }
0x156: {  	v35 =	vmul.f32 v35, v22;
	v4 =	vor.u32 $0x23, v9;
	v13 =	vadd.f32 v13, v26;
	v26 =	vld [tilespmem:$0x1FF90]  }
0x157: {  	v63 =	vmul.f32 v63, v22;
	v30 =	vmul.f32 v30, v23;
	v46 =	vld.idx.msk [tilespmem:v46+s14+$0x0], $0xffff;
	v0 =	vor.u32 $0x23, v10  }
0x158: {  	v38 =	vmul.f32 v38, v23;
	v28 =	vmul.f32 v28, v25;
	v54 =	vld.idx.msk [tilespmem:v2+s14+$0x0], $0xffff  }
0x159: {  	v2 =	vadd.f32 v37, v1;
	v37 =	vld.idx.msk [tilespmem:v12+s14+$0x0], $0xffff;
	v12 =	vor.u32 $0x23, v14;
	v21 =	vmul.f32 v56, v18  }
0x15a: {  	v59 =	vmul.f32 v59, v24;
	v56 =	vmul.f32 v51, v18;
	v51 =	vld.idx.msk [tilespmem:v7+s14+$0x0], $0xffff;
	v7 =	vor.u32 $0x23, v15  }
0x15b: {  	v1 =	vor.u32 $0x23, v17;
	v20 =	vadd.f32 v21, v20;
	v41 =	vld.idx.msk [tilespmem:v4+s14+$0x0], $0xffff;
	v21 =	vmul.f32 v26, v18  }
0x15c: {  	v27 =	vmul.f32 v27, v25;
	v5 =	vadd.f32 v56, v5;
	v4 =	vor.u32 $0x24, v11;
	v56 =	vld.idx.msk [tilespmem:v0+s14+$0x0], $0xffff  }
0x15d: {  	v57 =	vmul.f32 v57, v25;
	v55 =	vor.u32 $0x23, v11;
	v2 =	vadd.f32 v21, v2;
	v21 =	vld [tilespmem:$0x1FFA0]  }
0x15e: {  	v26 =	vmul.f32 v29, v18;
	v29 =	vmul.f32 v36, v22;
	v36 =	vld.idx.msk [tilespmem:v12+s14+$0x0], $0xffff;
	v12 =	vor.u32 $0x24, v10  }
0x15f: {  	v44 =	vmul.f32 v44, v16;
	v42 =	vmul.f32 v42, v16;
	v0 =	vor.u32 $0x24, v9;
	v18 =	vld.idx.msk [tilespmem:v7+s14+$0x0], $0xffff  }
0x160: {  	v47 =	vmul.f32 v47, v8;
	v7 =	vor.u32 $0x24, v14;
	v20 =	vadd.f32 v29, v20;
	v29 =	vld.idx.msk [tilespmem:v1+s14+$0x0], $0xffff  }
0x161: {  	v5 =	vadd.f32 v35, v5;
	v6 =	vadd.f32 v26, v6;
	v1 =	vld.idx.msk [tilespmem:v4+s13+$0x0], $0xffff;
	v4 =	vor.u32 $0x24, v17  }
0x162: {  	v55 =	vld.idx.msk [tilespmem:v55+s13+$0x0], $0xffff;
	v26 =	vor.u32 $0x24, v15;
	v2 =	vadd.f32 v63, v2;
	v21 =	vmul.f32 v21, v22  }
0x163: {  	v20 =	vadd.f32 v30, v20;
	v35 =	vld.idx.msk [tilespmem:v12+s14+$0x0], $0xffff;
	v12 =	vor.u32 $0x25, v9;
	v22 =	vmul.f32 v34, v22  }
0x164: {  	v2 =	vadd.f32 v38, v2;
	v34 =	vld.idx.msk [tilespmem:v0+s14+$0x0], $0xffff;
	v0 =	vor.u32 $0x25, v11;
	v13 =	vadd.f32 v21, v13  }
0x165: {  	v63 =	vadd.f32 v22, v6;
	v22 =	vld.idx.msk [tilespmem:v7+s14+$0x0], $0xffff;
	v7 =	vor.u32 $0x25, v10;
	v6 =	vmul.f32 v62, v23  }
0x166: {  	v21 =	vor.u32 $0x25, v14;
	v62 =	vmul.f32 v33, v23;
	v33 =	vld.idx.msk [tilespmem:v4+s14+$0x0], $0xffff;
	v4 =	vor.u32 $0x25, v15  }
0x167: {  	v30 =	vld.idx.msk [tilespmem:v26+s14+$0x0], $0xffff;
	v23 =	vmul.f32 v60, v23;
	v60 =	vmul.f32 v61, v24;
	v61 =	vor.u32 $0x26, v9  }
0x168: {  	v38 =	vld.idx.msk [tilespmem:v12+s14+$0x0], $0xffff;
	v12 =	vor.u32 $0x26, v11;
	v5 =	vadd.f32 v6, v5;
	v13 =	vadd.f32 v62, v13  }
0x169: {  	v26 =	vadd.f32 v23, v63;
	v20 =	vadd.f32 v60, v20;
	v60 =	vmul.f32 v32, v24;
	v6 =	vld.idx.msk [tilespmem:v0+s13+$0x0], $0xffff  }
0x16a: {  	v62 =	vmul.f32 v58, v25;
	v25 =	vmul.f32 v48, v25;
	v0 =	vor.u32 $0x25, v17;
	v23 =	vld.idx.msk [tilespmem:v7+s14+$0x0], $0xffff  }
0x16b: {  	v7 =	vmul.f32 v39, v24;
	v39 =	vmul.f32 v31, v24;
	v31 =	vld.idx.msk [tilespmem:v21+s14+$0x0], $0xffff;
	v21 =	vor.u32 $0x26, v10  }
0x16c: {  	v63 =	vmul.f32 v19, v16;
	v2 =	vadd.f32 v60, v2;
	v32 =	vld.idx.msk [tilespmem:v4+s14+$0x0], $0xffff;
	v4 =	vor.u32 $0x26, v14  }
0x16d: {  	v58 =	vor.u32 $0x27, v15;
	v60 =	vor.u32 $0x27, v11;
	v20 =	vadd.f32 v28, v20;
	v24 =	vld.idx.msk [tilespmem:v61+s14+$0x0], $0xffff  }
0x16e: {  	v61 =	vor.u32 $0x27, v17;
	v2 =	vadd.f32 v62, v2;
	v5 =	vadd.f32 v7, v5;
	v7 =	vld.idx.msk [tilespmem:v12+s13+$0x0], $0xffff  }
0x16f: {  	v62 =	vmul.f32 v45, v16;
	v45 =	vor.u32 $0x28, v9;
	v13 =	vadd.f32 v39, v13;
	v39 =	vld.idx.msk [tilespmem:v0+s14+$0x0], $0xffff  }
0x170: {  	v59 =	vadd.f32 v59, v26;
	v12 =	vor.u32 $0x26, v17;
	v5 =	vadd.f32 v27, v5;
	v26 =	vld.idx.msk [tilespmem:v21+s14+$0x0], $0xffff  }
0x171: {  	v48 =	vadd.f32 v63, v20;
	v63 =	vmul.f32 v43, v16;
	v13 =	vadd.f32 v57, v13;
	v27 =	vld.idx.msk [tilespmem:v4+s14+$0x0], $0xffff  }
0x172: {  	v25 =	vadd.f32 v25, v59;
	v0 =	vor.u32 $0x26, v15;
	v44 =	vadd.f32 v44, v5;
	v5 =	vld.idx.msk [tilespmem:v58+s14+$0x0], $0xffff  }
0x173: {  	v2 =	vadd.f32 v63, v2;
	v63 =	vor.u32 $0x28, v17;
	v43 =	vadd.f32 v62, v13;
	v13 =	vld.idx.msk [tilespmem:v61+s14+$0x0], $0xffff  }
0x174: {  	v40 =	vmul.f32 v40, v8;
	v25 =	vadd.f32 v42, v25;
	v42 =	vor.u32 $0x29, v14;
	v45 =	vld.idx.msk [tilespmem:v45+s14+$0x0], $0xffff  }
0x175: {  	v50 =	vmul.f32 v50, v8;
	v37 =	vmul.f32 v37, v3;
	v57 =	vor.u32 $0x29, v11;
	v19 =	vld.idx.msk [tilespmem:v12+s14+$0x0], $0xffff  }
0x176: {  	v41 =	vmul.f32 v41, v55;
	v18 =	vmul.f32 v18, v55;
	v21 =	vor.u32 $0x27, v9;
	v12 =	vld.idx.msk [tilespmem:v60+s13+$0x0], $0xffff  }
0x177: {  	v29 =	vmul.f32 v29, v55;
	v35 =	vmul.f32 v35, v1;
	v4 =	vor.u32 $0x27, v10;
	v28 =	vld.idx.msk [tilespmem:v0+s14+$0x0], $0xffff  }
0x178: {  	v34 =	vmul.f32 v34, v1;
	v59 =	vor.u32 $0x28, v11;
	v62 =	vmul.f32 v49, v8;
	v49 =	vld.idx.msk [tilespmem:v63+s14+$0x0], $0xffff  }
0x179: {  	v30 =	vmul.f32 v30, v1;
	v22 =	vmul.f32 v22, v1;
	v60 =	vor.u32 $0x28, v14;
	v42 =	vld.idx.msk [tilespmem:v42+s14+$0x0], $0xffff  }
0x17a: {  	v61 =	vor.u32 $0x28, v15;
	v40 =	vadd.f32 v40, v43;
	v43 =	vadd.f32 v50, v2;
	v2 =	vld.idx.msk [tilespmem:v57+s13+$0x0], $0xffff  }
0x17b: {  	v47 =	vadd.f32 v47, v48;
	v38 =	vmul.f32 v38, v6;
	v0 =	vor.u32 $0x27, v14;
	v20 =	vld.idx.msk [tilespmem:v21+s14+$0x0], $0xffff  }
0x17c: {  	v44 =	vadd.f32 v62, v44;
	v50 =	vor.u32 $0x29, v10;
	v62 =	vmul.f32 v54, v3;
	v21 =	vld.idx.msk [tilespmem:v4+s14+$0x0], $0xffff  }
0x17d: {  	v31 =	vmul.f32 v31, v6;
	v63 =	vor.u32 $0x29, v15;
	v4 =	vld.idx.msk [tilespmem:v59+s13+$0x0], $0xffff;
	v59 =	vmul.f32 v52, v8  }
0x17e: {  	v32 =	vmul.f32 v32, v6;
	v57 =	vor.u32 $0x29, v17;
	v40 =	vadd.f32 v62, v40;
	v8 =	vld.idx.msk [tilespmem:v60+s14+$0x0], $0xffff  }
0x17f: {  	v48 =	vadd.f32 v59, v25;
	v60 =	vmul.f32 v46, v3;
	v25 =	vld.idx.msk [tilespmem:v61+s14+$0x0], $0xffff;
	v59 =	vor.u32 $0x2A, v11  }
0x180: {  	v37 =	vadd.f32 v37, v43;
	v62 =	vmul.f32 v36, v55;
	v16 =	vld.idx.msk [tilespmem:v0+s14+$0x0], $0xffff;
	v0 =	vor.u32 $0x28, v10  }
0x181: {  	v61 =	vmul.f32 v53, v3;
	v43 =	vld.idx.msk [tilespmem:v50+s14+$0x0], $0xffff;
	v50 =	vor.u32 $0x2A, v9;
	v47 =	vadd.f32 v60, v47  }
0x182: {  	v3 =	vmul.f32 v51, v3;
	v40 =	vadd.f32 v62, v40;
	v36 =	vld.idx.msk [tilespmem:v63+s14+$0x0], $0xffff;
	v63 =	vor.u32 $0x2A, v14  }
0x183: {  	v58 =	vor.u32 $0x2A, v15;
	v44 =	vadd.f32 v61, v44;
	v41 =	vadd.f32 v41, v47;
	v47 =	vld.idx.msk [tilespmem:v57+s14+$0x0], $0xffff  }
0x184: {  	v60 =	vmul.f32 v56, v55;
	v61 =	vor.u32 $0x2A, v10;
	v48 =	vadd.f32 v3, v48;
	v3 =	vld.idx.msk [tilespmem:v59+s13+$0x0], $0xffff  }
0x185: {  	v27 =	vmul.f32 v27, v7;
	v18 =	vadd.f32 v18, v37;
	v56 =	vor.u32 $0x2C, v17;
	v52 =	vld.idx.msk [tilespmem:v0+s14+$0x0], $0xffff  }
0x186: {  	v22 =	vadd.f32 v22, v40;
	v55 =	vor.u32 $0x2E, v9;
	v44 =	vadd.f32 v60, v44;
	v50 =	vld.idx.msk [tilespmem:v50+s14+$0x0], $0xffff  }
0x187: {  	v62 =	vor.u32 $0x2B, v10;
	v18 =	vadd.f32 v30, v18;
	v34 =	vadd.f32 v34, v41;
	v41 =	vld.idx.msk [tilespmem:v63+s14+$0x0], $0xffff  }
0x188: {  	v28 =	vmul.f32 v28, v7;
	v57 =	vor.u32 $0x2B, v15;
	v35 =	vadd.f32 v35, v44;
	v44 =	vld.idx.msk [tilespmem:v58+s14+$0x0], $0xffff  }
0x189: {  	v22 =	vadd.f32 v31, v22;
	v18 =	vadd.f32 v32, v18;
	v59 =	vor.u32 $0x2A, v17;
	v37 =	vld.idx.msk [tilespmem:v61+s14+$0x0], $0xffff  }
0x18a: {  	v23 =	vmul.f32 v23, v6;
	v5 =	vmul.f32 v5, v12;
	v53 =	vor.u32 $0x2F, v10;
	v30 =	vld.idx.msk [tilespmem:v56+s14+$0x0], $0xffff  }
0x18b: {  	v0 =	vor.u32 $0x29, v9;
	v22 =	vadd.f32 v27, v22;
	v18 =	vadd.f32 v28, v18;
	v27 =	vld.idx.msk [tilespmem:v55+s14+$0x0], $0xffff  }
0x18c: {  	v60 =	vor.u32 $0x2B, v11;
	v25 =	vmul.f32 v25, v4;
	v34 =	vadd.f32 v38, v34;
	v38 =	vld.idx.msk [tilespmem:v62+s14+$0x0], $0xffff  }
0x18d: {  	v63 =	vor.u32 $0x2B, v14;
	v23 =	vadd.f32 v23, v35;
	v5 =	vadd.f32 v5, v18;
	v35 =	vld.idx.msk [tilespmem:v57+s14+$0x0], $0xffff  }
0x18e: {  	v1 =	vmul.f32 v33, v1;
	v58 =	vor.u32 $0x2B, v17;
	v33 =	vld.idx.msk [tilespmem:v59+s14+$0x0], $0xffff  }
0x18f: {  	v61 =	vor.u32 $0x2B, v9;
	v5 =	vadd.f32 v25, v5;
	v25 =	vld.idx.msk [tilespmem:v53+s14+$0x0], $0xffff  }
0x190: {  	v62 =	vor.u32 $0x2C, v14;
	v46 =	vld.idx.msk [tilespmem:v0+s14+$0x0], $0xffff  }
0x191: {  	v57 =	vor.u32 $0x2D, v11;
	v0 =	vld.idx.msk [tilespmem:v60+s13+$0x0], $0xffff  }
0x192: {  	v29 =	vadd.f32 v29, v48;
	v59 =	vor.u32 $0x2C, v11;
	v51 =	vld.idx.msk [tilespmem:v63+s14+$0x0], $0xffff  }
0x193: {  	v26 =	vmul.f32 v26, v7;
	v60 =	vor.u32 $0x2C, v9;
	v31 =	vld.idx.msk [tilespmem:v58+s14+$0x0], $0xffff  }
0x194: {  	v1 =	vadd.f32 v1, v29;
	v63 =	vor.u32 $0x2C, v15;
	v29 =	vld.idx.msk [tilespmem:v61+s14+$0x0], $0xffff  }
0x195: {  	v6 =	vmul.f32 v39, v6;
	v23 =	vadd.f32 v26, v23;
	v58 =	vor.u32 $0x2D, v9;
	v26 =	vld.idx.msk [tilespmem:v62+s14+$0x0], $0xffff  }
0x196: {  	v61 =	vor.u32 $0x2C, v10;
	v62 =	vmul.f32 v16, v12;
	v16 =	vld.idx.msk [tilespmem:v57+s13+$0x0], $0xffff  }
0x197: {  	v24 =	vmul.f32 v24, v7;
	v54 =	vor.u32 $0x2E, v11;
	v6 =	vadd.f32 v6, v1;
	v1 =	vld.idx.msk [tilespmem:v59+s13+$0x0], $0xffff  }
0x198: {  	v21 =	vmul.f32 v21, v12;
	v55 =	vor.u32 $0x2F, v14;
	v40 =	vld.idx.msk [tilespmem:v60+s14+$0x0], $0xffff  }
0x199: {  	v7 =	vmul.f32 v19, v7;
	v24 =	vadd.f32 v24, v34;
	v57 =	vor.u32 $0x2E, v10;
	v19 =	vld.idx.msk [tilespmem:v63+s14+$0x0], $0xffff  }
0x19a: {  	v21 =	vadd.f32 v21, v23;
	v59 =	vor.u32 $0x2D, v10;
	v23 =	vld.idx.msk [tilespmem:v58+s14+$0x0], $0xffff;
	v58 =	vmul.f32 v52, v4  }
0x19b: {  	v6 =	vadd.f32 v7, v6;
	v7 =	vadd.f32 v62, v22;
	v62 =	vor.u32 $0x2E, v17;
	v34 =	vld.idx.msk [tilespmem:v61+s14+$0x0], $0xffff  }
0x19c: {  	v42 =	vmul.f32 v42, v2;
	v60 =	vor.u32 $0x2D, v14;
	v18 =	vadd.f32 v58, v21;
	v21 =	vld.idx.msk [tilespmem:v54+s13+$0x0], $0xffff  }
0x19d: {  	v20 =	vmul.f32 v20, v12;
	v63 =	vor.u32 $0x2D, v17;
	v54 =	vmul.f32 v43, v2;
	v43 =	vld.idx.msk [tilespmem:v55+s14+$0x0], $0xffff  }
0x19e: {  	v36 =	vmul.f32 v36, v2;
	v56 =	vmul.f32 v45, v4;
	v52 =	vor.u32 $0x2F, v9;
	v45 =	vld.idx.msk [tilespmem:v57+s14+$0x0], $0xffff  }
0x19f: {  	v8 =	vmul.f32 v8, v4;
	v12 =	vmul.f32 v13, v12;
	v61 =	vor.u32 $0x2D, v15;
	v22 =	vld.idx.msk [tilespmem:v59+s14+$0x0], $0xffff  }
0x1a0: {  	v20 =	vadd.f32 v20, v24;
	v5 =	vadd.f32 v36, v5;
	v57 =	vor.u32 $0x2F, v17;
	v24 =	vld.idx.msk [tilespmem:v62+s14+$0x0], $0xffff  }
0x1a1: {  	v37 =	vmul.f32 v37, v3;
	v6 =	vadd.f32 v12, v6;
	v59 =	vor.u32 $0x2E, v14;
	v28 =	vld.idx.msk [tilespmem:v60+s14+$0x0], $0xffff  }
0x1a2: {  	v4 =	vmul.f32 v49, v4;
	v49 =	vmul.f32 v46, v2;
	v13 =	vld.idx.msk [tilespmem:v63+s14+$0x0], $0xffff;
	v63 =	vor.u32 $0x2F, v11  }
0x1a3: {  	v12 =	vadd.f32 v54, v18;
	v60 =	vadd.f32 v56, v20;
	v56 =	vor.u32 $0x2F, v15;
	v36 =	vld.idx.msk [tilespmem:v52+s14+$0x0], $0xffff  }
0x1a4: {  	v7 =	vadd.f32 v8, v7;
	v4 =	vadd.f32 v4, v6;
	v52 =	vor.u32 $0x30, v17;
	v32 =	vld.idx.msk [tilespmem:v61+s14+$0x0], $0xffff  }
0x1a5: {  	v2 =	vmul.f32 v47, v2;
	v61 =	vor.u32 $0x2E, v15;
	v12 =	vadd.f32 v37, v12;
	v37 =	vld.idx.msk [tilespmem:v57+s14+$0x0], $0xffff  }
0x1a6: {  	v41 =	vmul.f32 v41, v3;
	v38 =	vmul.f32 v38, v0;
	v58 =	vor.u32 $0x30, v11;
	v6 =	vld.idx.msk [tilespmem:v59+s14+$0x0], $0xffff  }
0x1a7: {  	v47 =	vor.u32 $0x32, v11;
	v7 =	vadd.f32 v42, v7;
	v2 =	vadd.f32 v2, v4;
	v18 =	vld.idx.msk [tilespmem:v63+s13+$0x0], $0xffff  }
0x1a8: {  	v62 =	vmul.f32 v44, v3;
	v8 =	vadd.f32 v49, v60;
	v60 =	vor.u32 $0x30, v9;
	v44 =	vld.idx.msk [tilespmem:v56+s14+$0x0], $0xffff  }
0x1a9: {  	v49 =	vor.u32 $0x32, v9;
	v59 =	vmul.f32 v50, v3;
	v3 =	vmul.f32 v33, v3;
	v33 =	vld.idx.msk [tilespmem:v52+s14+$0x0], $0xffff  }
0x1aa: {  	v54 =	vmul.f32 v51, v0;
	v7 =	vadd.f32 v41, v7;
	v50 =	vor.u32 $0x30, v15;
	v20 =	vld.idx.msk [tilespmem:v61+s14+$0x0], $0xffff  }
0x1ab: {  	v55 =	vor.u32 $0x31, v9;
	v63 =	vor.u32 $0x30, v14;
	v4 =	vadd.f32 v59, v8;
	v8 =	vld.idx.msk [tilespmem:v58+s13+$0x0], $0xffff  }
0x1ac: {  	v2 =	vadd.f32 v3, v2;
	v3 =	vadd.f32 v54, v7;
	v54 =	vmul.f32 v22, v16;
	v22 =	vld.idx.msk [tilespmem:v47+s13+$0x0], $0xffff  }
0x1ad: {  	v29 =	vmul.f32 v29, v0;
	v48 =	vmul.f32 v26, v1;
	v56 =	vor.u32 $0x31, v10;
	v41 =	vld.idx.msk [tilespmem:v60+s14+$0x0], $0xffff  }
0x1ae: {  	v12 =	vadd.f32 v38, v12;
	v57 =	vmul.f32 v35, v0;
	v52 =	vor.u32 $0x32, v14;
	v38 =	vld.idx.msk [tilespmem:v49+s14+$0x0], $0xffff  }
0x1af: {  	v61 =	vor.u32 $0x30, v10;
	v59 =	vmul.f32 v40, v1;
	v4 =	vadd.f32 v29, v4;
	v35 =	vld.idx.msk [tilespmem:v50+s14+$0x0], $0xffff  }
0x1b0: {  	v53 =	vor.u32 $0x31, v11;
	v28 =	vmul.f32 v28, v16;
	v29 =	vld.idx.msk [tilespmem:v63+s14+$0x0], $0xffff  }
0x1b1: {  	v58 =	vor.u32 $0x31, v14;
	v3 =	vadd.f32 v48, v3;
	v63 =	vadd.f32 v59, v4;
	v4 =	vld.idx.msk [tilespmem:v55+s14+$0x0], $0xffff  }
0x1b2: {  	v19 =	vmul.f32 v19, v1;
	v5 =	vadd.f32 v62, v5;
	v60 =	vor.u32 $0x31, v15;
	v26 =	vld.idx.msk [tilespmem:v56+s14+$0x0], $0xffff  }
0x1b3: {  	v51 =	vmul.f32 v23, v16;
	v62 =	vor.u32 $0x31, v17;
	v3 =	vadd.f32 v28, v3;
	v28 =	vld.idx.msk [tilespmem:v52+s14+$0x0], $0xffff  }
0x1b4: {  	v0 =	vmul.f32 v31, v0;
	v5 =	vadd.f32 v57, v5;
	v48 =	vor.u32 $0x34, v11;
	v46 =	vld.idx.msk [tilespmem:v61+s14+$0x0], $0xffff  }
0x1b5: {  	v57 =	vmul.f32 v13, v16;
	v50 =	vor.u32 $0x32, v10;
	v61 =	vmul.f32 v34, v1;
	v34 =	vld.idx.msk [tilespmem:v53+s13+$0x0], $0xffff  }
0x1b6: {  	v0 =	vadd.f32 v0, v2;
	v55 =	vor.u32 $0x32, v17;
	v1 =	vmul.f32 v30, v1;
	v30 =	vld.idx.msk [tilespmem:v58+s14+$0x0], $0xffff  }
0x1b7: {  	v32 =	vmul.f32 v32, v16;
	v5 =	vadd.f32 v19, v5;
	v56 =	vor.u32 $0x33, v11;
	v23 =	vld.idx.msk [tilespmem:v60+s14+$0x0], $0xffff  }
0x1b8: {  	v47 =	vor.u32 $0x33, v17;
	v59 =	vor.u32 $0x33, v10;
	v0 =	vadd.f32 v1, v0;
	v1 =	vld.idx.msk [tilespmem:v62+s14+$0x0], $0xffff  }
0x1b9: {  	v49 =	vmul.f32 v24, v21;
	v5 =	vadd.f32 v32, v5;
	v52 =	vor.u32 $0x34, v10;
	v16 =	vld.idx.msk [tilespmem:v48+s13+$0x0], $0xffff  }
0x1ba: {  	v6 =	vmul.f32 v6, v21;
	v25 =	vmul.f32 v25, v18;
	v53 =	vor.u32 $0x32, v15;
	v13 =	vld.idx.msk [tilespmem:v50+s14+$0x0], $0xffff  }
0x1bb: {  	v58 =	vor.u32 $0x33, v9;
	v2 =	vadd.f32 v51, v63;
	v60 =	vmul.f32 v27, v21;
	v31 =	vld.idx.msk [tilespmem:v55+s14+$0x0], $0xffff  }
0x1bc: {  	v63 =	vor.u32 $0x33, v15;
	v62 =	vmul.f32 v45, v21;
	v45 =	vmul.f32 v20, v21;
	v20 =	vld.idx.msk [tilespmem:v56+s13+$0x0], $0xffff  }
0x1bd: {  	v3 =	vadd.f32 v6, v3;
	v7 =	vadd.f32 v61, v12;
	v61 =	vor.u32 $0x33, v14;
	v21 =	vld.idx.msk [tilespmem:v59+s14+$0x0], $0xffff  }
0x1be: {  	v51 =	vmul.f32 v36, v18;
	v2 =	vadd.f32 v60, v2;
	v50 =	vor.u32 $0x34, v9;
	v36 =	vld.idx.msk [tilespmem:v52+s14+$0x0], $0xffff  }
0x1bf: {  	v35 =	vmul.f32 v35, v8;
	v7 =	vadd.f32 v54, v7;
	v0 =	vadd.f32 v57, v0;
	v19 =	vld.idx.msk [tilespmem:v53+s14+$0x0], $0xffff  }
0x1c0: {  	v5 =	vadd.f32 v45, v5;
	v54 =	vor.u32 $0x34, v14;
	v55 =	vor.u32 $0x34, v15;
	v6 =	vld.idx.msk [tilespmem:v58+s14+$0x0], $0xffff  }
0x1c1: {  	v56 =	vmul.f32 v44, v18;
	v57 =	vor.u32 $0x34, v17;
	v7 =	vadd.f32 v62, v7;
	v39 =	vld.idx.msk [tilespmem:v63+s14+$0x0], $0xffff  }
0x1c2: {  	v59 =	vor.u32 $0x35, v11;
	v44 =	vor.u32 $0x35, v14;
	v53 =	vmul.f32 v43, v18;
	v27 =	vld.idx.msk [tilespmem:v61+s14+$0x0], $0xffff  }
0x1c3: {  	v18 =	vmul.f32 v37, v18;
	v0 =	vadd.f32 v49, v0;
	v7 =	vadd.f32 v25, v7;
	v25 =	vld.idx.msk [tilespmem:v47+s14+$0x0], $0xffff  }
0x1c4: {  	v45 =	vor.u32 $0x35, v15;
	v52 =	vor.u32 $0x36, v15;
	v28 =	vmul.f32 v28, v22;
	v24 =	vld.idx.msk [tilespmem:v50+s14+$0x0], $0xffff  }
0x1c5: {  	v60 =	vmul.f32 v46, v8;
	v46 =	vor.u32 $0x35, v17;
	v0 =	vadd.f32 v18, v0;
	v18 =	vld.idx.msk [tilespmem:v54+s14+$0x0], $0xffff  }
0x1c6: {  	v2 =	vadd.f32 v51, v2;
	v5 =	vadd.f32 v56, v5;
	v63 =	vmul.f32 v29, v8;
	v29 =	vld.idx.msk [tilespmem:v55+s14+$0x0], $0xffff  }
0x1c7: {  	v58 =	vmul.f32 v41, v8;
	v62 =	vor.u32 $0x35, v10;
	v8 =	vmul.f32 v33, v8;
	v33 =	vld.idx.msk [tilespmem:v57+s14+$0x0], $0xffff  }
0x1c8: {  	v49 =	vor.u32 $0x36, v9;
	v23 =	vmul.f32 v23, v34;
	v5 =	vadd.f32 v35, v5;
	v12 =	vld.idx.msk [tilespmem:v59+s13+$0x0], $0xffff  }
0x1c9: {  	v4 =	vmul.f32 v4, v34;
	v3 =	vadd.f32 v53, v3;
	v61 =	vor.u32 $0x35, v9;
	v32 =	vld.idx.msk [tilespmem:v44+s14+$0x0], $0xffff  }
0x1ca: {  	v53 =	vmul.f32 v38, v22;
	v13 =	vmul.f32 v13, v22;
	v5 =	vadd.f32 v23, v5;
	v23 =	vld.idx.msk [tilespmem:v46+s14+$0x0], $0xffff  }
0x1cb: {  	v47 =	vor.u32 $0x36, v11;
	v59 =	vmul.f32 v31, v22;
	v56 =	vmul.f32 v19, v22;
	v22 =	vld.idx.msk [tilespmem:v52+s14+$0x0], $0xffff  }
0x1cc: {  	v48 =	vmul.f32 v26, v34;
	v30 =	vmul.f32 v30, v34;
	v50 =	vor.u32 $0x36, v10;
	v26 =	vld.idx.msk [tilespmem:v62+s14+$0x0], $0xffff  }
0x1cd: {  	v2 =	vadd.f32 v58, v2;
	v58 =	vor.u32 $0x37, v10;
	v7 =	vadd.f32 v60, v7;
	v37 =	vld.idx.msk [tilespmem:v49+s14+$0x0], $0xffff  }
0x1ce: {  	v51 =	vor.u32 $0x36, v14;
	v3 =	vadd.f32 v63, v3;
	v0 =	vadd.f32 v8, v0;
	v8 =	vld.idx.msk [tilespmem:v61+s14+$0x0], $0xffff  }
0x1cf: {  	v2 =	vadd.f32 v4, v2;
	v54 =	vor.u32 $0x36, v17;
	v4 =	vadd.f32 v48, v7;
	v7 =	vld.idx.msk [tilespmem:v45+s14+$0x0], $0xffff  }
0x1d0: {  	v42 =	vor.u32 $0x38, v11;
	v55 =	vor.u32 $0x37, v11;
	v3 =	vadd.f32 v30, v3;
	v35 =	vld.idx.msk [tilespmem:v47+s13+$0x0], $0xffff  }
0x1d1: {  	v1 =	vmul.f32 v1, v34;
	v57 =	vor.u32 $0x37, v9;
	v21 =	vmul.f32 v21, v20;
	v19 =	vld.idx.msk [tilespmem:v50+s14+$0x0], $0xffff  }
0x1d2: {  	v63 =	vor.u32 $0x37, v17;
	v44 =	vor.u32 $0x38, v9;
	v3 =	vadd.f32 v28, v3;
	v28 =	vld.idx.msk [tilespmem:v58+s14+$0x0], $0xffff  }
0x1d3: {  	v60 =	vor.u32 $0x37, v14;
	v6 =	vmul.f32 v6, v20;
	v4 =	vadd.f32 v13, v4;
	v13 =	vld.idx.msk [tilespmem:v51+s14+$0x0], $0xffff  }
0x1d4: {  	v46 =	vmul.f32 v36, v16;
	v0 =	vadd.f32 v1, v0;
	v1 =	vadd.f32 v53, v2;
	v31 =	vld.idx.msk [tilespmem:v54+s14+$0x0], $0xffff  }
0x1d5: {  	v43 =	vmul.f32 v39, v20;
	v61 =	vor.u32 $0x37, v15;
	v62 =	vmul.f32 v27, v20;
	v27 =	vld.idx.msk [tilespmem:v55+s13+$0x0], $0xffff  }
0x1d6: {  	v45 =	vor.u32 $0x38, v10;
	v20 =	vmul.f32 v25, v20;
	v1 =	vadd.f32 v6, v1;
	v6 =	vld.idx.msk [tilespmem:v57+s14+$0x0], $0xffff  }
0x1d7: {  	v48 =	vor.u32 $0x38, v15;
	v24 =	vmul.f32 v24, v16;
	v49 =	vmul.f32 v18, v16;
	v18 =	vld.idx.msk [tilespmem:v42+s13+$0x0], $0xffff  }
0x1d8: {  	v0 =	vadd.f32 v59, v0;
	v29 =	vmul.f32 v29, v16;
	v16 =	vmul.f32 v33, v16;
	v33 =	vld.idx.msk [tilespmem:v44+s14+$0x0], $0xffff  }
0x1d9: {  	v2 =	vadd.f32 v56, v5;
	v56 =	vor.u32 $0x39, v14;
	v25 =	vld.idx.msk [tilespmem:v60+s14+$0x0], $0xffff  }
0x1da: {  	v41 =	vor.u32 $0x3A, v14;
	v0 =	vadd.f32 v20, v0;
	v20 =	vld.idx.msk [tilespmem:v63+s14+$0x0], $0xffff  }
0x1db: {  	v47 =	vor.u32 $0x38, v14;
	v34 =	vld.idx.msk [tilespmem:v61+s14+$0x0], $0xffff  }
0x1dc: {  	v50 =	vor.u32 $0x38, v17;
	v52 =	vmul.f32 v8, v12;
	v8 =	vld.idx.msk [tilespmem:v45+s14+$0x0], $0xffff  }
0x1dd: {  	v51 =	vor.u32 $0x39, v11;
	v3 =	vadd.f32 v62, v3;
	v1 =	vadd.f32 v24, v1;
	v24 =	vld.idx.msk [tilespmem:v48+s14+$0x0], $0xffff  }
0x1de: {  	v53 =	vor.u32 $0x39, v9;
	v55 =	vmul.f32 v26, v12;
	v26 =	vld.idx.msk [tilespmem:v56+s14+$0x0], $0xffff  }
0x1df: {  	v2 =	vadd.f32 v43, v2;
	v54 =	vor.u32 $0x39, v10;
	v3 =	vadd.f32 v49, v3;
	v49 =	vld.idx.msk [tilespmem:v41+s14+$0x0], $0xffff  }
0x1e0: {  	v57 =	vor.u32 $0x39, v15;
	v59 =	vor.u32 $0x39, v17;
	v0 =	vadd.f32 v16, v0;
	v16 =	vld.idx.msk [tilespmem:v47+s14+$0x0], $0xffff  }
0x1e1: {  	v4 =	vadd.f32 v21, v4;
	v2 =	vadd.f32 v29, v2;
	v7 =	vmul.f32 v7, v12;
	v21 =	vld.idx.msk [tilespmem:v50+s14+$0x0], $0xffff  }
0x1e2: {  	v32 =	vmul.f32 v32, v12;
	v58 =	vmul.f32 v23, v12;
	v60 =	vor.u32 $0x3A, v11;
	v12 =	vld.idx.msk [tilespmem:v51+s13+$0x0], $0xffff  }
0x1e3: {  	v62 =	vor.u32 $0x3A, v9;
	v2 =	vadd.f32 v7, v2;
	v7 =	vld.idx.msk [tilespmem:v53+s14+$0x0], $0xffff  }
0x1e4: {  	v63 =	vor.u32 $0x3A, v10;
	v29 =	vld.idx.msk [tilespmem:v54+s14+$0x0], $0xffff  }
0x1e5: {  	v43 =	vor.u32 $0x3A, v15;
	v40 =	vmul.f32 v22, v35;
	v22 =	vld.idx.msk [tilespmem:v57+s14+$0x0], $0xffff  }
0x1e6: {  	v45 =	vor.u32 $0x3A, v17;
	v4 =	vadd.f32 v46, v4;
	v42 =	vld.idx.msk [tilespmem:v59+s14+$0x0], $0xffff  }
0x1e7: {  	v38 =	vor.u32 $0x3C, v15;
	v36 =	vor.u32 $0x3C, v14;
	v56 =	vor.u32 $0x3B, v17;
	v23 =	vld.idx.msk [tilespmem:v60+s13+$0x0], $0xffff  }
0x1e8: {  	v19 =	vmul.f32 v19, v35;
	v44 =	vmul.f32 v31, v35;
	v4 =	vadd.f32 v55, v4;
	v31 =	vld.idx.msk [tilespmem:v62+s14+$0x0], $0xffff  }
0x1e9: {  	v48 =	vor.u32 $0x3B, v9;
	v46 =	vor.u32 $0x3B, v11;
	v47 =	vmul.f32 v25, v27;
	v25 =	vld.idx.msk [tilespmem:v63+s14+$0x0], $0xffff  }
0x1ea: {  	v41 =	vor.u32 $0x3D, v11;
	v50 =	vor.u32 $0x3B, v10;
	v4 =	vadd.f32 v19, v4;
	v19 =	vld.idx.msk [tilespmem:v43+s14+$0x0], $0xffff  }
0x1eb: {  	v61 =	vmul.f32 v37, v35;
	v1 =	vadd.f32 v52, v1;
	v3 =	vadd.f32 v32, v3;
	v30 =	vld.idx.msk [tilespmem:v45+s14+$0x0], $0xffff  }
0x1ec: {  	v13 =	vmul.f32 v13, v35;
	v52 =	vor.u32 $0x3B, v14;
	v0 =	vadd.f32 v58, v0;
	v37 =	vld.idx.msk [tilespmem:v56+s14+$0x0], $0xffff  }
0x1ed: {  	v6 =	vmul.f32 v6, v27;
	v54 =	vor.u32 $0x3B, v15;
	v57 =	vor.u32 $0x3C, v11;
	v45 =	vld.idx.msk [tilespmem:v36+s14+$0x0], $0xffff  }
0x1ee: {  	v20 =	vmul.f32 v20, v27;
	v0 =	vadd.f32 v44, v0;
	v55 =	vmul.f32 v8, v18;
	v8 =	vld.idx.msk [tilespmem:v46+s13+$0x0], $0xffff  }
0x1ef: {  	v28 =	vmul.f32 v28, v27;
	v53 =	vmul.f32 v33, v18;
	v32 =	vor.u32 $0x3E, v15;
	v59 =	vld.idx.msk [tilespmem:v50+s14+$0x0], $0xffff  }
0x1f0: {  	v35 =	vor.u32 $0x3E, v17;
	v60 =	vor.u32 $0x3C, v9;
	v0 =	vadd.f32 v20, v0;
	v20 =	vld.idx.msk [tilespmem:v48+s14+$0x0], $0xffff  }
0x1f1: {  	v62 =	vor.u32 $0x3C, v10;
	v1 =	vadd.f32 v61, v1;
	v3 =	vadd.f32 v13, v3;
	v61 =	vld.idx.msk [tilespmem:v52+s14+$0x0], $0xffff  }
0x1f2: {  	v2 =	vadd.f32 v40, v2;
	v51 =	vmul.f32 v34, v27;
	v63 =	vmul.f32 v7, v12;
	v7 =	vld.idx.msk [tilespmem:v54+s14+$0x0], $0xffff  }
0x1f3: {  	v40 =	vor.u32 $0x3C, v17;
	v24 =	vmul.f32 v24, v18;
	v1 =	vadd.f32 v6, v1;
	v27 =	vld.idx.msk [tilespmem:v57+s13+$0x0], $0xffff  }
0x1f4: {  	v44 =	vor.u32 $0x3D, v9;
	v3 =	vadd.f32 v47, v3;
	v2 =	vadd.f32 v51, v2;
	v51 =	vld.idx.msk [tilespmem:v41+s13+$0x0], $0xffff  }
0x1f5: {  	v58 =	vmul.f32 v16, v18;
	v18 =	vmul.f32 v21, v18;
	v46 =	vor.u32 $0x3D, v10;
	v41 =	vld.idx.msk [tilespmem:v32+s14+$0x0], $0xffff  }
0x1f6: {  	v4 =	vadd.f32 v28, v4;
	v39 =	vmul.f32 v29, v12;
	v26 =	vmul.f32 v26, v12;
	v13 =	vld.idx.msk [tilespmem:v35+s14+$0x0], $0xffff  }
0x1f7: {  	v22 =	vmul.f32 v22, v12;
	v42 =	vmul.f32 v42, v12;
	v48 =	vor.u32 $0x3D, v14;
	v28 =	vld.idx.msk [tilespmem:v60+s14+$0x0], $0xffff  }
0x1f8: {  	v52 =	vor.u32 $0x3D, v17;
	v54 =	vor.u32 $0x3E, v11;
	v57 =	vor.u32 $0x3E, v9;
	v43 =	vld.idx.msk [tilespmem:v62+s14+$0x0], $0xffff  }
0x1f9: {  	v11 =	vor.u32 $0x3F, v11;
	v9 =	vor.u32 $0x3F, v9;
	v2 =	vadd.f32 v24, v2;
	v24 =	vld.idx.msk [tilespmem:v38+s14+$0x0], $0xffff  }
0x1fa: {  	v1 =	vadd.f32 v53, v1;
	v3 =	vadd.f32 v58, v3;
	v47 =	vmul.f32 v31, v23;
	v29 =	vld.idx.msk [tilespmem:v40+s14+$0x0], $0xffff  }
0x1fb: {  	v6 =	vmul.f32 v49, v23;
	v49 =	vor.u32 $0x3D, v15;
	v62 =	vor.u32 $0x3E, v14;
	v53 =	vld.idx.msk [tilespmem:v44+s14+$0x0], $0xffff  }
0x1fc: {  	v14 =	vor.u32 $0x3F, v14;
	v15 =	vor.u32 $0x3F, v15;
	v4 =	vadd.f32 v55, v4;
	v56 =	vld.idx.msk [tilespmem:v46+s14+$0x0], $0xffff  }
0x1fd: {  	v0 =	vadd.f32 v18, v0;
	v25 =	vmul.f32 v25, v23;
	v1 =	vadd.f32 v63, v1;
	v58 =	vld.idx.msk [tilespmem:v48+s14+$0x0], $0xffff  }
0x1fe: {  	v3 =	vadd.f32 v26, v3;
	v50 =	vmul.f32 v19, v23;
	v4 =	vadd.f32 v39, v4;
	v63 =	vld.idx.msk [tilespmem:v52+s14+$0x0], $0xffff  }
0x1ff: {  	v55 =	vmul.f32 v30, v23;
	v2 =	vadd.f32 v22, v2;
	v0 =	vadd.f32 v42, v0;
	v34 =	vld.idx.msk [tilespmem:v54+s13+$0x0], $0xffff  }
0x200: {  	v16 =	vmul.f32 v59, v8;
	v59 =	vor.u32 $0x3E, v10;
	v40 =	vmul.f32 v45, v27;
	v45 =	vld.idx.msk [tilespmem:v11+s13+$0x0], $0xffff  }
0x201: {  	v10 =	vor.u32 $0x3F, v10;
	v46 =	vor.u32 $0x3F, v17;
	v1 =	vadd.f32 v47, v1;
	v9 =	vld.idx.msk [tilespmem:v9+s14+$0x0], $0xffff  }
0x202: {  	v3 =	vadd.f32 v6, v3;
	v20 =	vmul.f32 v20, v8;
	v60 =	vmul.f32 v61, v8;
	v61 =	vld.idx.msk [tilespmem:v49+s14+$0x0], $0xffff  }
0x203: {  	v33 =	vmul.f32 v7, v8;
	v8 =	vmul.f32 v37, v8;
	v4 =	vadd.f32 v25, v4;
	v25 =	vld.idx.msk [tilespmem:v57+s14+$0x0], $0xffff  }
0x204: {  	v2 =	vadd.f32 v50, v2;
	v0 =	vadd.f32 v55, v0;
	v36 =	vmul.f32 v28, v27;
	v39 =	vld.idx.msk [tilespmem:v62+s14+$0x0], $0xffff  }
0x205: {  	v37 =	vmul.f32 v43, v27;
	v14 =	vld.idx.msk [tilespmem:v14+s14+$0x0], $0xffff;
	v1 =	vadd.f32 v20, v1;
	v3 =	vadd.f32 v60, v3  }
0x206: {  	v52 =	vld.idx.msk [tilespmem:v15+s14+$0x0], $0xffff;
	v42 =	vmul.f32 v24, v27;
	v43 =	vmul.f32 v29, v27;
	v4 =	vadd.f32 v16, v4  }
0x207: {  	v62 =	vld [tilespmem:$0x1FFE0];
	v2 =	vadd.f32 v33, v2;
	v0 =	vadd.f32 v8, v0;
	v44 =	vmul.f32 v53, v51  }
0x208: {  	v38 =	vld.idx.msk [tilespmem:v59+s14+$0x0], $0xffff;
	v1 =	vadd.f32 v36, v1;
	v3 =	vadd.f32 v40, v3;
	v47 =	vmul.f32 v56, v51  }
0x209: {  	v10 =	vld.idx.msk [tilespmem:v10+s14+$0x0], $0xffff;
	v4 =	vadd.f32 v37, v4;
	v2 =	vadd.f32 v42, v2;
	v48 =	vmul.f32 v58, v51  }
0x20a: {  	v0 =	vadd.f32 v43, v0;
	v16 =	vmul.f32 v63, v51;
	v53 =	vmul.f32 v41, v34;
	v58 =	vld [tilespmem:$0x1FFB0]  }
0x20b: {  	v60 =	vld [tilespmem:$0x1FFC0];
	v9 =	vmul.f32 v9, v45;
	v1 =	vadd.f32 v44, v1;
	v49 =	vmul.f32 v61, v51  }
0x20c: {  	v50 =	vmul.f32 v25, v34;
	v8 =	vmul.f32 v39, v34;
	v61 =	vld [tilespmem:$0x1FFD0];
	v4 =	vadd.f32 v47, v4  }
0x20d: {  	v11 =	vld.idx.msk [tilespmem:v46+s14+$0x0], $0xffff;
	v3 =	vadd.f32 v48, v3;
	v0 =	vadd.f32 v16, v0;
	v51 =	vmul.f32 v38, v34  }
0x20e: {  	v7 =	vmul.f32 v13, v34;
	v63 =	vld [tilespmem:$0x1FFF0];
	v2 =	vadd.f32 v49, v2;
	v1 =	vadd.f32 v50, v1  }
0x20f: {  	v3 =	vadd.f32 v8, v3;
	v54 =	vmul.f32 v10, v45;
	v4 =	vadd.f32 v51, v4  }
0x210: {  	v55 =	vmul.f32 v14, v45;
	v0 =	vadd.f32 v7, v0;
	v1 =	vadd.f32 v9, v1  }
0x211: {  	p0 =	sne.s32 s28, $0x30;
	v56 =	vmul.f32 v52, v45;
	v2 =	vadd.f32 v53, v2;
	v4 =	vadd.f32 v54, v4  }
.Ltmp0:
0x212: {  	v57 =	vmul.f32 v11, v45;
	v3 =	vadd.f32 v55, v3;
	[tilespmem:v58+s24+$0x0] =	vst.idx.msk $0xffff, v1;
	(pc) =	sbr.rel @p0 .LBB2_3-.Ltmp0, $4  }
0x213: {  	v59 =	vadd.f32 v56, v2;
	[tilespmem:v60+s24+$0x0] =	vst.idx.msk $0xffff, v4  }
0x214: {  	v0 =	vadd.f32 v57, v0;
	[tilespmem:v61+s24+$0x0] =	vst.idx.msk $0xffff, v3  }
0x215: {  	[tilespmem:v62+s24+$0x0] =	vst.idx.msk $0xffff, v59  }
0x216: {  	s28 =	sadd.s32 $0x10, s28;
	[tilespmem:v63+s24+$0x0] =	vst.idx.msk $0xffff, v0  }
0x217: {  	s26 =	sadd.s32 $0x1, s26  }
0x218: {  	p0 =	sne.s32 s26, $0x8  }
.Ltmp1:
0x219: {  	s28 =	sadd.s32 s7, s29;
	(pc) =	sbr.rel @p0 .LBB2_2-.Ltmp1, $4  }
0x21a: {  	[hbm4b:s28+s3] =	stream.linear.scatter [tilespmem:s24], [sflag:$0x2], $0x140, $0x38;
	[tilespmem:$0xC380] =	vst v63  }
0x21b: {  	_ =	swait.ge [sflag:s10], $0x140  }
0x21c: {  	[sflag:s10] =	ssyncset.done $0x0  }
0x21d: {  	[sflag:s10] =	ssyncadd.s32 $0xFFFFFEC0  }
0x21e: {  	s25 =	sadd.s32 $0x1, s25  }
0x21f: {  	p0 =	sne.s32 s25, s9  }
.Ltmp2:
0x220: {  	_ = 	snop;
	(pc) =	sbr.rel @p0 .LBB2_1-.Ltmp2, $1  }
0x221: {  	_ =	sdelay $0x3  }
0x222: {  	_ =	sfence.sel $0x180000  }
0x223: {  	[bflag:$0x0] =	sbarrier.arrive $0xFFFF  }
0x224: {  	p0 =	sne.s32 s4, $0x0;
	_ =	strace $0x90000047  }
0x225: {  	s0 =	sadd.s32 @!p0 $0x100000, s0;
	[bflag:$0x2] =	sbarrier.arrive $0xFFFF  }
0x226: {  	[sflag:s0] =	ssyncadd.tile.s32 @!p0 $0x1;
	_ =	shalt  }
.Lfunc_end2:
_tile_overlayer_lowered:
.L_overlay_start_2:
0x227: {  	(tag) =	ssettag $0x2  }
0x228: {  	s0 =	rddreg [dreg:$0x0];
	s2 =	stileid.u32  }
0x229: {  	s1 =	rddreg [dreg:$0x1];
	p0 =	sne.s32 s2, $0x0  }
0x22a: {  	s3 =	rddreg [dreg:$0x2];
	[bflag:$0x3] =	sbarrier.arrive $0xFFFF;
	s2 =	simm.s32 @!p0 $0x1C02  }
0x22b: {  	[timem:s3], [sflag:s2] =	dma.local @!p0 [hbm:s0], s1  }
0x22c: {  	s0 =	simm.s32 @!p0 $0x2  }
0x22d: {  	_ =	swait.ge @!p0 [sflag:s0], s1  }
0x22e: {  	s1 =	ssub.s32 @!p0 $0x0, s1;
	[sflag:s0] =	ssyncset.done @!p0 $0x0  }
0x22f: {  	[sflag:s0] =	ssyncadd.s32 @!p0 s1  }
0x230: {  	[bflag:$0x3] =	sbarrier.arrive $0xFFFF  }
0x231: {  	_ =	shalt  }

</sc_bundles>
